<compile_context>
chip_gen: v7x
topology: tpu7x:2x2x1
jax: 0.10.2.dev20260603
libtpu: 0.0.44.dev20260713+nightly
codegen_flags: <defaults>
</compile_context>

<pallas_src>
import functools

import jax
import jax.numpy as jnp
import numpy as np
from jax import lax
from jax.experimental import pallas as pl
from jax.experimental.pallas import tpu as pltpu
from jax.experimental.pallas import tpu_sc as plsc

D_MODEL = 256
SKU_B, CAT_B, URL_B, PRICE_B, TYPE_B = 65536, 4096, 65536, 128, 8
B, L = 4096, 50
BL = B * L

NUM_CORES = 2
NUM_SUBCORES = 16
NW = NUM_CORES * NUM_SUBCORES
TOK_PER_W = BL // NW
CHUNK = 64
NCHUNK = TOK_PER_W // CHUNK
LANES = 16


def _sc_gather_sum3(ids_sku, ids_cat, ids_url, emb_sku, emb_cat, emb_url):
  mesh = plsc.VectorSubcoreMesh(core_axis_name="c", subcore_axis_name="s")

  @functools.partial(
      pl.kernel,
      out_type=jax.ShapeDtypeStruct((BL, D_MODEL), jnp.float32),
      mesh=mesh,
      scratch_types=[
          pltpu.VMEM((TOK_PER_W,), jnp.int32),
          pltpu.VMEM((TOK_PER_W,), jnp.int32),
          pltpu.VMEM((TOK_PER_W,), jnp.int32),
          pltpu.VMEM((3, CHUNK, D_MODEL), jnp.float32),
          pltpu.VMEM((3, CHUNK, D_MODEL), jnp.float32),
          pltpu.SemaphoreType.DMA,
          pltpu.SemaphoreType.DMA,
      ],
  )
  def k(ids_sku_hbm, ids_cat_hbm, ids_url_hbm, t_sku, t_cat, t_url, out_hbm,
        idx0_v, idx1_v, idx2_v, rows_a, rows_b, sem_a, sem_b):
    wid = lax.axis_index("s") * NUM_CORES + lax.axis_index("c")
    base0 = wid * TOK_PER_W
    pltpu.sync_copy(ids_sku_hbm.at[pl.ds(base0, TOK_PER_W)], idx0_v)
    pltpu.sync_copy(ids_cat_hbm.at[pl.ds(base0, TOK_PER_W)], idx1_v)
    pltpu.sync_copy(ids_url_hbm.at[pl.ds(base0, TOK_PER_W)], idx2_v)

    def issue(c, rows_v, sem):
      off = c * CHUNK
      pltpu.async_copy(t_sku.at[idx0_v.at[pl.ds(off, CHUNK)]],
                       rows_v.at[0], sem)
      pltpu.async_copy(t_cat.at[idx1_v.at[pl.ds(off, CHUNK)]],
                       rows_v.at[1], sem)
      pltpu.async_copy(t_url.at[idx2_v.at[pl.ds(off, CHUNK)]],
                       rows_v.at[2], sem)

    def drain(rows_v, sem):
      for t in range(3):
        pltpu.make_async_copy(out_hbm.at[pl.ds(0, CHUNK)],
                              rows_v.at[t], sem).wait()

    def process(c, rows_v, sem):
      drain(rows_v, sem)

      def sum_tok(i, carry):
        for j in range(D_MODEL // LANES):
          s = (rows_v[0, i, pl.ds(j * LANES, LANES)] +
               rows_v[1, i, pl.ds(j * LANES, LANES)] +
               rows_v[2, i, pl.ds(j * LANES, LANES)])
          rows_v[0, i, pl.ds(j * LANES, LANES)] = s
        return carry

      lax.fori_loop(0, CHUNK, sum_tok, 0)
      pltpu.sync_copy(rows_v.at[0], out_hbm.at[pl.ds(base0 + c * CHUNK, CHUNK)])

    issue(0, rows_a, sem_a)

    def pair_body(i2, carry):
      c0 = i2 * 2

      @pl.when(c0 + 1 < NCHUNK)
      def _():
        issue(c0 + 1, rows_b, sem_b)

      process(c0, rows_a, sem_a)

      @pl.when(c0 + 2 < NCHUNK)
      def _():
        issue(c0 + 2, rows_a, sem_a)

      @pl.when(c0 + 1 < NCHUNK)
      def _():
        process(c0 + 1, rows_b, sem_b)

      return carry

    lax.fori_loop(0, (NCHUNK + 1) // 2, pair_body, 0)

  return k(ids_sku, ids_cat, ids_url, emb_sku, emb_cat, emb_url)


TBLK = 4096
NBLK = BL // TBLK


def _tc_body(acc_ref, q_ref, tid_ref, pid_ref, w_ref, ttab_ref, ptab_ref,
             b_ref, g_ref, bb_ref, o_ref):
  x = acc_ref[...] + jnp.dot(q_ref[...], w_ref[...],
                             preferred_element_type=jnp.float32) + b_ref[...]
  tid = tid_ref[...].reshape(1, TBLK)
  pid = pid_ref[...].reshape(1, TBLK)
  oh_t = (lax.broadcasted_iota(jnp.int32, (TYPE_B, TBLK), 0) == tid
          ).astype(jnp.bfloat16)
  oh_p = (lax.broadcasted_iota(jnp.int32, (PRICE_B, TBLK), 0) == pid
          ).astype(jnp.bfloat16)
  x = x + lax.dot_general(oh_t, ttab_ref[...].astype(jnp.bfloat16),
                          (((0,), (0,)), ((), ())),
                          preferred_element_type=jnp.float32)
  x = x + lax.dot_general(oh_p, ptab_ref[...].astype(jnp.bfloat16),
                          (((0,), (0,)), ((), ())),
                          preferred_element_type=jnp.float32)
  x = 0.5 * x * (1.0 + lax.erf(x * np.float32(0.7071067811865476)))
  mu = jnp.mean(x, axis=-1, keepdims=True)
  d = x - mu
  var = jnp.mean(d * d, axis=-1, keepdims=True)
  o_ref[...] = d * lax.rsqrt(var + np.float32(1e-5)) * g_ref[...] + bb_ref[...]


def _tc_tail(acc, qv, tid, pid, W_q, ttab, ptab, b_q, ln_g, ln_b):
  return pl.pallas_call(
      _tc_body,
      grid=(NBLK,),
      in_specs=[
          pl.BlockSpec((TBLK, D_MODEL), lambda i: (i, 0)),
          pl.BlockSpec((TBLK, 16), lambda i: (i, 0)),
          pl.BlockSpec((1, 1, TBLK), lambda i: (i, 0, 0)),
          pl.BlockSpec((1, 1, TBLK), lambda i: (i, 0, 0)),
          pl.BlockSpec((16, D_MODEL), lambda i: (0, 0)),
          pl.BlockSpec((TYPE_B, D_MODEL), lambda i: (0, 0)),
          pl.BlockSpec((PRICE_B, D_MODEL), lambda i: (0, 0)),
          pl.BlockSpec((1, D_MODEL), lambda i: (0, 0)),
          pl.BlockSpec((1, D_MODEL), lambda i: (0, 0)),
          pl.BlockSpec((1, D_MODEL), lambda i: (0, 0)),
      ],
      out_specs=pl.BlockSpec((TBLK, D_MODEL), lambda i: (i, 0)),
      out_shape=jax.ShapeDtypeStruct((BL, D_MODEL), jnp.float32),
  )(acc, qv, tid, pid, W_q, ttab, ptab, b_q, ln_g, ln_b)


def kernel(type_id, sku_id, cat_id, price_id, url_id, query_vec,
           emb_type, emb_sku, emb_cat, emb_url, emb_price,
           W_q, b_q, ln_g, ln_b):
  acc = _sc_gather_sum3((sku_id.astype(jnp.int32) % SKU_B).reshape(-1),
                        (cat_id.astype(jnp.int32) % CAT_B).reshape(-1),
                        (url_id.astype(jnp.int32) % URL_B).reshape(-1),
                        emb_sku, emb_cat, emb_url)
  qv = query_vec.reshape(BL, 16)
  tid = (type_id.astype(jnp.int32) % TYPE_B).reshape(NBLK, 1, TBLK)
  pid = (price_id.astype(jnp.int32) % PRICE_B).reshape(NBLK, 1, TBLK)
  out = _tc_tail(acc, qv, tid, pid, W_q, emb_type, emb_price,
                 b_q.reshape(1, D_MODEL), ln_g.reshape(1, D_MODEL),
                 ln_b.reshape(1, D_MODEL))
  return out.reshape(B, L, D_MODEL)

# --- scband reference (transcript-rebuilt; emitter-appended) ---
"""Pipeline reference for scband-event-encoder-2499670966898 (READ-ONLY COPY).

The authoritative reference and input builder live on the scoring server;
editing this copy changes nothing except your own understanding.
"""

import jax, jax.numpy as jnp
import numpy as np

D_MODEL = 256
SKU_B, CAT_B, URL_B, PRICE_B, TYPE_B = 65536, 4096, 65536, 128, 8
B, L = 4096, 50


def setup_inputs(seed: int = 0) -> dict:
    key = jax.random.key(seed)
    ks = jax.random.split(key, 16)
    type_id = jax.random.randint(ks[0], (B, L), 0, TYPE_B, dtype=jnp.int64 if jax.config.jax_enable_x64 else jnp.int32)
    sku_id = jax.random.randint(ks[1], (B, L), 0, SKU_B)
    cat_id = jax.random.randint(ks[2], (B, L), 0, CAT_B)
    price_id = jax.random.randint(ks[3], (B, L), 0, PRICE_B)
    url_id = jax.random.randint(ks[4], (B, L), 0, URL_B)
    query_vec = jax.random.normal(ks[5], (B, L, 16), dtype=jnp.float32)
    emb_type = jax.random.normal(ks[6], (TYPE_B, D_MODEL), dtype=jnp.float32) * 0.02
    emb_sku = jax.random.normal(ks[7], (SKU_B, D_MODEL), dtype=jnp.float32) * 0.02
    emb_cat = jax.random.normal(ks[8], (CAT_B, D_MODEL), dtype=jnp.float32) * 0.02
    emb_url = jax.random.normal(ks[9], (URL_B, D_MODEL), dtype=jnp.float32) * 0.02
    emb_price = jax.random.normal(ks[10], (PRICE_B, D_MODEL), dtype=jnp.float32) * 0.02
    W_q = jax.random.normal(ks[11], (16, D_MODEL), dtype=jnp.float32) * (1.0 / np.sqrt(16.0))
    b_q = jnp.zeros((D_MODEL,), dtype=jnp.float32)
    ln_g = jnp.ones((D_MODEL,), dtype=jnp.float32)
    ln_b = jnp.zeros((D_MODEL,), dtype=jnp.float32)
    return {"type_id": type_id, "sku_id": sku_id, "cat_id": cat_id, "price_id": price_id,
            "url_id": url_id, "query_vec": query_vec, "emb_type": emb_type, "emb_sku": emb_sku,
            "emb_cat": emb_cat, "emb_url": emb_url, "emb_price": emb_price,
            "W_q": W_q, "b_q": b_q, "ln_g": ln_g, "ln_b": ln_b}


def _hash(ids, buckets):
    return jnp.clip(ids % buckets, 0, None)


def _layernorm(x, g, b, eps=1e-5):
    mu = jnp.mean(x, axis=-1, keepdims=True)
    var = jnp.mean((x - mu) ** 2, axis=-1, keepdims=True)
    return (x - mu) / jnp.sqrt(var + eps) * g + b


def reference(type_id, sku_id, cat_id, price_id, url_id, query_vec,
              emb_type, emb_sku, emb_cat, emb_url, emb_price,
              W_q, b_q, ln_g, ln_b):
    x = jnp.take(emb_type, _hash(type_id, TYPE_B), axis=0)
    x = x + jnp.take(emb_sku, _hash(sku_id, SKU_B), axis=0)
    x = x + jnp.take(emb_cat, _hash(cat_id, CAT_B), axis=0)
    x = x + jnp.take(emb_price, _hash(price_id, PRICE_B), axis=0)
    x = x + jnp.take(emb_url, _hash(url_id, URL_B), axis=0)
    x = x + (query_vec @ W_q + b_q)
    x = jax.nn.gelu(x, approximate=False)
    return _layernorm(x, ln_g, ln_b)

if __name__ == "__main__":
    import jax
    _d = setup_inputs()
    print(jax.jit(kernel)(*tuple(_d.values())))

</pallas_src>

<mosaic_0001>
#map = affine_map<(d0, d1) -> (0)>
#map1 = affine_map<(d0, d1) -> (0, 0)>
module attributes {stable_mosaic.version = 14 : i64} {
  func.func @k(%arg0: i32, %arg1: i32, %arg2: memref<204800xi32, #tpu.memory_space<hbm>>, %arg3: memref<204800xi32, #tpu.memory_space<hbm>>, %arg4: memref<204800xi32, #tpu.memory_space<hbm>>, %arg5: memref<65536x256xf32, #tpu.memory_space<hbm>>, %arg6: memref<4096x256xf32, #tpu.memory_space<hbm>>, %arg7: memref<65536x256xf32, #tpu.memory_space<hbm>>, %arg8: memref<204800x256xf32, #tpu.memory_space<hbm>>, %arg9: memref<6400xi32, #tpu.memory_space<vmem>>, %arg10: memref<6400xi32, #tpu.memory_space<vmem>>, %arg11: memref<6400xi32, #tpu.memory_space<vmem>>, %arg12: memref<3x64x256xf32, #tpu.memory_space<vmem>>, %arg13: memref<3x64x256xf32, #tpu.memory_space<vmem>>, %arg14: memref<!tpu.dma_semaphore, #tpu.memory_space<semaphore_mem>>, %arg15: memref<!tpu.dma_semaphore, #tpu.memory_space<semaphore_mem>>) attributes {dimension_semantics = [#tpu.dimension_semantics<core_parallel>, #tpu.dimension_semantics<subcore_parallel>], iteration_bounds = array<i64: 2, 16>, scalar_prefetch = 0 : i64, scratch_operands = 7 : i64, tpu.core_type = #tpu.core_type<sc_vector_subcore>, window_params = [{transform_indices = #map}, {transform_indices = #map}, {transform_indices = #map}, {transform_indices = #map1}, {transform_indices = #map1}, {transform_indices = #map1}, {transform_indices = #map1}]} {
    %mul3A = arith.constant 2 : i32
    %mul3A_0 = arith.muli %arg1, %mul3A : i32
    %add3A = arith.addi %mul3A_0, %arg0 : i32
    %mul3A_1 = arith.constant 6400 : i32
    %mul3A_2 = arith.muli %add3A, %mul3A_1 : i32
    "tpu.region"() ({
      %run_scoped3A = tpu.sem_alloc : memref<!tpu.dma_semaphore, #tpu.memory_space<semaphore_mem>>
      %dma_start3A_37 = tpu.memref_slice %arg2[%mul3A_2] : memref<204800xi32, #tpu.memory_space<hbm>> -> memref<6400xi32, #tpu.memory_space<hbm>>
      %dma_start3A_38 = tpu.memref_slice %arg2[%mul3A_2] : memref<204800xi32, #tpu.memory_space<hbm>> -> memref<6400xi32, #tpu.memory_space<hbm>>
      tpu.enqueue_dma source(%dma_start3A_38 : memref<6400xi32, #tpu.memory_space<hbm>>) target(%arg9 : memref<6400xi32, #tpu.memory_space<vmem>>) target_semaphore(%run_scoped3A : memref<!tpu.dma_semaphore, #tpu.memory_space<semaphore_mem>>)
      %dma_wait3A = tpu.memref_slice %arg2[%mul3A_2] : memref<204800xi32, #tpu.memory_space<hbm>> -> memref<6400xi32, #tpu.memory_space<hbm>>
      %dma_wait3A_39 = tpu.memref_slice %arg2[%mul3A_2] : memref<204800xi32, #tpu.memory_space<hbm>> -> memref<6400xi32, #tpu.memory_space<hbm>>
      tpu.wait_dma2 semaphore(%run_scoped3A : memref<!tpu.dma_semaphore, #tpu.memory_space<semaphore_mem>>) src(%dma_wait3A_39 : memref<6400xi32, #tpu.memory_space<hbm>>) dst(%arg9 : memref<6400xi32, #tpu.memory_space<vmem>>)
      tpu.yield
    }) : () -> ()
    "tpu.region"() ({
      %run_scoped3A = tpu.sem_alloc : memref<!tpu.dma_semaphore, #tpu.memory_space<semaphore_mem>>
      %dma_start3A_37 = tpu.memref_slice %arg3[%mul3A_2] : memref<204800xi32, #tpu.memory_space<hbm>> -> memref<6400xi32, #tpu.memory_space<hbm>>
      %dma_start3A_38 = tpu.memref_slice %arg3[%mul3A_2] : memref<204800xi32, #tpu.memory_space<hbm>> -> memref<6400xi32, #tpu.memory_space<hbm>>
      tpu.enqueue_dma source(%dma_start3A_38 : memref<6400xi32, #tpu.memory_space<hbm>>) target(%arg10 : memref<6400xi32, #tpu.memory_space<vmem>>) target_semaphore(%run_scoped3A : memref<!tpu.dma_semaphore, #tpu.memory_space<semaphore_mem>>)
      %dma_wait3A = tpu.memref_slice %arg3[%mul3A_2] : memref<204800xi32, #tpu.memory_space<hbm>> -> memref<6400xi32, #tpu.memory_space<hbm>>
      %dma_wait3A_39 = tpu.memref_slice %arg3[%mul3A_2] : memref<204800xi32, #tpu.memory_space<hbm>> -> memref<6400xi32, #tpu.memory_space<hbm>>
      tpu.wait_dma2 semaphore(%run_scoped3A : memref<!tpu.dma_semaphore, #tpu.memory_space<semaphore_mem>>) src(%dma_wait3A_39 : memref<6400xi32, #tpu.memory_space<hbm>>) dst(%arg10 : memref<6400xi32, #tpu.memory_space<vmem>>)
      tpu.yield
    }) : () -> ()
    "tpu.region"() ({
      %run_scoped3A = tpu.sem_alloc : memref<!tpu.dma_semaphore, #tpu.memory_space<semaphore_mem>>
      %dma_start3A_37 = tpu.memref_slice %arg4[%mul3A_2] : memref<204800xi32, #tpu.memory_space<hbm>> -> memref<6400xi32, #tpu.memory_space<hbm>>
      %dma_start3A_38 = tpu.memref_slice %arg4[%mul3A_2] : memref<204800xi32, #tpu.memory_space<hbm>> -> memref<6400xi32, #tpu.memory_space<hbm>>
      tpu.enqueue_dma source(%dma_start3A_38 : memref<6400xi32, #tpu.memory_space<hbm>>) target(%arg11 : memref<6400xi32, #tpu.memory_space<vmem>>) target_semaphore(%run_scoped3A : memref<!tpu.dma_semaphore, #tpu.memory_space<semaphore_mem>>)
      %dma_wait3A = tpu.memref_slice %arg4[%mul3A_2] : memref<204800xi32, #tpu.memory_space<hbm>> -> memref<6400xi32, #tpu.memory_space<hbm>>
      %dma_wait3A_39 = tpu.memref_slice %arg4[%mul3A_2] : memref<204800xi32, #tpu.memory_space<hbm>> -> memref<6400xi32, #tpu.memory_space<hbm>>
      tpu.wait_dma2 semaphore(%run_scoped3A : memref<!tpu.dma_semaphore, #tpu.memory_space<semaphore_mem>>) src(%dma_wait3A_39 : memref<6400xi32, #tpu.memory_space<hbm>>) dst(%arg11 : memref<6400xi32, #tpu.memory_space<vmem>>)
      tpu.yield
    }) : () -> ()
    %dma_start3A = arith.constant 0 : i32
    %dma_start3A_3 = arith.constant 0 : i32
    %dma_start3A_4 = arith.constant 0 : i32
    %dma_start3A_5 = tpu.memref_slice %arg12[%dma_start3A, %dma_start3A_3, %dma_start3A_4] : memref<3x64x256xf32, #tpu.memory_space<vmem>> -> memref<1x64x256xf32, #tpu.memory_space<vmem>>
    %dma_start3A_6 = tpu.memref_squeeze %dma_start3A_5 : memref<1x64x256xf32, #tpu.memory_space<vmem>> -> memref<64x256xf32, #tpu.memory_space<vmem>>
    %dma_start3A_7 = arith.constant 0 : i32
    %dma_start3A_8 = tpu.memref_slice %arg9[%dma_start3A_7] : memref<6400xi32, #tpu.memory_space<vmem>> -> memref<64xi32, #tpu.memory_space<vmem>>
    %dma_start3A_9 = arith.constant 0 : i32
    %dma_start3A_10 = arith.constant 0 : i32
    %dma_start3A_11 = tpu.memref_slice %arg5[%dma_start3A_9, %dma_start3A_10] : memref<65536x256xf32, #tpu.memory_space<hbm>> -> memref<65536x256xf32, #tpu.memory_space<hbm>>
    tpu.enqueue_indirect_dma source(%dma_start3A_11 : memref<65536x256xf32, #tpu.memory_space<hbm>>) target(%dma_start3A_6 : memref<64x256xf32, #tpu.memory_space<vmem>>) offsets(%dma_start3A_8 : memref<64xi32, #tpu.memory_space<vmem>>) semaphore(%arg14 : memref<!tpu.dma_semaphore, #tpu.memory_space<semaphore_mem>>)
    %dma_start3A_12 = arith.constant 1 : i32
    %dma_start3A_13 = arith.constant 0 : i32
    %dma_start3A_14 = arith.constant 0 : i32
    %dma_start3A_15 = tpu.memref_slice %arg12[%dma_start3A_12, %dma_start3A_13, %dma_start3A_14] : memref<3x64x256xf32, #tpu.memory_space<vmem>> -> memref<1x64x256xf32, #tpu.memory_space<vmem>>
    %dma_start3A_16 = tpu.memref_squeeze %dma_start3A_15 : memref<1x64x256xf32, #tpu.memory_space<vmem>> -> memref<64x256xf32, #tpu.memory_space<vmem>>
    %dma_start3A_17 = arith.constant 0 : i32
    %dma_start3A_18 = tpu.memref_slice %arg10[%dma_start3A_17] : memref<6400xi32, #tpu.memory_space<vmem>> -> memref<64xi32, #tpu.memory_space<vmem>>
    %dma_start3A_19 = arith.constant 0 : i32
    %dma_start3A_20 = arith.constant 0 : i32
    %dma_start3A_21 = tpu.memref_slice %arg6[%dma_start3A_19, %dma_start3A_20] : memref<4096x256xf32, #tpu.memory_space<hbm>> -> memref<4096x256xf32, #tpu.memory_space<hbm>>
    tpu.enqueue_indirect_dma source(%dma_start3A_21 : memref<4096x256xf32, #tpu.memory_space<hbm>>) target(%dma_start3A_16 : memref<64x256xf32, #tpu.memory_space<vmem>>) offsets(%dma_start3A_18 : memref<64xi32, #tpu.memory_space<vmem>>) semaphore(%arg14 : memref<!tpu.dma_semaphore, #tpu.memory_space<semaphore_mem>>)
    %dma_start3A_22 = arith.constant 2 : i32
    %dma_start3A_23 = arith.constant 0 : i32
    %dma_start3A_24 = arith.constant 0 : i32
    %dma_start3A_25 = tpu.memref_slice %arg12[%dma_start3A_22, %dma_start3A_23, %dma_start3A_24] : memref<3x64x256xf32, #tpu.memory_space<vmem>> -> memref<1x64x256xf32, #tpu.memory_space<vmem>>
    %dma_start3A_26 = tpu.memref_squeeze %dma_start3A_25 : memref<1x64x256xf32, #tpu.memory_space<vmem>> -> memref<64x256xf32, #tpu.memory_space<vmem>>
    %dma_start3A_27 = arith.constant 0 : i32
    %dma_start3A_28 = tpu.memref_slice %arg11[%dma_start3A_27] : memref<6400xi32, #tpu.memory_space<vmem>> -> memref<64xi32, #tpu.memory_space<vmem>>
    %dma_start3A_29 = arith.constant 0 : i32
    %dma_start3A_30 = arith.constant 0 : i32
    %dma_start3A_31 = tpu.memref_slice %arg7[%dma_start3A_29, %dma_start3A_30] : memref<65536x256xf32, #tpu.memory_space<hbm>> -> memref<65536x256xf32, #tpu.memory_space<hbm>>
    tpu.enqueue_indirect_dma source(%dma_start3A_31 : memref<65536x256xf32, #tpu.memory_space<hbm>>) target(%dma_start3A_26 : memref<64x256xf32, #tpu.memory_space<vmem>>) offsets(%dma_start3A_28 : memref<64xi32, #tpu.memory_space<vmem>>) semaphore(%arg14 : memref<!tpu.dma_semaphore, #tpu.memory_space<semaphore_mem>>)
    %scan3A = arith.constant 0 : i32
    %scan3A_32 = arith.constant 0 : i32
    %scan3A_33 = arith.constant 50 : i32
    %scan3A_34 = arith.addi %scan3A_32, %scan3A_33 : i32
    %scan3A_35 = arith.constant 1 : i32
    scf.for %scan3A_37 = %scan3A_32 to %scan3A_34 step %scan3A_35  : i32 {
      %mul3A_38 = arith.constant 2 : i32
      %mul3A_39 = arith.muli %scan3A_37, %mul3A_38 : i32
      %add3A_40 = arith.constant 1 : i32
      %add3A_41 = arith.addi %mul3A_39, %add3A_40 : i32
      %lt3A = arith.constant 100 : i32
      %lt3A_42 = arith.cmpi slt, %add3A_41, %lt3A : i32
      %convert_element_type3A = arith.extui %lt3A_42 : i1 to i32
      %cond3A = arith.constant 0 : i32
      %cond3A_43 = arith.cmpi ne, %convert_element_type3A, %cond3A : i32
      scf.if %cond3A_43 {
        %add3A_111 = arith.constant 1 : i32
        %add3A_112 = arith.addi %mul3A_39, %add3A_111 : i32
        %mul3A_113 = arith.constant 64 : i32
        %mul3A_114 = arith.muli %add3A_112, %mul3A_113 : i32
        %dma_start3A_115 = arith.constant 0 : i32
        %dma_start3A_116 = arith.constant 0 : i32
        %dma_start3A_117 = arith.constant 0 : i32
        %dma_start3A_118 = tpu.memref_slice %arg13[%dma_start3A_115, %dma_start3A_116, %dma_start3A_117] : memref<3x64x256xf32, #tpu.memory_space<vmem>> -> memref<1x64x256xf32, #tpu.memory_space<vmem>>
        %dma_start3A_119 = tpu.memref_squeeze %dma_start3A_118 : memref<1x64x256xf32, #tpu.memory_space<vmem>> -> memref<64x256xf32, #tpu.memory_space<vmem>>
        %dma_start3A_120 = tpu.memref_slice %arg9[%mul3A_114] : memref<6400xi32, #tpu.memory_space<vmem>> -> memref<64xi32, #tpu.memory_space<vmem>>
        %dma_start3A_121 = arith.constant 0 : i32
        %dma_start3A_122 = arith.constant 0 : i32
        %dma_start3A_123 = tpu.memref_slice %arg5[%dma_start3A_121, %dma_start3A_122] : memref<65536x256xf32, #tpu.memory_space<hbm>> -> memref<65536x256xf32, #tpu.memory_space<hbm>>
        tpu.enqueue_indirect_dma source(%dma_start3A_123 : memref<65536x256xf32, #tpu.memory_space<hbm>>) target(%dma_start3A_119 : memref<64x256xf32, #tpu.memory_space<vmem>>) offsets(%dma_start3A_120 : memref<64xi32, #tpu.memory_space<vmem>>) semaphore(%arg15 : memref<!tpu.dma_semaphore, #tpu.memory_space<semaphore_mem>>)
        %dma_start3A_124 = arith.constant 1 : i32
        %dma_start3A_125 = arith.constant 0 : i32
        %dma_start3A_126 = arith.constant 0 : i32
        %dma_start3A_127 = tpu.memref_slice %arg13[%dma_start3A_124, %dma_start3A_125, %dma_start3A_126] : memref<3x64x256xf32, #tpu.memory_space<vmem>> -> memref<1x64x256xf32, #tpu.memory_space<vmem>>
        %dma_start3A_128 = tpu.memref_squeeze %dma_start3A_127 : memref<1x64x256xf32, #tpu.memory_space<vmem>> -> memref<64x256xf32, #tpu.memory_space<vmem>>
        %dma_start3A_129 = tpu.memref_slice %arg10[%mul3A_114] : memref<6400xi32, #tpu.memory_space<vmem>> -> memref<64xi32, #tpu.memory_space<vmem>>
        %dma_start3A_130 = arith.constant 0 : i32
        %dma_start3A_131 = arith.constant 0 : i32
        %dma_start3A_132 = tpu.memref_slice %arg6[%dma_start3A_130, %dma_start3A_131] : memref<4096x256xf32, #tpu.memory_space<hbm>> -> memref<4096x256xf32, #tpu.memory_space<hbm>>
        tpu.enqueue_indirect_dma source(%dma_start3A_132 : memref<4096x256xf32, #tpu.memory_space<hbm>>) target(%dma_start3A_128 : memref<64x256xf32, #tpu.memory_space<vmem>>) offsets(%dma_start3A_129 : memref<64xi32, #tpu.memory_space<vmem>>) semaphore(%arg15 : memref<!tpu.dma_semaphore, #tpu.memory_space<semaphore_mem>>)
        %dma_start3A_133 = arith.constant 2 : i32
        %dma_start3A_134 = arith.constant 0 : i32
        %dma_start3A_135 = arith.constant 0 : i32
        %dma_start3A_136 = tpu.memref_slice %arg13[%dma_start3A_133, %dma_start3A_134, %dma_start3A_135] : memref<3x64x256xf32, #tpu.memory_space<vmem>> -> memref<1x64x256xf32, #tpu.memory_space<vmem>>
        %dma_start3A_137 = tpu.memref_squeeze %dma_start3A_136 : memref<1x64x256xf32, #tpu.memory_space<vmem>> -> memref<64x256xf32, #tpu.memory_space<vmem>>
        %dma_start3A_138 = tpu.memref_slice %arg11[%mul3A_114] : memref<6400xi32, #tpu.memory_space<vmem>> -> memref<64xi32, #tpu.memory_space<vmem>>
        %dma_start3A_139 = arith.constant 0 : i32
        %dma_start3A_140 = arith.constant 0 : i32
        %dma_start3A_141 = tpu.memref_slice %arg7[%dma_start3A_139, %dma_start3A_140] : memref<65536x256xf32, #tpu.memory_space<hbm>> -> memref<65536x256xf32, #tpu.memory_space<hbm>>
        tpu.enqueue_indirect_dma source(%dma_start3A_141 : memref<65536x256xf32, #tpu.memory_space<hbm>>) target(%dma_start3A_137 : memref<64x256xf32, #tpu.memory_space<vmem>>) offsets(%dma_start3A_138 : memref<64xi32, #tpu.memory_space<vmem>>) semaphore(%arg15 : memref<!tpu.dma_semaphore, #tpu.memory_space<semaphore_mem>>)
      } else {
      }
      %dma_wait3A = arith.constant 0 : i32
      %dma_wait3A_44 = arith.constant 0 : i32
      %dma_wait3A_45 = arith.constant 0 : i32
      %dma_wait3A_46 = tpu.memref_slice %arg12[%dma_wait3A, %dma_wait3A_44, %dma_wait3A_45] : memref<3x64x256xf32, #tpu.memory_space<vmem>> -> memref<1x64x256xf32, #tpu.memory_space<vmem>>
      %dma_wait3A_47 = tpu.memref_squeeze %dma_wait3A_46 : memref<1x64x256xf32, #tpu.memory_space<vmem>> -> memref<64x256xf32, #tpu.memory_space<vmem>>
      %dma_wait3A_48 = arith.constant 0 : i32
      %dma_wait3A_49 = arith.constant 0 : i32
      %dma_wait3A_50 = tpu.memref_slice %arg8[%dma_wait3A_48, %dma_wait3A_49] : memref<204800x256xf32, #tpu.memory_space<hbm>> -> memref<64x256xf32, #tpu.memory_space<hbm>>
      %dma_wait3A_51 = arith.constant 0 : i32
      %dma_wait3A_52 = arith.constant 0 : i32
      %dma_wait3A_53 = tpu.memref_slice %arg12[%dma_wait3A, %dma_wait3A_51, %dma_wait3A_52] : memref<3x64x256xf32, #tpu.memory_space<vmem>> -> memref<1x64x256xf32, #tpu.memory_space<vmem>>
      %dma_wait3A_54 = tpu.memref_squeeze %dma_wait3A_53 : memref<1x64x256xf32, #tpu.memory_space<vmem>> -> memref<64x256xf32, #tpu.memory_space<vmem>>
      %dma_wait3A_55 = arith.constant 0 : i32
      %dma_wait3A_56 = arith.constant 0 : i32
      %dma_wait3A_57 = tpu.memref_slice %arg8[%dma_wait3A_55, %dma_wait3A_56] : memref<204800x256xf32, #tpu.memory_space<hbm>> -> memref<64x256xf32, #tpu.memory_space<hbm>>
      tpu.wait_dma2 semaphore(%arg14 : memref<!tpu.dma_semaphore, #tpu.memory_space<semaphore_mem>>) src(%dma_wait3A_57 : memref<64x256xf32, #tpu.memory_space<hbm>>) dst(%dma_wait3A_54 : memref<64x256xf32, #tpu.memory_space<vmem>>)
      %dma_wait3A_58 = arith.constant 1 : i32
      %dma_wait3A_59 = arith.constant 0 : i32
      %dma_wait3A_60 = arith.constant 0 : i32
      %dma_wait3A_61 = tpu.memref_slice %arg12[%dma_wait3A_58, %dma_wait3A_59, %dma_wait3A_60] : memref<3x64x256xf32, #tpu.memory_space<vmem>> -> memref<1x64x256xf32, #tpu.memory_space<vmem>>
      %dma_wait3A_62 = tpu.memref_squeeze %dma_wait3A_61 : memref<1x64x256xf32, #tpu.memory_space<vmem>> -> memref<64x256xf32, #tpu.memory_space<vmem>>
      %dma_wait3A_63 = arith.constant 0 : i32
      %dma_wait3A_64 = arith.constant 0 : i32
      %dma_wait3A_65 = tpu.memref_slice %arg8[%dma_wait3A_63, %dma_wait3A_64] : memref<204800x256xf32, #tpu.memory_space<hbm>> -> memref<64x256xf32, #tpu.memory_space<hbm>>
      %dma_wait3A_66 = arith.constant 0 : i32
      %dma_wait3A_67 = arith.constant 0 : i32
      %dma_wait3A_68 = tpu.memref_slice %arg12[%dma_wait3A_58, %dma_wait3A_66, %dma_wait3A_67] : memref<3x64x256xf32, #tpu.memory_space<vmem>> -> memref<1x64x256xf32, #tpu.memory_space<vmem>>
      %dma_wait3A_69 = tpu.memref_squeeze %dma_wait3A_68 : memref<1x64x256xf32, #tpu.memory_space<vmem>> -> memref<64x256xf32, #tpu.memory_space<vmem>>
      %dma_wait3A_70 = arith.constant 0 : i32
      %dma_wait3A_71 = arith.constant 0 : i32
      %dma_wait3A_72 = tpu.memref_slice %arg8[%dma_wait3A_70, %dma_wait3A_71] : memref<204800x256xf32, #tpu.memory_space<hbm>> -> memref<64x256xf32, #tpu.memory_space<hbm>>
      tpu.wait_dma2 semaphore(%arg14 : memref<!tpu.dma_semaphore, #tpu.memory_space<semaphore_mem>>) src(%dma_wait3A_72 : memref<64x256xf32, #tpu.memory_space<hbm>>) dst(%dma_wait3A_69 : memref<64x256xf32, #tpu.memory_space<vmem>>)
      %dma_wait3A_73 = arith.constant 2 : i32
      %dma_wait3A_74 = arith.constant 0 : i32
      %dma_wait3A_75 = arith.constant 0 : i32
      %dma_wait3A_76 = tpu.memref_slice %arg12[%dma_wait3A_73, %dma_wait3A_74, %dma_wait3A_75] : memref<3x64x256xf32, #tpu.memory_space<vmem>> -> memref<1x64x256xf32, #tpu.memory_space<vmem>>
      %dma_wait3A_77 = tpu.memref_squeeze %dma_wait3A_76 : memref<1x64x256xf32, #tpu.memory_space<vmem>> -> memref<64x256xf32, #tpu.memory_space<vmem>>
      %dma_wait3A_78 = arith.constant 0 : i32
      %dma_wait3A_79 = arith.constant 0 : i32
      %dma_wait3A_80 = tpu.memref_slice %arg8[%dma_wait3A_78, %dma_wait3A_79] : memref<204800x256xf32, #tpu.memory_space<hbm>> -> memref<64x256xf32, #tpu.memory_space<hbm>>
      %dma_wait3A_81 = arith.constant 0 : i32
      %dma_wait3A_82 = arith.constant 0 : i32
      %dma_wait3A_83 = tpu.memref_slice %arg12[%dma_wait3A_73, %dma_wait3A_81, %dma_wait3A_82] : memref<3x64x256xf32, #tpu.memory_space<vmem>> -> memref<1x64x256xf32, #tpu.memory_space<vmem>>
      %dma_wait3A_84 = tpu.memref_squeeze %dma_wait3A_83 : memref<1x64x256xf32, #tpu.memory_space<vmem>> -> memref<64x256xf32, #tpu.memory_space<vmem>>
      %dma_wait3A_85 = arith.constant 0 : i32
      %dma_wait3A_86 = arith.constant 0 : i32
      %dma_wait3A_87 = tpu.memref_slice %arg8[%dma_wait3A_85, %dma_wait3A_86] : memref<204800x256xf32, #tpu.memory_space<hbm>> -> memref<64x256xf32, #tpu.memory_space<hbm>>
      tpu.wait_dma2 semaphore(%arg14 : memref<!tpu.dma_semaphore, #tpu.memory_space<semaphore_mem>>) src(%dma_wait3A_87 : memref<64x256xf32, #tpu.memory_space<hbm>>) dst(%dma_wait3A_84 : memref<64x256xf32, #tpu.memory_space<vmem>>)
      %scan3A_88 = arith.constant 0 : i32
      %scan3A_89 = arith.constant 0 : i32
      %scan3A_90 = arith.constant 64 : i32
      %scan3A_91 = arith.addi %scan3A_89, %scan3A_90 : i32
      %scan3A_92 = arith.constant 1 : i32
      scf.for %scan3A_111 = %scan3A_89 to %scan3A_91 step %scan3A_92  : i32 {
        %get3A = arith.constant 0 : i32
        %get3A_112 = arith.index_cast %get3A : i32 to index
        %get3A_113 = arith.index_cast %scan3A_111 : i32 to index
        %get3A_114 = arith.constant 0 : index
        %get3A_115 = tpu.vector_load %arg12[%get3A_112, %get3A_113, %get3A_114] {strides = array<i32>} : memref<3x64x256xf32, #tpu.memory_space<vmem>>, vector<1x1x16xf32>,
        %get3A_116 = vector.shape_cast %get3A_115 : vector<1x1x16xf32> to vector<16xf32>
        %get3A_117 = arith.constant 1 : i32
        %get3A_118 = arith.index_cast %get3A_117 : i32 to index
        %get3A_119 = arith.index_cast %scan3A_111 : i32 to index
        %get3A_120 = arith.constant 0 : index
        %get3A_121 = tpu.vector_load %arg12[%get3A_118, %get3A_119, %get3A_120] {strides = array<i32>} : memref<3x64x256xf32, #tpu.memory_space<vmem>>, vector<1x1x16xf32>,
        %get3A_122 = vector.shape_cast %get3A_121 : vector<1x1x16xf32> to vector<16xf32>
        %add3A_123 = arith.addf %get3A_116, %get3A_122 : vector<16xf32>
        %get3A_124 = arith.constant 2 : i32
        %get3A_125 = arith.index_cast %get3A_124 : i32 to index
        %get3A_126 = arith.index_cast %scan3A_111 : i32 to index
        %get3A_127 = arith.constant 0 : index
        %get3A_128 = tpu.vector_load %arg12[%get3A_125, %get3A_126, %get3A_127] {strides = array<i32>} : memref<3x64x256xf32, #tpu.memory_space<vmem>>, vector<1x1x16xf32>,
        %get3A_129 = vector.shape_cast %get3A_128 : vector<1x1x16xf32> to vector<16xf32>
        %add3A_130 = arith.addf %add3A_123, %get3A_129 : vector<16xf32>
        %swap3A = arith.constant 0 : i32
        %swap3A_131 = arith.index_cast %swap3A : i32 to index
        %swap3A_132 = arith.index_cast %scan3A_111 : i32 to index
        %swap3A_133 = arith.constant 0 : index
        %swap3A_134 = tpu.vector_load %arg12[%swap3A_131, %swap3A_132, %swap3A_133] {strides = array<i32>} : memref<3x64x256xf32, #tpu.memory_space<vmem>>, vector<1x1x16xf32>,
        %swap3A_135 = vector.shape_cast %swap3A_134 : vector<1x1x16xf32> to vector<16xf32>
        %swap3A_136 = vector.shape_cast %add3A_130 : vector<16xf32> to vector<1x1x16xf32>
        tpu.vector_store %arg12[%swap3A_131, %swap3A_132, %swap3A_133], %swap3A_136 {strides = array<i32>} : memref<3x64x256xf32, #tpu.memory_space<vmem>>, vector<1x1x16xf32>,
        %get3A_137 = arith.constant 0 : i32
        %get3A_138 = arith.index_cast %get3A_137 : i32 to index
        %get3A_139 = arith.index_cast %scan3A_111 : i32 to index
        %get3A_140 = arith.constant 16 : index
        %get3A_141 = tpu.vector_load %arg12[%get3A_138, %get3A_139, %get3A_140] {strides = array<i32>} : memref<3x64x256xf32, #tpu.memory_space<vmem>>, vector<1x1x16xf32>,
        %get3A_142 = vector.shape_cast %get3A_141 : vector<1x1x16xf32> to vector<16xf32>
        %get3A_143 = arith.constant 1 : i32
        %get3A_144 = arith.index_cast %get3A_143 : i32 to index
        %get3A_145 = arith.index_cast %scan3A_111 : i32 to index
        %get3A_146 = arith.constant 16 : index
        %get3A_147 = tpu.vector_load %arg12[%get3A_144, %get3A_145, %get3A_146] {strides = array<i32>} : memref<3x64x256xf32, #tpu.memory_space<vmem>>, vector<1x1x16xf32>,
        %get3A_148 = vector.shape_cast %get3A_147 : vector<1x1x16xf32> to vector<16xf32>
        %add3A_149 = arith.addf %get3A_142, %get3A_148 : vector<16xf32>
        %get3A_150 = arith.constant 2 : i32
        %get3A_151 = arith.index_cast %get3A_150 : i32 to index
        %get3A_152 = arith.index_cast %scan3A_111 : i32 to index
        %get3A_153 = arith.constant 16 : index
        %get3A_154 = tpu.vector_load %arg12[%get3A_151, %get3A_152, %get3A_153] {strides = array<i32>} : memref<3x64x256xf32, #tpu.memory_space<vmem>>, vector<1x1x16xf32>,
        %get3A_155 = vector.shape_cast %get3A_154 : vector<1x1x16xf32> to vector<16xf32>
        %add3A_156 = arith.addf %add3A_149, %get3A_155 : vector<16xf32>
        %swap3A_157 = arith.constant 0 : i32
        %swap3A_158 = arith.index_cast %swap3A_157 : i32 to index
        %swap3A_159 = arith.index_cast %scan3A_111 : i32 to index
        %swap3A_160 = arith.constant 16 : index
        %swap3A_161 = tpu.vector_load %arg12[%swap3A_158, %swap3A_159, %swap3A_160] {strides = array<i32>} : memref<3x64x256xf32, #tpu.memory_space<vmem>>, vector<1x1x16xf32>,
        %swap3A_162 = vector.shape_cast %swap3A_161 : vector<1x1x16xf32> to vector<16xf32>
        %swap3A_163 = vector.shape_cast %add3A_156 : vector<16xf32> to vector<1x1x16xf32>
        tpu.vector_store %arg12[%swap3A_158, %swap3A_159, %swap3A_160], %swap3A_163 {strides = array<i32>} : memref<3x64x256xf32, #tpu.memory_space<vmem>>, vector<1x1x16xf32>,
        %get3A_164 = arith.constant 0 : i32
        %get3A_165 = arith.index_cast %get3A_164 : i32 to index
        %get3A_166 = arith.index_cast %scan3A_111 : i32 to index
        %get3A_167 = arith.constant 32 : index
        %get3A_168 = tpu.vector_load %arg12[%get3A_165, %get3A_166, %get3A_167] {strides = array<i32>} : memref<3x64x256xf32, #tpu.memory_space<vmem>>, vector<1x1x16xf32>,
        %get3A_169 = vector.shape_cast %get3A_168 : vector<1x1x16xf32> to vector<16xf32>
        %get3A_170 = arith.constant 1 : i32
        %get3A_171 = arith.index_cast %get3A_170 : i32 to index
        %get3A_172 = arith.index_cast %scan3A_111 : i32 to index
        %get3A_173 = arith.constant 32 : index
        %get3A_174 = tpu.vector_load %arg12[%get3A_171, %get3A_172, %get3A_173] {strides = array<i32>} : memref<3x64x256xf32, #tpu.memory_space<vmem>>, vector<1x1x16xf32>,
        %get3A_175 = vector.shape_cast %get3A_174 : vector<1x1x16xf32> to vector<16xf32>
        %add3A_176 = arith.addf %get3A_169, %get3A_175 : vector<16xf32>
        %get3A_177 = arith.constant 2 : i32
        %get3A_178 = arith.index_cast %get3A_177 : i32 to index
        %get3A_179 = arith.index_cast %scan3A_111 : i32 to index
        %get3A_180 = arith.constant 32 : index
        %get3A_181 = tpu.vector_load %arg12[%get3A_178, %get3A_179, %get3A_180] {strides = array<i32>} : memref<3x64x256xf32, #tpu.memory_space<vmem>>, vector<1x1x16xf32>,
        %get3A_182 = vector.shape_cast %get3A_181 : vector<1x1x16xf32> to vector<16xf32>
        %add3A_183 = arith.addf %add3A_176, %get3A_182 : vector<16xf32>
        %swap3A_184 = arith.constant 0 : i32
        %swap3A_185 = arith.index_cast %swap3A_184 : i32 to index
        %swap3A_186 = arith.index_cast %scan3A_111 : i32 to index
        %swap3A_187 = arith.constant 32 : index
        %swap3A_188 = tpu.vector_load %arg12[%swap3A_185, %swap3A_186, %swap3A_187] {strides = array<i32>} : memref<3x64x256xf32, #tpu.memory_space<vmem>>, vector<1x1x16xf32>,
        %swap3A_189 = vector.shape_cast %swap3A_188 : vector<1x1x16xf32> to vector<16xf32>
        %swap3A_190 = vector.shape_cast %add3A_183 : vector<16xf32> to vector<1x1x16xf32>
        tpu.vector_store %arg12[%swap3A_185, %swap3A_186, %swap3A_187], %swap3A_190 {strides = array<i32>} : memref<3x64x256xf32, #tpu.memory_space<vmem>>, vector<1x1x16xf32>,
        %get3A_191 = arith.constant 0 : i32
        %get3A_192 = arith.index_cast %get3A_191 : i32 to index
        %get3A_193 = arith.index_cast %scan3A_111 : i32 to index
        %get3A_194 = arith.constant 48 : index
        %get3A_195 = tpu.vector_load %arg12[%get3A_192, %get3A_193, %get3A_194] {strides = array<i32>} : memref<3x64x256xf32, #tpu.memory_space<vmem>>, vector<1x1x16xf32>,
        %get3A_196 = vector.shape_cast %get3A_195 : vector<1x1x16xf32> to vector<16xf32>
        %get3A_197 = arith.constant 1 : i32
        %get3A_198 = arith.index_cast %get3A_197 : i32 to index
        %get3A_199 = arith.index_cast %scan3A_111 : i32 to index
        %get3A_200 = arith.constant 48 : index
        %get3A_201 = tpu.vector_load %arg12[%get3A_198, %get3A_199, %get3A_200] {strides = array<i32>} : memref<3x64x256xf32, #tpu.memory_space<vmem>>, vector<1x1x16xf32>,
        %get3A_202 = vector.shape_cast %get3A_201 : vector<1x1x16xf32> to vector<16xf32>
        %add3A_203 = arith.addf %get3A_196, %get3A_202 : vector<16xf32>
        %get3A_204 = arith.constant 2 : i32
        %get3A_205 = arith.index_cast %get3A_204 : i32 to index
        %get3A_206 = arith.index_cast %scan3A_111 : i32 to index
        %get3A_207 = arith.constant 48 : index
        %get3A_208 = tpu.vector_load %arg12[%get3A_205, %get3A_206, %get3A_207] {strides = array<i32>} : memref<3x64x256xf32, #tpu.memory_space<vmem>>, vector<1x1x16xf32>,
        %get3A_209 = vector.shape_cast %get3A_208 : vector<1x1x16xf32> to vector<16xf32>
        %add3A_210 = arith.addf %add3A_203, %get3A_209 : vector<16xf32>
        %swap3A_211 = arith.constant 0 : i32
        %swap3A_212 = arith.index_cast %swap3A_211 : i32 to index
        %swap3A_213 = arith.index_cast %scan3A_111 : i32 to index
        %swap3A_214 = arith.constant 48 : index
        %swap3A_215 = tpu.vector_load %arg12[%swap3A_212, %swap3A_213, %swap3A_214] {strides = array<i32>} : memref<3x64x256xf32, #tpu.memory_space<vmem>>, vector<1x1x16xf32>,
        %swap3A_216 = vector.shape_cast %swap3A_215 : vector<1x1x16xf32> to vector<16xf32>
        %swap3A_217 = vector.shape_cast %add3A_210 : vector<16xf32> to vector<1x1x16xf32>
        tpu.vector_store %arg12[%swap3A_212, %swap3A_213, %swap3A_214], %swap3A_217 {strides = array<i32>} : memref<3x64x256xf32, #tpu.memory_space<vmem>>, vector<1x1x16xf32>,
        %get3A_218 = arith.constant 0 : i32
        %get3A_219 = arith.index_cast %get3A_218 : i32 to index
        %get3A_220 = arith.index_cast %scan3A_111 : i32 to index
        %get3A_221 = arith.constant 64 : index
        %get3A_222 = tpu.vector_load %arg12[%get3A_219, %get3A_220, %get3A_221] {strides = array<i32>} : memref<3x64x256xf32, #tpu.memory_space<vmem>>, vector<1x1x16xf32>,
        %get3A_223 = vector.shape_cast %get3A_222 : vector<1x1x16xf32> to vector<16xf32>
        %get3A_224 = arith.constant 1 : i32
        %get3A_225 = arith.index_cast %get3A_224 : i32 to index
        %get3A_226 = arith.index_cast %scan3A_111 : i32 to index
        %get3A_227 = arith.constant 64 : index
        %get3A_228 = tpu.vector_load %arg12[%get3A_225, %get3A_226, %get3A_227] {strides = array<i32>} : memref<3x64x256xf32, #tpu.memory_space<vmem>>, vector<1x1x16xf32>,
        %get3A_229 = vector.shape_cast %get3A_228 : vector<1x1x16xf32> to vector<16xf32>
        %add3A_230 = arith.addf %get3A_223, %get3A_229 : vector<16xf32>
        %get3A_231 = arith.constant 2 : i32
        %get3A_232 = arith.index_cast %get3A_231 : i32 to index
        %get3A_233 = arith.index_cast %scan3A_111 : i32 to index
        %get3A_234 = arith.constant 64 : index
        %get3A_235 = tpu.vector_load %arg12[%get3A_232, %get3A_233, %get3A_234] {strides = array<i32>} : memref<3x64x256xf32, #tpu.memory_space<vmem>>, vector<1x1x16xf32>,
        %get3A_236 = vector.shape_cast %get3A_235 : vector<1x1x16xf32> to vector<16xf32>
        %add3A_237 = arith.addf %add3A_230, %get3A_236 : vector<16xf32>
        %swap3A_238 = arith.constant 0 : i32
        %swap3A_239 = arith.index_cast %swap3A_238 : i32 to index
        %swap3A_240 = arith.index_cast %scan3A_111 : i32 to index
        %swap3A_241 = arith.constant 64 : index
        %swap3A_242 = tpu.vector_load %arg12[%swap3A_239, %swap3A_240, %swap3A_241] {strides = array<i32>} : memref<3x64x256xf32, #tpu.memory_space<vmem>>, vector<1x1x16xf32>,
        %swap3A_243 = vector.shape_cast %swap3A_242 : vector<1x1x16xf32> to vector<16xf32>
        %swap3A_244 = vector.shape_cast %add3A_237 : vector<16xf32> to vector<1x1x16xf32>
        tpu.vector_store %arg12[%swap3A_239, %swap3A_240, %swap3A_241], %swap3A_244 {strides = array<i32>} : memref<3x64x256xf32, #tpu.memory_space<vmem>>, vector<1x1x16xf32>,
        %get3A_245 = arith.constant 0 : i32
        %get3A_246 = arith.index_cast %get3A_245 : i32 to index
        %get3A_247 = arith.index_cast %scan3A_111 : i32 to index
        %get3A_248 = arith.constant 80 : index
        %get3A_249 = tpu.vector_load %arg12[%get3A_246, %get3A_247, %get3A_248] {strides = array<i32>} : memref<3x64x256xf32, #tpu.memory_space<vmem>>, vector<1x1x16xf32>,
        %get3A_250 = vector.shape_cast %get3A_249 : vector<1x1x16xf32> to vector<16xf32>
        %get3A_251 = arith.constant 1 : i32
        %get3A_252 = arith.index_cast %get3A_251 : i32 to index
        %get3A_253 = arith.index_cast %scan3A_111 : i32 to index
        %get3A_254 = arith.constant 80 : index
        %get3A_255 = tpu.vector_load %arg12[%get3A_252, %get3A_253, %get3A_254] {strides = array<i32>} : memref<3x64x256xf32, #tpu.memory_space<vmem>>, vector<1x1x16xf32>,
        %get3A_256 = vector.shape_cast %get3A_255 : vector<1x1x16xf32> to vector<16xf32>
        %add3A_257 = arith.addf %get3A_250, %get3A_256 : vector<16xf32>
        %get3A_258 = arith.constant 2 : i32
        %get3A_259 = arith.index_cast %get3A_258 : i32 to index
        %get3A_260 = arith.index_cast %scan3A_111 : i32 to index
        %get3A_261 = arith.constant 80 : index
        %get3A_262 = tpu.vector_load %arg12[%get3A_259, %get3A_260, %get3A_261] {strides = array<i32>} : memref<3x64x256xf32, #tpu.memory_space<vmem>>, vector<1x1x16xf32>,
        %get3A_263 = vector.shape_cast %get3A_262 : vector<1x1x16xf32> to vector<16xf32>
        %add3A_264 = arith.addf %add3A_257, %get3A_263 : vector<16xf32>
        %swap3A_265 = arith.constant 0 : i32
        %swap3A_266 = arith.index_cast %swap3A_265 : i32 to index
        %swap3A_267 = arith.index_cast %scan3A_111 : i32 to index
        %swap3A_268 = arith.constant 80 : index
        %swap3A_269 = tpu.vector_load %arg12[%swap3A_266, %swap3A_267, %swap3A_268] {strides = array<i32>} : memref<3x64x256xf32, #tpu.memory_space<vmem>>, vector<1x1x16xf32>,
        %swap3A_270 = vector.shape_cast %swap3A_269 : vector<1x1x16xf32> to vector<16xf32>
        %swap3A_271 = vector.shape_cast %add3A_264 : vector<16xf32> to vector<1x1x16xf32>
        tpu.vector_store %arg12[%swap3A_266, %swap3A_267, %swap3A_268], %swap3A_271 {strides = array<i32>} : memref<3x64x256xf32, #tpu.memory_space<vmem>>, vector<1x1x16xf32>,
        %get3A_272 = arith.constant 0 : i32
        %get3A_273 = arith.index_cast %get3A_272 : i32 to index
        %get3A_274 = arith.index_cast %scan3A_111 : i32 to index
        %get3A_275 = arith.constant 96 : index
        %get3A_276 = tpu.vector_load %arg12[%get3A_273, %get3A_274, %get3A_275] {strides = array<i32>} : memref<3x64x256xf32, #tpu.memory_space<vmem>>, vector<1x1x16xf32>,
        %get3A_277 = vector.shape_cast %get3A_276 : vector<1x1x16xf32> to vector<16xf32>
        %get3A_278 = arith.constant 1 : i32
        %get3A_279 = arith.index_cast %get3A_278 : i32 to index
        %get3A_280 = arith.index_cast %scan3A_111 : i32 to index
        %get3A_281 = arith.constant 96 : index
        %get3A_282 = tpu.vector_load %arg12[%get3A_279, %get3A_280, %get3A_281] {strides = array<i32>} : memref<3x64x256xf32, #tpu.memory_space<vmem>>, vector<1x1x16xf32>,
        %get3A_283 = vector.shape_cast %get3A_282 : vector<1x1x16xf32> to vector<16xf32>
        %add3A_284 = arith.addf %get3A_277, %get3A_283 : vector<16xf32>
        %get3A_285 = arith.constant 2 : i32
        %get3A_286 = arith.index_cast %get3A_285 : i32 to index
        %get3A_287 = arith.index_cast %scan3A_111 : i32 to index
        %get3A_288 = arith.constant 96 : index
        %get3A_289 = tpu.vector_load %arg12[%get3A_286, %get3A_287, %get3A_288] {strides = array<i32>} : memref<3x64x256xf32, #tpu.memory_space<vmem>>, vector<1x1x16xf32>,
        %get3A_290 = vector.shape_cast %get3A_289 : vector<1x1x16xf32> to vector<16xf32>
        %add3A_291 = arith.addf %add3A_284, %get3A_290 : vector<16xf32>
        %swap3A_292 = arith.constant 0 : i32
        %swap3A_293 = arith.index_cast %swap3A_292 : i32 to index
        %swap3A_294 = arith.index_cast %scan3A_111 : i32 to index
        %swap3A_295 = arith.constant 96 : index
        %swap3A_296 = tpu.vector_load %arg12[%swap3A_293, %swap3A_294, %swap3A_295] {strides = array<i32>} : memref<3x64x256xf32, #tpu.memory_space<vmem>>, vector<1x1x16xf32>,
        %swap3A_297 = vector.shape_cast %swap3A_296 : vector<1x1x16xf32> to vector<16xf32>
        %swap3A_298 = vector.shape_cast %add3A_291 : vector<16xf32> to vector<1x1x16xf32>
        tpu.vector_store %arg12[%swap3A_293, %swap3A_294, %swap3A_295], %swap3A_298 {strides = array<i32>} : memref<3x64x256xf32, #tpu.memory_space<vmem>>, vector<1x1x16xf32>,
        %get3A_299 = arith.constant 0 : i32
        %get3A_300 = arith.index_cast %get3A_299 : i32 to index
        %get3A_301 = arith.index_cast %scan3A_111 : i32 to index
        %get3A_302 = arith.constant 112 : index
        %get3A_303 = tpu.vector_load %arg12[%get3A_300, %get3A_301, %get3A_302] {strides = array<i32>} : memref<3x64x256xf32, #tpu.memory_space<vmem>>, vector<1x1x16xf32>,
        %get3A_304 = vector.shape_cast %get3A_303 : vector<1x1x16xf32> to vector<16xf32>
        %get3A_305 = arith.constant 1 : i32
        %get3A_306 = arith.index_cast %get3A_305 : i32 to index
        %get3A_307 = arith.index_cast %scan3A_111 : i32 to index
        %get3A_308 = arith.constant 112 : index
        %get3A_309 = tpu.vector_load %arg12[%get3A_306, %get3A_307, %get3A_308] {strides = array<i32>} : memref<3x64x256xf32, #tpu.memory_space<vmem>>, vector<1x1x16xf32>,
        %get3A_310 = vector.shape_cast %get3A_309 : vector<1x1x16xf32> to vector<16xf32>
        %add3A_311 = arith.addf %get3A_304, %get3A_310 : vector<16xf32>
        %get3A_312 = arith.constant 2 : i32
        %get3A_313 = arith.index_cast %get3A_312 : i32 to index
        %get3A_314 = arith.index_cast %scan3A_111 : i32 to index
        %get3A_315 = arith.constant 112 : index
        %get3A_316 = tpu.vector_load %arg12[%get3A_313, %get3A_314, %get3A_315] {strides = array<i32>} : memref<3x64x256xf32, #tpu.memory_space<vmem>>, vector<1x1x16xf32>,
        %get3A_317 = vector.shape_cast %get3A_316 : vector<1x1x16xf32> to vector<16xf32>
        %add3A_318 = arith.addf %add3A_311, %get3A_317 : vector<16xf32>
        %swap3A_319 = arith.constant 0 : i32
        %swap3A_320 = arith.index_cast %swap3A_319 : i32 to index
        %swap3A_321 = arith.index_cast %scan3A_111 : i32 to index
        %swap3A_322 = arith.constant 112 : index
        %swap3A_323 = tpu.vector_load %arg12[%swap3A_320, %swap3A_321, %swap3A_322] {strides = array<i32>} : memref<3x64x256xf32, #tpu.memory_space<vmem>>, vector<1x1x16xf32>,
        %swap3A_324 = vector.shape_cast %swap3A_323 : vector<1x1x16xf32> to vector<16xf32>
        %swap3A_325 = vector.shape_cast %add3A_318 : vector<16xf32> to vector<1x1x16xf32>
        tpu.vector_store %arg12[%swap3A_320, %swap3A_321, %swap3A_322], %swap3A_325 {strides = array<i32>} : memref<3x64x256xf32, #tpu.memory_space<vmem>>, vector<1x1x16xf32>,
        %get3A_326 = arith.constant 0 : i32
        %get3A_327 = arith.index_cast %get3A_326 : i32 to index
        %get3A_328 = arith.index_cast %scan3A_111 : i32 to index
        %get3A_329 = arith.constant 128 : index
        %get3A_330 = tpu.vector_load %arg12[%get3A_327, %get3A_328, %get3A_329] {strides = array<i32>} : memref<3x64x256xf32, #tpu.memory_space<vmem>>, vector<1x1x16xf32>,
        %get3A_331 = vector.shape_cast %get3A_330 : vector<1x1x16xf32> to vector<16xf32>
        %get3A_332 = arith.constant 1 : i32
        %get3A_333 = arith.index_cast %get3A_332 : i32 to index
        %get3A_334 = arith.index_cast %scan3A_111 : i32 to index
        %get3A_335 = arith.constant 128 : index
        %get3A_336 = tpu.vector_load %arg12[%get3A_333, %get3A_334, %get3A_335] {strides = array<i32>} : memref<3x64x256xf32, #tpu.memory_space<vmem>>, vector<1x1x16xf32>,
        %get3A_337 = vector.shape_cast %get3A_336 : vector<1x1x16xf32> to vector<16xf32>
        %add3A_338 = arith.addf %get3A_331, %get3A_337 : vector<16xf32>
        %get3A_339 = arith.constant 2 : i32
        %get3A_340 = arith.index_cast %get3A_339 : i32 to index
        %get3A_341 = arith.index_cast %scan3A_111 : i32 to index
        %get3A_342 = arith.constant 128 : index
        %get3A_343 = tpu.vector_load %arg12[%get3A_340, %get3A_341, %get3A_342] {strides = array<i32>} : memref<3x64x256xf32, #tpu.memory_space<vmem>>, vector<1x1x16xf32>,
        %get3A_344 = vector.shape_cast %get3A_343 : vector<1x1x16xf32> to vector<16xf32>
        %add3A_345 = arith.addf %add3A_338, %get3A_344 : vector<16xf32>
        %swap3A_346 = arith.constant 0 : i32
        %swap3A_347 = arith.index_cast %swap3A_346 : i32 to index
        %swap3A_348 = arith.index_cast %scan3A_111 : i32 to index
        %swap3A_349 = arith.constant 128 : index
        %swap3A_350 = tpu.vector_load %arg12[%swap3A_347, %swap3A_348, %swap3A_349] {strides = array<i32>} : memref<3x64x256xf32, #tpu.memory_space<vmem>>, vector<1x1x16xf32>,
        %swap3A_351 = vector.shape_cast %swap3A_350 : vector<1x1x16xf32> to vector<16xf32>
        %swap3A_352 = vector.shape_cast %add3A_345 : vector<16xf32> to vector<1x1x16xf32>
        tpu.vector_store %arg12[%swap3A_347, %swap3A_348, %swap3A_349], %swap3A_352 {strides = array<i32>} : memref<3x64x256xf32, #tpu.memory_space<vmem>>, vector<1x1x16xf32>,
        %get3A_353 = arith.constant 0 : i32
        %get3A_354 = arith.index_cast %get3A_353 : i32 to index
        %get3A_355 = arith.index_cast %scan3A_111 : i32 to index
        %get3A_356 = arith.constant 144 : index
        %get3A_357 = tpu.vector_load %arg12[%get3A_354, %get3A_355, %get3A_356] {strides = array<i32>} : memref<3x64x256xf32, #tpu.memory_space<vmem>>, vector<1x1x16xf32>,
        %get3A_358 = vector.shape_cast %get3A_357 : vector<1x1x16xf32> to vector<16xf32>
        %get3A_359 = arith.constant 1 : i32
        %get3A_360 = arith.index_cast %get3A_359 : i32 to index
        %get3A_361 = arith.index_cast %scan3A_111 : i32 to index
        %get3A_362 = arith.constant 144 : index
        %get3A_363 = tpu.vector_load %arg12[%get3A_360, %get3A_361, %get3A_362] {strides = array<i32>} : memref<3x64x256xf32, #tpu.memory_space<vmem>>, vector<1x1x16xf32>,
        %get3A_364 = vector.shape_cast %get3A_363 : vector<1x1x16xf32> to vector<16xf32>
        %add3A_365 = arith.addf %get3A_358, %get3A_364 : vector<16xf32>
        %get3A_366 = arith.constant 2 : i32
        %get3A_367 = arith.index_cast %get3A_366 : i32 to index
        %get3A_368 = arith.index_cast %scan3A_111 : i32 to index
        %get3A_369 = arith.constant 144 : index
        %get3A_370 = tpu.vector_load %arg12[%get3A_367, %get3A_368, %get3A_369] {strides = array<i32>} : memref<3x64x256xf32, #tpu.memory_space<vmem>>, vector<1x1x16xf32>,
        %get3A_371 = vector.shape_cast %get3A_370 : vector<1x1x16xf32> to vector<16xf32>
        %add3A_372 = arith.addf %add3A_365, %get3A_371 : vector<16xf32>
        %swap3A_373 = arith.constant 0 : i32
        %swap3A_374 = arith.index_cast %swap3A_373 : i32 to index
        %swap3A_375 = arith.index_cast %scan3A_111 : i32 to index
        %swap3A_376 = arith.constant 144 : index
        %swap3A_377 = tpu.vector_load %arg12[%swap3A_374, %swap3A_375, %swap3A_376] {strides = array<i32>} : memref<3x64x256xf32, #tpu.memory_space<vmem>>, vector<1x1x16xf32>,
        %swap3A_378 = vector.shape_cast %swap3A_377 : vector<1x1x16xf32> to vector<16xf32>
        %swap3A_379 = vector.shape_cast %add3A_372 : vector<16xf32> to vector<1x1x16xf32>
        tpu.vector_store %arg12[%swap3A_374, %swap3A_375, %swap3A_376], %swap3A_379 {strides = array<i32>} : memref<3x64x256xf32, #tpu.memory_space<vmem>>, vector<1x1x16xf32>,
        %get3A_380 = arith.constant 0 : i32
        %get3A_381 = arith.index_cast %get3A_380 : i32 to index
        %get3A_382 = arith.index_cast %scan3A_111 : i32 to index
        %get3A_383 = arith.constant 160 : index
        %get3A_384 = tpu.vector_load %arg12[%get3A_381, %get3A_382, %get3A_383] {strides = array<i32>} : memref<3x64x256xf32, #tpu.memory_space<vmem>>, vector<1x1x16xf32>,
        %get3A_385 = vector.shape_cast %get3A_384 : vector<1x1x16xf32> to vector<16xf32>
        %get3A_386 = arith.constant 1 : i32
        %get3A_387 = arith.index_cast %get3A_386 : i32 to index
        %get3A_388 = arith.index_cast %scan3A_111 : i32 to index
        %get3A_389 = arith.constant 160 : index
        %get3A_390 = tpu.vector_load %arg12[%get3A_387, %get3A_388, %get3A_389] {strides = array<i32>} : memref<3x64x256xf32, #tpu.memory_space<vmem>>, vector<1x1x16xf32>,
        %get3A_391 = vector.shape_cast %get3A_390 : vector<1x1x16xf32> to vector<16xf32>
        %add3A_392 = arith.addf %get3A_385, %get3A_391 : vector<16xf32>
        %get3A_393 = arith.constant 2 : i32
        %get3A_394 = arith.index_cast %get3A_393 : i32 to index
        %get3A_395 = arith.index_cast %scan3A_111 : i32 to index
        %get3A_396 = arith.constant 160 : index
        %get3A_397 = tpu.vector_load %arg12[%get3A_394, %get3A_395, %get3A_396] {strides = array<i32>} : memref<3x64x256xf32, #tpu.memory_space<vmem>>, vector<1x1x16xf32>,
        %get3A_398 = vector.shape_cast %get3A_397 : vector<1x1x16xf32> to vector<16xf32>
        %add3A_399 = arith.addf %add3A_392, %get3A_398 : vector<16xf32>
        %swap3A_400 = arith.constant 0 : i32
        %swap3A_401 = arith.index_cast %swap3A_400 : i32 to index
        %swap3A_402 = arith.index_cast %scan3A_111 : i32 to index
        %swap3A_403 = arith.constant 160 : index
        %swap3A_404 = tpu.vector_load %arg12[%swap3A_401, %swap3A_402, %swap3A_403] {strides = array<i32>} : memref<3x64x256xf32, #tpu.memory_space<vmem>>, vector<1x1x16xf32>,
        %swap3A_405 = vector.shape_cast %swap3A_404 : vector<1x1x16xf32> to vector<16xf32>
        %swap3A_406 = vector.shape_cast %add3A_399 : vector<16xf32> to vector<1x1x16xf32>
        tpu.vector_store %arg12[%swap3A_401, %swap3A_402, %swap3A_403], %swap3A_406 {strides = array<i32>} : memref<3x64x256xf32, #tpu.memory_space<vmem>>, vector<1x1x16xf32>,
        %get3A_407 = arith.constant 0 : i32
        %get3A_408 = arith.index_cast %get3A_407 : i32 to index
        %get3A_409 = arith.index_cast %scan3A_111 : i32 to index
        %get3A_410 = arith.constant 176 : index
        %get3A_411 = tpu.vector_load %arg12[%get3A_408, %get3A_409, %get3A_410] {strides = array<i32>} : memref<3x64x256xf32, #tpu.memory_space<vmem>>, vector<1x1x16xf32>,
        %get3A_412 = vector.shape_cast %get3A_411 : vector<1x1x16xf32> to vector<16xf32>
        %get3A_413 = arith.constant 1 : i32
        %get3A_414 = arith.index_cast %get3A_413 : i32 to index
        %get3A_415 = arith.index_cast %scan3A_111 : i32 to index
        %get3A_416 = arith.constant 176 : index
        %get3A_417 = tpu.vector_load %arg12[%get3A_414, %get3A_415, %get3A_416] {strides = array<i32>} : memref<3x64x256xf32, #tpu.memory_space<vmem>>, vector<1x1x16xf32>,
        %get3A_418 = vector.shape_cast %get3A_417 : vector<1x1x16xf32> to vector<16xf32>
        %add3A_419 = arith.addf %get3A_412, %get3A_418 : vector<16xf32>
        %get3A_420 = arith.constant 2 : i32
        %get3A_421 = arith.index_cast %get3A_420 : i32 to index
        %get3A_422 = arith.index_cast %scan3A_111 : i32 to index
        %get3A_423 = arith.constant 176 : index
        %get3A_424 = tpu.vector_load %arg12[%get3A_421, %get3A_422, %get3A_423] {strides = array<i32>} : memref<3x64x256xf32, #tpu.memory_space<vmem>>, vector<1x1x16xf32>,
        %get3A_425 = vector.shape_cast %get3A_424 : vector<1x1x16xf32> to vector<16xf32>
        %add3A_426 = arith.addf %add3A_419, %get3A_425 : vector<16xf32>
        %swap3A_427 = arith.constant 0 : i32
        %swap3A_428 = arith.index_cast %swap3A_427 : i32 to index
        %swap3A_429 = arith.index_cast %scan3A_111 : i32 to index
        %swap3A_430 = arith.constant 176 : index
        %swap3A_431 = tpu.vector_load %arg12[%swap3A_428, %swap3A_429, %swap3A_430] {strides = array<i32>} : memref<3x64x256xf32, #tpu.memory_space<vmem>>, vector<1x1x16xf32>,
        %swap3A_432 = vector.shape_cast %swap3A_431 : vector<1x1x16xf32> to vector<16xf32>
        %swap3A_433 = vector.shape_cast %add3A_426 : vector<16xf32> to vector<1x1x16xf32>
        tpu.vector_store %arg12[%swap3A_428, %swap3A_429, %swap3A_430], %swap3A_433 {strides = array<i32>} : memref<3x64x256xf32, #tpu.memory_space<vmem>>, vector<1x1x16xf32>,
        %get3A_434 = arith.constant 0 : i32
        %get3A_435 = arith.index_cast %get3A_434 : i32 to index
        %get3A_436 = arith.index_cast %scan3A_111 : i32 to index
        %get3A_437 = arith.constant 192 : index
        %get3A_438 = tpu.vector_load %arg12[%get3A_435, %get3A_436, %get3A_437] {strides = array<i32>} : memref<3x64x256xf32, #tpu.memory_space<vmem>>, vector<1x1x16xf32>,
        %get3A_439 = vector.shape_cast %get3A_438 : vector<1x1x16xf32> to vector<16xf32>
        %get3A_440 = arith.constant 1 : i32
        %get3A_441 = arith.index_cast %get3A_440 : i32 to index
        %get3A_442 = arith.index_cast %scan3A_111 : i32 to index
        %get3A_443 = arith.constant 192 : index
        %get3A_444 = tpu.vector_load %arg12[%get3A_441, %get3A_442, %get3A_443] {strides = array<i32>} : memref<3x64x256xf32, #tpu.memory_space<vmem>>, vector<1x1x16xf32>,
        %get3A_445 = vector.shape_cast %get3A_444 : vector<1x1x16xf32> to vector<16xf32>
        %add3A_446 = arith.addf %get3A_439, %get3A_445 : vector<16xf32>
        %get3A_447 = arith.constant 2 : i32
        %get3A_448 = arith.index_cast %get3A_447 : i32 to index
        %get3A_449 = arith.index_cast %scan3A_111 : i32 to index
        %get3A_450 = arith.constant 192 : index
        %get3A_451 = tpu.vector_load %arg12[%get3A_448, %get3A_449, %get3A_450] {strides = array<i32>} : memref<3x64x256xf32, #tpu.memory_space<vmem>>, vector<1x1x16xf32>,
        %get3A_452 = vector.shape_cast %get3A_451 : vector<1x1x16xf32> to vector<16xf32>
        %add3A_453 = arith.addf %add3A_446, %get3A_452 : vector<16xf32>
        %swap3A_454 = arith.constant 0 : i32
        %swap3A_455 = arith.index_cast %swap3A_454 : i32 to index
        %swap3A_456 = arith.index_cast %scan3A_111 : i32 to index
        %swap3A_457 = arith.constant 192 : index
        %swap3A_458 = tpu.vector_load %arg12[%swap3A_455, %swap3A_456, %swap3A_457] {strides = array<i32>} : memref<3x64x256xf32, #tpu.memory_space<vmem>>, vector<1x1x16xf32>,
        %swap3A_459 = vector.shape_cast %swap3A_458 : vector<1x1x16xf32> to vector<16xf32>
        %swap3A_460 = vector.shape_cast %add3A_453 : vector<16xf32> to vector<1x1x16xf32>
        tpu.vector_store %arg12[%swap3A_455, %swap3A_456, %swap3A_457], %swap3A_460 {strides = array<i32>} : memref<3x64x256xf32, #tpu.memory_space<vmem>>, vector<1x1x16xf32>,
        %get3A_461 = arith.constant 0 : i32
        %get3A_462 = arith.index_cast %get3A_461 : i32 to index
        %get3A_463 = arith.index_cast %scan3A_111 : i32 to index
        %get3A_464 = arith.constant 208 : index
        %get3A_465 = tpu.vector_load %arg12[%get3A_462, %get3A_463, %get3A_464] {strides = array<i32>} : memref<3x64x256xf32, #tpu.memory_space<vmem>>, vector<1x1x16xf32>,
        %get3A_466 = vector.shape_cast %get3A_465 : vector<1x1x16xf32> to vector<16xf32>
        %get3A_467 = arith.constant 1 : i32
        %get3A_468 = arith.index_cast %get3A_467 : i32 to index
        %get3A_469 = arith.index_cast %scan3A_111 : i32 to index
        %get3A_470 = arith.constant 208 : index
        %get3A_471 = tpu.vector_load %arg12[%get3A_468, %get3A_469, %get3A_470] {strides = array<i32>} : memref<3x64x256xf32, #tpu.memory_space<vmem>>, vector<1x1x16xf32>,
        %get3A_472 = vector.shape_cast %get3A_471 : vector<1x1x16xf32> to vector<16xf32>
        %add3A_473 = arith.addf %get3A_466, %get3A_472 : vector<16xf32>
        %get3A_474 = arith.constant 2 : i32
        %get3A_475 = arith.index_cast %get3A_474 : i32 to index
        %get3A_476 = arith.index_cast %scan3A_111 : i32 to index
        %get3A_477 = arith.constant 208 : index
        %get3A_478 = tpu.vector_load %arg12[%get3A_475, %get3A_476, %get3A_477] {strides = array<i32>} : memref<3x64x256xf32, #tpu.memory_space<vmem>>, vector<1x1x16xf32>,
        %get3A_479 = vector.shape_cast %get3A_478 : vector<1x1x16xf32> to vector<16xf32>
        %add3A_480 = arith.addf %add3A_473, %get3A_479 : vector<16xf32>
        %swap3A_481 = arith.constant 0 : i32
        %swap3A_482 = arith.index_cast %swap3A_481 : i32 to index
        %swap3A_483 = arith.index_cast %scan3A_111 : i32 to index
        %swap3A_484 = arith.constant 208 : index
        %swap3A_485 = tpu.vector_load %arg12[%swap3A_482, %swap3A_483, %swap3A_484] {strides = array<i32>} : memref<3x64x256xf32, #tpu.memory_space<vmem>>, vector<1x1x16xf32>,
        %swap3A_486 = vector.shape_cast %swap3A_485 : vector<1x1x16xf32> to vector<16xf32>
        %swap3A_487 = vector.shape_cast %add3A_480 : vector<16xf32> to vector<1x1x16xf32>
        tpu.vector_store %arg12[%swap3A_482, %swap3A_483, %swap3A_484], %swap3A_487 {strides = array<i32>} : memref<3x64x256xf32, #tpu.memory_space<vmem>>, vector<1x1x16xf32>,
        %get3A_488 = arith.constant 0 : i32
        %get3A_489 = arith.index_cast %get3A_488 : i32 to index
        %get3A_490 = arith.index_cast %scan3A_111 : i32 to index
        %get3A_491 = arith.constant 224 : index
        %get3A_492 = tpu.vector_load %arg12[%get3A_489, %get3A_490, %get3A_491] {strides = array<i32>} : memref<3x64x256xf32, #tpu.memory_space<vmem>>, vector<1x1x16xf32>,
        %get3A_493 = vector.shape_cast %get3A_492 : vector<1x1x16xf32> to vector<16xf32>
        %get3A_494 = arith.constant 1 : i32
        %get3A_495 = arith.index_cast %get3A_494 : i32 to index
        %get3A_496 = arith.index_cast %scan3A_111 : i32 to index
        %get3A_497 = arith.constant 224 : index
        %get3A_498 = tpu.vector_load %arg12[%get3A_495, %get3A_496, %get3A_497] {strides = array<i32>} : memref<3x64x256xf32, #tpu.memory_space<vmem>>, vector<1x1x16xf32>,
        %get3A_499 = vector.shape_cast %get3A_498 : vector<1x1x16xf32> to vector<16xf32>
        %add3A_500 = arith.addf %get3A_493, %get3A_499 : vector<16xf32>
        %get3A_501 = arith.constant 2 : i32
        %get3A_502 = arith.index_cast %get3A_501 : i32 to index
        %get3A_503 = arith.index_cast %scan3A_111 : i32 to index
        %get3A_504 = arith.constant 224 : index
        %get3A_505 = tpu.vector_load %arg12[%get3A_502, %get3A_503, %get3A_504] {strides = array<i32>} : memref<3x64x256xf32, #tpu.memory_space<vmem>>, vector<1x1x16xf32>,
        %get3A_506 = vector.shape_cast %get3A_505 : vector<1x1x16xf32> to vector<16xf32>
        %add3A_507 = arith.addf %add3A_500, %get3A_506 : vector<16xf32>
        %swap3A_508 = arith.constant 0 : i32
        %swap3A_509 = arith.index_cast %swap3A_508 : i32 to index
        %swap3A_510 = arith.index_cast %scan3A_111 : i32 to index
        %swap3A_511 = arith.constant 224 : index
        %swap3A_512 = tpu.vector_load %arg12[%swap3A_509, %swap3A_510, %swap3A_511] {strides = array<i32>} : memref<3x64x256xf32, #tpu.memory_space<vmem>>, vector<1x1x16xf32>,
        %swap3A_513 = vector.shape_cast %swap3A_512 : vector<1x1x16xf32> to vector<16xf32>
        %swap3A_514 = vector.shape_cast %add3A_507 : vector<16xf32> to vector<1x1x16xf32>
        tpu.vector_store %arg12[%swap3A_509, %swap3A_510, %swap3A_511], %swap3A_514 {strides = array<i32>} : memref<3x64x256xf32, #tpu.memory_space<vmem>>, vector<1x1x16xf32>,
        %get3A_515 = arith.constant 0 : i32
        %get3A_516 = arith.index_cast %get3A_515 : i32 to index
        %get3A_517 = arith.index_cast %scan3A_111 : i32 to index
        %get3A_518 = arith.constant 240 : index
        %get3A_519 = tpu.vector_load %arg12[%get3A_516, %get3A_517, %get3A_518] {strides = array<i32>} : memref<3x64x256xf32, #tpu.memory_space<vmem>>, vector<1x1x16xf32>,
        %get3A_520 = vector.shape_cast %get3A_519 : vector<1x1x16xf32> to vector<16xf32>
        %get3A_521 = arith.constant 1 : i32
        %get3A_522 = arith.index_cast %get3A_521 : i32 to index
        %get3A_523 = arith.index_cast %scan3A_111 : i32 to index
        %get3A_524 = arith.constant 240 : index
        %get3A_525 = tpu.vector_load %arg12[%get3A_522, %get3A_523, %get3A_524] {strides = array<i32>} : memref<3x64x256xf32, #tpu.memory_space<vmem>>, vector<1x1x16xf32>,
        %get3A_526 = vector.shape_cast %get3A_525 : vector<1x1x16xf32> to vector<16xf32>
        %add3A_527 = arith.addf %get3A_520, %get3A_526 : vector<16xf32>
        %get3A_528 = arith.constant 2 : i32
        %get3A_529 = arith.index_cast %get3A_528 : i32 to index
        %get3A_530 = arith.index_cast %scan3A_111 : i32 to index
        %get3A_531 = arith.constant 240 : index
        %get3A_532 = tpu.vector_load %arg12[%get3A_529, %get3A_530, %get3A_531] {strides = array<i32>} : memref<3x64x256xf32, #tpu.memory_space<vmem>>, vector<1x1x16xf32>,
        %get3A_533 = vector.shape_cast %get3A_532 : vector<1x1x16xf32> to vector<16xf32>
        %add3A_534 = arith.addf %add3A_527, %get3A_533 : vector<16xf32>
        %swap3A_535 = arith.constant 0 : i32
        %swap3A_536 = arith.index_cast %swap3A_535 : i32 to index
        %swap3A_537 = arith.index_cast %scan3A_111 : i32 to index
        %swap3A_538 = arith.constant 240 : index
        %swap3A_539 = tpu.vector_load %arg12[%swap3A_536, %swap3A_537, %swap3A_538] {strides = array<i32>} : memref<3x64x256xf32, #tpu.memory_space<vmem>>, vector<1x1x16xf32>,
        %swap3A_540 = vector.shape_cast %swap3A_539 : vector<1x1x16xf32> to vector<16xf32>
        %swap3A_541 = vector.shape_cast %add3A_534 : vector<16xf32> to vector<1x1x16xf32>
        tpu.vector_store %arg12[%swap3A_536, %swap3A_537, %swap3A_538], %swap3A_541 {strides = array<i32>} : memref<3x64x256xf32, #tpu.memory_space<vmem>>, vector<1x1x16xf32>,
      }
      %scan3A_93 = arith.constant 64 : i32
      %mul3A_94 = arith.constant 64 : i32
      %mul3A_95 = arith.muli %mul3A_39, %mul3A_94 : i32
      %add3A_96 = arith.addi %mul3A_2, %mul3A_95 : i32
      %run_scoped3A = arith.constant 0 : i32
      "tpu.region"() ({
        %run_scoped3A_111 = tpu.sem_alloc : memref<!tpu.dma_semaphore, #tpu.memory_space<semaphore_mem>>
        %dma_start3A_112 = arith.constant 0 : i32
        %dma_start3A_113 = arith.constant 0 : i32
        %dma_start3A_114 = tpu.memref_slice %arg12[%run_scoped3A, %dma_start3A_112, %dma_start3A_113] : memref<3x64x256xf32, #tpu.memory_space<vmem>> -> memref<1x64x256xf32, #tpu.memory_space<vmem>>
        %dma_start3A_115 = tpu.memref_squeeze %dma_start3A_114 : memref<1x64x256xf32, #tpu.memory_space<vmem>> -> memref<64x256xf32, #tpu.memory_space<vmem>>
        %dma_start3A_116 = arith.constant 0 : i32
        %dma_start3A_117 = tpu.memref_slice %arg8[%add3A_96, %dma_start3A_116] : memref<204800x256xf32, #tpu.memory_space<hbm>> -> memref<64x256xf32, #tpu.memory_space<hbm>>
        %dma_start3A_118 = arith.constant 0 : i32
        %dma_start3A_119 = tpu.memref_slice %arg8[%add3A_96, %dma_start3A_118] : memref<204800x256xf32, #tpu.memory_space<hbm>> -> memref<64x256xf32, #tpu.memory_space<hbm>>
        %dma_start3A_120 = arith.constant 0 : i32
        %dma_start3A_121 = arith.constant 0 : i32
        %dma_start3A_122 = tpu.memref_slice %arg12[%run_scoped3A, %dma_start3A_120, %dma_start3A_121] : memref<3x64x256xf32, #tpu.memory_space<vmem>> -> memref<1x64x256xf32, #tpu.memory_space<vmem>>
        %dma_start3A_123 = tpu.memref_squeeze %dma_start3A_122 : memref<1x64x256xf32, #tpu.memory_space<vmem>> -> memref<64x256xf32, #tpu.memory_space<vmem>>
        tpu.enqueue_dma source(%dma_start3A_123 : memref<64x256xf32, #tpu.memory_space<vmem>>) target(%dma_start3A_119 : memref<64x256xf32, #tpu.memory_space<hbm>>) target_semaphore(%run_scoped3A_111 : memref<!tpu.dma_semaphore, #tpu.memory_space<semaphore_mem>>)
        %dma_wait3A_124 = arith.constant 0 : i32
        %dma_wait3A_125 = arith.constant 0 : i32
        %dma_wait3A_126 = tpu.memref_slice %arg12[%run_scoped3A, %dma_wait3A_124, %dma_wait3A_125] : memref<3x64x256xf32, #tpu.memory_space<vmem>> -> memref<1x64x256xf32, #tpu.memory_space<vmem>>
        %dma_wait3A_127 = tpu.memref_squeeze %dma_wait3A_126 : memref<1x64x256xf32, #tpu.memory_space<vmem>> -> memref<64x256xf32, #tpu.memory_space<vmem>>
        %dma_wait3A_128 = arith.constant 0 : i32
        %dma_wait3A_129 = tpu.memref_slice %arg8[%add3A_96, %dma_wait3A_128] : memref<204800x256xf32, #tpu.memory_space<hbm>> -> memref<64x256xf32, #tpu.memory_space<hbm>>
        %dma_wait3A_130 = arith.constant 0 : i32
        %dma_wait3A_131 = tpu.memref_slice %arg8[%add3A_96, %dma_wait3A_130] : memref<204800x256xf32, #tpu.memory_space<hbm>> -> memref<64x256xf32, #tpu.memory_space<hbm>>
        %dma_wait3A_132 = arith.constant 0 : i32
        %dma_wait3A_133 = arith.constant 0 : i32
        %dma_wait3A_134 = tpu.memref_slice %arg12[%run_scoped3A, %dma_wait3A_132, %dma_wait3A_133] : memref<3x64x256xf32, #tpu.memory_space<vmem>> -> memref<1x64x256xf32, #tpu.memory_space<vmem>>
        %dma_wait3A_135 = tpu.memref_squeeze %dma_wait3A_134 : memref<1x64x256xf32, #tpu.memory_space<vmem>> -> memref<64x256xf32, #tpu.memory_space<vmem>>
        tpu.wait_dma2 semaphore(%run_scoped3A_111 : memref<!tpu.dma_semaphore, #tpu.memory_space<semaphore_mem>>) src(%dma_wait3A_135 : memref<64x256xf32, #tpu.memory_space<vmem>>) dst(%dma_wait3A_131 : memref<64x256xf32, #tpu.memory_space<hbm>>)
        tpu.yield
      }) : () -> ()
      %add3A_97 = arith.constant 2 : i32
      %add3A_98 = arith.addi %mul3A_39, %add3A_97 : i32
      %lt3A_99 = arith.constant 100 : i32
      %lt3A_100 = arith.cmpi slt, %add3A_98, %lt3A_99 : i32
      %convert_element_type3A_101 = arith.extui %lt3A_100 : i1 to i32
      %cond3A_102 = arith.constant 0 : i32
      %cond3A_103 = arith.cmpi ne, %convert_element_type3A_101, %cond3A_102 : i32
      scf.if %cond3A_103 {
        %add3A_111 = arith.constant 2 : i32
        %add3A_112 = arith.addi %mul3A_39, %add3A_111 : i32
        %mul3A_113 = arith.constant 64 : i32
        %mul3A_114 = arith.muli %add3A_112, %mul3A_113 : i32
        %dma_start3A_115 = arith.constant 0 : i32
        %dma_start3A_116 = arith.constant 0 : i32
        %dma_start3A_117 = arith.constant 0 : i32
        %dma_start3A_118 = tpu.memref_slice %arg12[%dma_start3A_115, %dma_start3A_116, %dma_start3A_117] : memref<3x64x256xf32, #tpu.memory_space<vmem>> -> memref<1x64x256xf32, #tpu.memory_space<vmem>>
        %dma_start3A_119 = tpu.memref_squeeze %dma_start3A_118 : memref<1x64x256xf32, #tpu.memory_space<vmem>> -> memref<64x256xf32, #tpu.memory_space<vmem>>
        %dma_start3A_120 = tpu.memref_slice %arg9[%mul3A_114] : memref<6400xi32, #tpu.memory_space<vmem>> -> memref<64xi32, #tpu.memory_space<vmem>>
        %dma_start3A_121 = arith.constant 0 : i32
        %dma_start3A_122 = arith.constant 0 : i32
        %dma_start3A_123 = tpu.memref_slice %arg5[%dma_start3A_121, %dma_start3A_122] : memref<65536x256xf32, #tpu.memory_space<hbm>> -> memref<65536x256xf32, #tpu.memory_space<hbm>>
        tpu.enqueue_indirect_dma source(%dma_start3A_123 : memref<65536x256xf32, #tpu.memory_space<hbm>>) target(%dma_start3A_119 : memref<64x256xf32, #tpu.memory_space<vmem>>) offsets(%dma_start3A_120 : memref<64xi32, #tpu.memory_space<vmem>>) semaphore(%arg14 : memref<!tpu.dma_semaphore, #tpu.memory_space<semaphore_mem>>)
        %dma_start3A_124 = arith.constant 1 : i32
        %dma_start3A_125 = arith.constant 0 : i32
        %dma_start3A_126 = arith.constant 0 : i32
        %dma_start3A_127 = tpu.memref_slice %arg12[%dma_start3A_124, %dma_start3A_125, %dma_start3A_126] : memref<3x64x256xf32, #tpu.memory_space<vmem>> -> memref<1x64x256xf32, #tpu.memory_space<vmem>>
        %dma_start3A_128 = tpu.memref_squeeze %dma_start3A_127 : memref<1x64x256xf32, #tpu.memory_space<vmem>> -> memref<64x256xf32, #tpu.memory_space<vmem>>
        %dma_start3A_129 = tpu.memref_slice %arg10[%mul3A_114] : memref<6400xi32, #tpu.memory_space<vmem>> -> memref<64xi32, #tpu.memory_space<vmem>>
        %dma_start3A_130 = arith.constant 0 : i32
        %dma_start3A_131 = arith.constant 0 : i32
        %dma_start3A_132 = tpu.memref_slice %arg6[%dma_start3A_130, %dma_start3A_131] : memref<4096x256xf32, #tpu.memory_space<hbm>> -> memref<4096x256xf32, #tpu.memory_space<hbm>>
        tpu.enqueue_indirect_dma source(%dma_start3A_132 : memref<4096x256xf32, #tpu.memory_space<hbm>>) target(%dma_start3A_128 : memref<64x256xf32, #tpu.memory_space<vmem>>) offsets(%dma_start3A_129 : memref<64xi32, #tpu.memory_space<vmem>>) semaphore(%arg14 : memref<!tpu.dma_semaphore, #tpu.memory_space<semaphore_mem>>)
        %dma_start3A_133 = arith.constant 2 : i32
        %dma_start3A_134 = arith.constant 0 : i32
        %dma_start3A_135 = arith.constant 0 : i32
        %dma_start3A_136 = tpu.memref_slice %arg12[%dma_start3A_133, %dma_start3A_134, %dma_start3A_135] : memref<3x64x256xf32, #tpu.memory_space<vmem>> -> memref<1x64x256xf32, #tpu.memory_space<vmem>>
        %dma_start3A_137 = tpu.memref_squeeze %dma_start3A_136 : memref<1x64x256xf32, #tpu.memory_space<vmem>> -> memref<64x256xf32, #tpu.memory_space<vmem>>
        %dma_start3A_138 = tpu.memref_slice %arg11[%mul3A_114] : memref<6400xi32, #tpu.memory_space<vmem>> -> memref<64xi32, #tpu.memory_space<vmem>>
        %dma_start3A_139 = arith.constant 0 : i32
        %dma_start3A_140 = arith.constant 0 : i32
        %dma_start3A_141 = tpu.memref_slice %arg7[%dma_start3A_139, %dma_start3A_140] : memref<65536x256xf32, #tpu.memory_space<hbm>> -> memref<65536x256xf32, #tpu.memory_space<hbm>>
        tpu.enqueue_indirect_dma source(%dma_start3A_141 : memref<65536x256xf32, #tpu.memory_space<hbm>>) target(%dma_start3A_137 : memref<64x256xf32, #tpu.memory_space<vmem>>) offsets(%dma_start3A_138 : memref<64xi32, #tpu.memory_space<vmem>>) semaphore(%arg14 : memref<!tpu.dma_semaphore, #tpu.memory_space<semaphore_mem>>)
      } else {
      }
      %add3A_104 = arith.constant 1 : i32
      %add3A_105 = arith.addi %mul3A_39, %add3A_104 : i32
      %lt3A_106 = arith.constant 100 : i32
      %lt3A_107 = arith.cmpi slt, %add3A_105, %lt3A_106 : i32
      %convert_element_type3A_108 = arith.extui %lt3A_107 : i1 to i32
      %cond3A_109 = arith.constant 0 : i32
      %cond3A_110 = arith.cmpi ne, %convert_element_type3A_108, %cond3A_109 : i32
      scf.if %cond3A_110 {
        %add3A_111 = arith.constant 1 : i32
        %add3A_112 = arith.addi %mul3A_39, %add3A_111 : i32
        %dma_wait3A_113 = arith.constant 0 : i32
        %dma_wait3A_114 = arith.constant 0 : i32
        %dma_wait3A_115 = arith.constant 0 : i32
        %dma_wait3A_116 = tpu.memref_slice %arg13[%dma_wait3A_113, %dma_wait3A_114, %dma_wait3A_115] : memref<3x64x256xf32, #tpu.memory_space<vmem>> -> memref<1x64x256xf32, #tpu.memory_space<vmem>>
        %dma_wait3A_117 = tpu.memref_squeeze %dma_wait3A_116 : memref<1x64x256xf32, #tpu.memory_space<vmem>> -> memref<64x256xf32, #tpu.memory_space<vmem>>
        %dma_wait3A_118 = arith.constant 0 : i32
        %dma_wait3A_119 = arith.constant 0 : i32
        %dma_wait3A_120 = tpu.memref_slice %arg8[%dma_wait3A_118, %dma_wait3A_119] : memref<204800x256xf32, #tpu.memory_space<hbm>> -> memref<64x256xf32, #tpu.memory_space<hbm>>
        %dma_wait3A_121 = arith.constant 0 : i32
        %dma_wait3A_122 = arith.constant 0 : i32
        %dma_wait3A_123 = tpu.memref_slice %arg13[%dma_wait3A_113, %dma_wait3A_121, %dma_wait3A_122] : memref<3x64x256xf32, #tpu.memory_space<vmem>> -> memref<1x64x256xf32, #tpu.memory_space<vmem>>
        %dma_wait3A_124 = tpu.memref_squeeze %dma_wait3A_123 : memref<1x64x256xf32, #tpu.memory_space<vmem>> -> memref<64x256xf32, #tpu.memory_space<vmem>>
        %dma_wait3A_125 = arith.constant 0 : i32
        %dma_wait3A_126 = arith.constant 0 : i32
        %dma_wait3A_127 = tpu.memref_slice %arg8[%dma_wait3A_125, %dma_wait3A_126] : memref<204800x256xf32, #tpu.memory_space<hbm>> -> memref<64x256xf32, #tpu.memory_space<hbm>>
        tpu.wait_dma2 semaphore(%arg15 : memref<!tpu.dma_semaphore, #tpu.memory_space<semaphore_mem>>) src(%dma_wait3A_127 : memref<64x256xf32, #tpu.memory_space<hbm>>) dst(%dma_wait3A_124 : memref<64x256xf32, #tpu.memory_space<vmem>>)
        %dma_wait3A_128 = arith.constant 1 : i32
        %dma_wait3A_129 = arith.constant 0 : i32
        %dma_wait3A_130 = arith.constant 0 : i32
        %dma_wait3A_131 = tpu.memref_slice %arg13[%dma_wait3A_128, %dma_wait3A_129, %dma_wait3A_130] : memref<3x64x256xf32, #tpu.memory_space<vmem>> -> memref<1x64x256xf32, #tpu.memory_space<vmem>>
        %dma_wait3A_132 = tpu.memref_squeeze %dma_wait3A_131 : memref<1x64x256xf32, #tpu.memory_space<vmem>> -> memref<64x256xf32, #tpu.memory_space<vmem>>
        %dma_wait3A_133 = arith.constant 0 : i32
        %dma_wait3A_134 = arith.constant 0 : i32
        %dma_wait3A_135 = tpu.memref_slice %arg8[%dma_wait3A_133, %dma_wait3A_134] : memref<204800x256xf32, #tpu.memory_space<hbm>> -> memref<64x256xf32, #tpu.memory_space<hbm>>
        %dma_wait3A_136 = arith.constant 0 : i32
        %dma_wait3A_137 = arith.constant 0 : i32
        %dma_wait3A_138 = tpu.memref_slice %arg13[%dma_wait3A_128, %dma_wait3A_136, %dma_wait3A_137] : memref<3x64x256xf32, #tpu.memory_space<vmem>> -> memref<1x64x256xf32, #tpu.memory_space<vmem>>
        %dma_wait3A_139 = tpu.memref_squeeze %dma_wait3A_138 : memref<1x64x256xf32, #tpu.memory_space<vmem>> -> memref<64x256xf32, #tpu.memory_space<vmem>>
        %dma_wait3A_140 = arith.constant 0 : i32
        %dma_wait3A_141 = arith.constant 0 : i32
        %dma_wait3A_142 = tpu.memref_slice %arg8[%dma_wait3A_140, %dma_wait3A_141] : memref<204800x256xf32, #tpu.memory_space<hbm>> -> memref<64x256xf32, #tpu.memory_space<hbm>>
        tpu.wait_dma2 semaphore(%arg15 : memref<!tpu.dma_semaphore, #tpu.memory_space<semaphore_mem>>) src(%dma_wait3A_142 : memref<64x256xf32, #tpu.memory_space<hbm>>) dst(%dma_wait3A_139 : memref<64x256xf32, #tpu.memory_space<vmem>>)
        %dma_wait3A_143 = arith.constant 2 : i32
        %dma_wait3A_144 = arith.constant 0 : i32
        %dma_wait3A_145 = arith.constant 0 : i32
        %dma_wait3A_146 = tpu.memref_slice %arg13[%dma_wait3A_143, %dma_wait3A_144, %dma_wait3A_145] : memref<3x64x256xf32, #tpu.memory_space<vmem>> -> memref<1x64x256xf32, #tpu.memory_space<vmem>>
        %dma_wait3A_147 = tpu.memref_squeeze %dma_wait3A_146 : memref<1x64x256xf32, #tpu.memory_space<vmem>> -> memref<64x256xf32, #tpu.memory_space<vmem>>
        %dma_wait3A_148 = arith.constant 0 : i32
        %dma_wait3A_149 = arith.constant 0 : i32
        %dma_wait3A_150 = tpu.memref_slice %arg8[%dma_wait3A_148, %dma_wait3A_149] : memref<204800x256xf32, #tpu.memory_space<hbm>> -> memref<64x256xf32, #tpu.memory_space<hbm>>
        %dma_wait3A_151 = arith.constant 0 : i32
        %dma_wait3A_152 = arith.constant 0 : i32
        %dma_wait3A_153 = tpu.memref_slice %arg13[%dma_wait3A_143, %dma_wait3A_151, %dma_wait3A_152] : memref<3x64x256xf32, #tpu.memory_space<vmem>> -> memref<1x64x256xf32, #tpu.memory_space<vmem>>
        %dma_wait3A_154 = tpu.memref_squeeze %dma_wait3A_153 : memref<1x64x256xf32, #tpu.memory_space<vmem>> -> memref<64x256xf32, #tpu.memory_space<vmem>>
        %dma_wait3A_155 = arith.constant 0 : i32
        %dma_wait3A_156 = arith.constant 0 : i32
        %dma_wait3A_157 = tpu.memref_slice %arg8[%dma_wait3A_155, %dma_wait3A_156] : memref<204800x256xf32, #tpu.memory_space<hbm>> -> memref<64x256xf32, #tpu.memory_space<hbm>>
        tpu.wait_dma2 semaphore(%arg15 : memref<!tpu.dma_semaphore, #tpu.memory_space<semaphore_mem>>) src(%dma_wait3A_157 : memref<64x256xf32, #tpu.memory_space<hbm>>) dst(%dma_wait3A_154 : memref<64x256xf32, #tpu.memory_space<vmem>>)
        %scan3A_158 = arith.constant 0 : i32
        %scan3A_159 = arith.constant 0 : i32
        %scan3A_160 = arith.constant 64 : i32
        %scan3A_161 = arith.addi %scan3A_159, %scan3A_160 : i32
        %scan3A_162 = arith.constant 1 : i32
        scf.for %scan3A_168 = %scan3A_159 to %scan3A_161 step %scan3A_162  : i32 {
          %get3A = arith.constant 0 : i32
          %get3A_169 = arith.index_cast %get3A : i32 to index
          %get3A_170 = arith.index_cast %scan3A_168 : i32 to index
          %get3A_171 = arith.constant 0 : index
          %get3A_172 = tpu.vector_load %arg13[%get3A_169, %get3A_170, %get3A_171] {strides = array<i32>} : memref<3x64x256xf32, #tpu.memory_space<vmem>>, vector<1x1x16xf32>,
          %get3A_173 = vector.shape_cast %get3A_172 : vector<1x1x16xf32> to vector<16xf32>
          %get3A_174 = arith.constant 1 : i32
          %get3A_175 = arith.index_cast %get3A_174 : i32 to index
          %get3A_176 = arith.index_cast %scan3A_168 : i32 to index
          %get3A_177 = arith.constant 0 : index
          %get3A_178 = tpu.vector_load %arg13[%get3A_175, %get3A_176, %get3A_177] {strides = array<i32>} : memref<3x64x256xf32, #tpu.memory_space<vmem>>, vector<1x1x16xf32>,
          %get3A_179 = vector.shape_cast %get3A_178 : vector<1x1x16xf32> to vector<16xf32>
          %add3A_180 = arith.addf %get3A_173, %get3A_179 : vector<16xf32>
          %get3A_181 = arith.constant 2 : i32
          %get3A_182 = arith.index_cast %get3A_181 : i32 to index
          %get3A_183 = arith.index_cast %scan3A_168 : i32 to index
          %get3A_184 = arith.constant 0 : index
          %get3A_185 = tpu.vector_load %arg13[%get3A_182, %get3A_183, %get3A_184] {strides = array<i32>} : memref<3x64x256xf32, #tpu.memory_space<vmem>>, vector<1x1x16xf32>,
          %get3A_186 = vector.shape_cast %get3A_185 : vector<1x1x16xf32> to vector<16xf32>
          %add3A_187 = arith.addf %add3A_180, %get3A_186 : vector<16xf32>
          %swap3A = arith.constant 0 : i32
          %swap3A_188 = arith.index_cast %swap3A : i32 to index
          %swap3A_189 = arith.index_cast %scan3A_168 : i32 to index
          %swap3A_190 = arith.constant 0 : index
          %swap3A_191 = tpu.vector_load %arg13[%swap3A_188, %swap3A_189, %swap3A_190] {strides = array<i32>} : memref<3x64x256xf32, #tpu.memory_space<vmem>>, vector<1x1x16xf32>,
          %swap3A_192 = vector.shape_cast %swap3A_191 : vector<1x1x16xf32> to vector<16xf32>
          %swap3A_193 = vector.shape_cast %add3A_187 : vector<16xf32> to vector<1x1x16xf32>
          tpu.vector_store %arg13[%swap3A_188, %swap3A_189, %swap3A_190], %swap3A_193 {strides = array<i32>} : memref<3x64x256xf32, #tpu.memory_space<vmem>>, vector<1x1x16xf32>,
          %get3A_194 = arith.constant 0 : i32
          %get3A_195 = arith.index_cast %get3A_194 : i32 to index
          %get3A_196 = arith.index_cast %scan3A_168 : i32 to index
          %get3A_197 = arith.constant 16 : index
          %get3A_198 = tpu.vector_load %arg13[%get3A_195, %get3A_196, %get3A_197] {strides = array<i32>} : memref<3x64x256xf32, #tpu.memory_space<vmem>>, vector<1x1x16xf32>,
          %get3A_199 = vector.shape_cast %get3A_198 : vector<1x1x16xf32> to vector<16xf32>
          %get3A_200 = arith.constant 1 : i32
          %get3A_201 = arith.index_cast %get3A_200 : i32 to index
          %get3A_202 = arith.index_cast %scan3A_168 : i32 to index
          %get3A_203 = arith.constant 16 : index
          %get3A_204 = tpu.vector_load %arg13[%get3A_201, %get3A_202, %get3A_203] {strides = array<i32>} : memref<3x64x256xf32, #tpu.memory_space<vmem>>, vector<1x1x16xf32>,
          %get3A_205 = vector.shape_cast %get3A_204 : vector<1x1x16xf32> to vector<16xf32>
          %add3A_206 = arith.addf %get3A_199, %get3A_205 : vector<16xf32>
          %get3A_207 = arith.constant 2 : i32
          %get3A_208 = arith.index_cast %get3A_207 : i32 to index
          %get3A_209 = arith.index_cast %scan3A_168 : i32 to index
          %get3A_210 = arith.constant 16 : index
          %get3A_211 = tpu.vector_load %arg13[%get3A_208, %get3A_209, %get3A_210] {strides = array<i32>} : memref<3x64x256xf32, #tpu.memory_space<vmem>>, vector<1x1x16xf32>,
          %get3A_212 = vector.shape_cast %get3A_211 : vector<1x1x16xf32> to vector<16xf32>
          %add3A_213 = arith.addf %add3A_206, %get3A_212 : vector<16xf32>
          %swap3A_214 = arith.constant 0 : i32
          %swap3A_215 = arith.index_cast %swap3A_214 : i32 to index
          %swap3A_216 = arith.index_cast %scan3A_168 : i32 to index
          %swap3A_217 = arith.constant 16 : index
          %swap3A_218 = tpu.vector_load %arg13[%swap3A_215, %swap3A_216, %swap3A_217] {strides = array<i32>} : memref<3x64x256xf32, #tpu.memory_space<vmem>>, vector<1x1x16xf32>,
          %swap3A_219 = vector.shape_cast %swap3A_218 : vector<1x1x16xf32> to vector<16xf32>
          %swap3A_220 = vector.shape_cast %add3A_213 : vector<16xf32> to vector<1x1x16xf32>
          tpu.vector_store %arg13[%swap3A_215, %swap3A_216, %swap3A_217], %swap3A_220 {strides = array<i32>} : memref<3x64x256xf32, #tpu.memory_space<vmem>>, vector<1x1x16xf32>,
          %get3A_221 = arith.constant 0 : i32
          %get3A_222 = arith.index_cast %get3A_221 : i32 to index
          %get3A_223 = arith.index_cast %scan3A_168 : i32 to index
          %get3A_224 = arith.constant 32 : index
          %get3A_225 = tpu.vector_load %arg13[%get3A_222, %get3A_223, %get3A_224] {strides = array<i32>} : memref<3x64x256xf32, #tpu.memory_space<vmem>>, vector<1x1x16xf32>,
          %get3A_226 = vector.shape_cast %get3A_225 : vector<1x1x16xf32> to vector<16xf32>
          %get3A_227 = arith.constant 1 : i32
          %get3A_228 = arith.index_cast %get3A_227 : i32 to index
          %get3A_229 = arith.index_cast %scan3A_168 : i32 to index
          %get3A_230 = arith.constant 32 : index
          %get3A_231 = tpu.vector_load %arg13[%get3A_228, %get3A_229, %get3A_230] {strides = array<i32>} : memref<3x64x256xf32, #tpu.memory_space<vmem>>, vector<1x1x16xf32>,
          %get3A_232 = vector.shape_cast %get3A_231 : vector<1x1x16xf32> to vector<16xf32>
          %add3A_233 = arith.addf %get3A_226, %get3A_232 : vector<16xf32>
          %get3A_234 = arith.constant 2 : i32
          %get3A_235 = arith.index_cast %get3A_234 : i32 to index
          %get3A_236 = arith.index_cast %scan3A_168 : i32 to index
          %get3A_237 = arith.constant 32 : index
          %get3A_238 = tpu.vector_load %arg13[%get3A_235, %get3A_236, %get3A_237] {strides = array<i32>} : memref<3x64x256xf32, #tpu.memory_space<vmem>>, vector<1x1x16xf32>,
          %get3A_239 = vector.shape_cast %get3A_238 : vector<1x1x16xf32> to vector<16xf32>
          %add3A_240 = arith.addf %add3A_233, %get3A_239 : vector<16xf32>
          %swap3A_241 = arith.constant 0 : i32
          %swap3A_242 = arith.index_cast %swap3A_241 : i32 to index
          %swap3A_243 = arith.index_cast %scan3A_168 : i32 to index
          %swap3A_244 = arith.constant 32 : index
          %swap3A_245 = tpu.vector_load %arg13[%swap3A_242, %swap3A_243, %swap3A_244] {strides = array<i32>} : memref<3x64x256xf32, #tpu.memory_space<vmem>>, vector<1x1x16xf32>,
          %swap3A_246 = vector.shape_cast %swap3A_245 : vector<1x1x16xf32> to vector<16xf32>
          %swap3A_247 = vector.shape_cast %add3A_240 : vector<16xf32> to vector<1x1x16xf32>
          tpu.vector_store %arg13[%swap3A_242, %swap3A_243, %swap3A_244], %swap3A_247 {strides = array<i32>} : memref<3x64x256xf32, #tpu.memory_space<vmem>>, vector<1x1x16xf32>,
          %get3A_248 = arith.constant 0 : i32
          %get3A_249 = arith.index_cast %get3A_248 : i32 to index
          %get3A_250 = arith.index_cast %scan3A_168 : i32 to index
          %get3A_251 = arith.constant 48 : index
          %get3A_252 = tpu.vector_load %arg13[%get3A_249, %get3A_250, %get3A_251] {strides = array<i32>} : memref<3x64x256xf32, #tpu.memory_space<vmem>>, vector<1x1x16xf32>,
          %get3A_253 = vector.shape_cast %get3A_252 : vector<1x1x16xf32> to vector<16xf32>
          %get3A_254 = arith.constant 1 : i32
          %get3A_255 = arith.index_cast %get3A_254 : i32 to index
          %get3A_256 = arith.index_cast %scan3A_168 : i32 to index
          %get3A_257 = arith.constant 48 : index
          %get3A_258 = tpu.vector_load %arg13[%get3A_255, %get3A_256, %get3A_257] {strides = array<i32>} : memref<3x64x256xf32, #tpu.memory_space<vmem>>, vector<1x1x16xf32>,
          %get3A_259 = vector.shape_cast %get3A_258 : vector<1x1x16xf32> to vector<16xf32>
          %add3A_260 = arith.addf %get3A_253, %get3A_259 : vector<16xf32>
          %get3A_261 = arith.constant 2 : i32
          %get3A_262 = arith.index_cast %get3A_261 : i32 to index
          %get3A_263 = arith.index_cast %scan3A_168 : i32 to index
          %get3A_264 = arith.constant 48 : index
          %get3A_265 = tpu.vector_load %arg13[%get3A_262, %get3A_263, %get3A_264] {strides = array<i32>} : memref<3x64x256xf32, #tpu.memory_space<vmem>>, vector<1x1x16xf32>,
          %get3A_266 = vector.shape_cast %get3A_265 : vector<1x1x16xf32> to vector<16xf32>
          %add3A_267 = arith.addf %add3A_260, %get3A_266 : vector<16xf32>
          %swap3A_268 = arith.constant 0 : i32
          %swap3A_269 = arith.index_cast %swap3A_268 : i32 to index
          %swap3A_270 = arith.index_cast %scan3A_168 : i32 to index
          %swap3A_271 = arith.constant 48 : index
          %swap3A_272 = tpu.vector_load %arg13[%swap3A_269, %swap3A_270, %swap3A_271] {strides = array<i32>} : memref<3x64x256xf32, #tpu.memory_space<vmem>>, vector<1x1x16xf32>,
          %swap3A_273 = vector.shape_cast %swap3A_272 : vector<1x1x16xf32> to vector<16xf32>
          %swap3A_274 = vector.shape_cast %add3A_267 : vector<16xf32> to vector<1x1x16xf32>
          tpu.vector_store %arg13[%swap3A_269, %swap3A_270, %swap3A_271], %swap3A_274 {strides = array<i32>} : memref<3x64x256xf32, #tpu.memory_space<vmem>>, vector<1x1x16xf32>,
          %get3A_275 = arith.constant 0 : i32
          %get3A_276 = arith.index_cast %get3A_275 : i32 to index
          %get3A_277 = arith.index_cast %scan3A_168 : i32 to index
          %get3A_278 = arith.constant 64 : index
          %get3A_279 = tpu.vector_load %arg13[%get3A_276, %get3A_277, %get3A_278] {strides = array<i32>} : memref<3x64x256xf32, #tpu.memory_space<vmem>>, vector<1x1x16xf32>,
          %get3A_280 = vector.shape_cast %get3A_279 : vector<1x1x16xf32> to vector<16xf32>
          %get3A_281 = arith.constant 1 : i32
          %get3A_282 = arith.index_cast %get3A_281 : i32 to index
          %get3A_283 = arith.index_cast %scan3A_168 : i32 to index
          %get3A_284 = arith.constant 64 : index
          %get3A_285 = tpu.vector_load %arg13[%get3A_282, %get3A_283, %get3A_284] {strides = array<i32>} : memref<3x64x256xf32, #tpu.memory_space<vmem>>, vector<1x1x16xf32>,
          %get3A_286 = vector.shape_cast %get3A_285 : vector<1x1x16xf32> to vector<16xf32>
          %add3A_287 = arith.addf %get3A_280, %get3A_286 : vector<16xf32>
          %get3A_288 = arith.constant 2 : i32
          %get3A_289 = arith.index_cast %get3A_288 : i32 to index
          %get3A_290 = arith.index_cast %scan3A_168 : i32 to index
          %get3A_291 = arith.constant 64 : index
          %get3A_292 = tpu.vector_load %arg13[%get3A_289, %get3A_290, %get3A_291] {strides = array<i32>} : memref<3x64x256xf32, #tpu.memory_space<vmem>>, vector<1x1x16xf32>,
          %get3A_293 = vector.shape_cast %get3A_292 : vector<1x1x16xf32> to vector<16xf32>
          %add3A_294 = arith.addf %add3A_287, %get3A_293 : vector<16xf32>
          %swap3A_295 = arith.constant 0 : i32
          %swap3A_296 = arith.index_cast %swap3A_295 : i32 to index
          %swap3A_297 = arith.index_cast %scan3A_168 : i32 to index
          %swap3A_298 = arith.constant 64 : index
          %swap3A_299 = tpu.vector_load %arg13[%swap3A_296, %swap3A_297, %swap3A_298] {strides = array<i32>} : memref<3x64x256xf32, #tpu.memory_space<vmem>>, vector<1x1x16xf32>,
          %swap3A_300 = vector.shape_cast %swap3A_299 : vector<1x1x16xf32> to vector<16xf32>
          %swap3A_301 = vector.shape_cast %add3A_294 : vector<16xf32> to vector<1x1x16xf32>
          tpu.vector_store %arg13[%swap3A_296, %swap3A_297, %swap3A_298], %swap3A_301 {strides = array<i32>} : memref<3x64x256xf32, #tpu.memory_space<vmem>>, vector<1x1x16xf32>,
          %get3A_302 = arith.constant 0 : i32
          %get3A_303 = arith.index_cast %get3A_302 : i32 to index
          %get3A_304 = arith.index_cast %scan3A_168 : i32 to index
          %get3A_305 = arith.constant 80 : index
          %get3A_306 = tpu.vector_load %arg13[%get3A_303, %get3A_304, %get3A_305] {strides = array<i32>} : memref<3x64x256xf32, #tpu.memory_space<vmem>>, vector<1x1x16xf32>,
          %get3A_307 = vector.shape_cast %get3A_306 : vector<1x1x16xf32> to vector<16xf32>
          %get3A_308 = arith.constant 1 : i32
          %get3A_309 = arith.index_cast %get3A_308 : i32 to index
          %get3A_310 = arith.index_cast %scan3A_168 : i32 to index
          %get3A_311 = arith.constant 80 : index
          %get3A_312 = tpu.vector_load %arg13[%get3A_309, %get3A_310, %get3A_311] {strides = array<i32>} : memref<3x64x256xf32, #tpu.memory_space<vmem>>, vector<1x1x16xf32>,
          %get3A_313 = vector.shape_cast %get3A_312 : vector<1x1x16xf32> to vector<16xf32>
          %add3A_314 = arith.addf %get3A_307, %get3A_313 : vector<16xf32>
          %get3A_315 = arith.constant 2 : i32
          %get3A_316 = arith.index_cast %get3A_315 : i32 to index
          %get3A_317 = arith.index_cast %scan3A_168 : i32 to index
          %get3A_318 = arith.constant 80 : index
          %get3A_319 = tpu.vector_load %arg13[%get3A_316, %get3A_317, %get3A_318] {strides = array<i32>} : memref<3x64x256xf32, #tpu.memory_space<vmem>>, vector<1x1x16xf32>,
          %get3A_320 = vector.shape_cast %get3A_319 : vector<1x1x16xf32> to vector<16xf32>
          %add3A_321 = arith.addf %add3A_314, %get3A_320 : vector<16xf32>
          %swap3A_322 = arith.constant 0 : i32
          %swap3A_323 = arith.index_cast %swap3A_322 : i32 to index
          %swap3A_324 = arith.index_cast %scan3A_168 : i32 to index
          %swap3A_325 = arith.constant 80 : index
          %swap3A_326 = tpu.vector_load %arg13[%swap3A_323, %swap3A_324, %swap3A_325] {strides = array<i32>} : memref<3x64x256xf32, #tpu.memory_space<vmem>>, vector<1x1x16xf32>,
          %swap3A_327 = vector.shape_cast %swap3A_326 : vector<1x1x16xf32> to vector<16xf32>
          %swap3A_328 = vector.shape_cast %add3A_321 : vector<16xf32> to vector<1x1x16xf32>
          tpu.vector_store %arg13[%swap3A_323, %swap3A_324, %swap3A_325], %swap3A_328 {strides = array<i32>} : memref<3x64x256xf32, #tpu.memory_space<vmem>>, vector<1x1x16xf32>,
          %get3A_329 = arith.constant 0 : i32
          %get3A_330 = arith.index_cast %get3A_329 : i32 to index
          %get3A_331 = arith.index_cast %scan3A_168 : i32 to index
          %get3A_332 = arith.constant 96 : index
          %get3A_333 = tpu.vector_load %arg13[%get3A_330, %get3A_331, %get3A_332] {strides = array<i32>} : memref<3x64x256xf32, #tpu.memory_space<vmem>>, vector<1x1x16xf32>,
          %get3A_334 = vector.shape_cast %get3A_333 : vector<1x1x16xf32> to vector<16xf32>
          %get3A_335 = arith.constant 1 : i32
          %get3A_336 = arith.index_cast %get3A_335 : i32 to index
          %get3A_337 = arith.index_cast %scan3A_168 : i32 to index
          %get3A_338 = arith.constant 96 : index
          %get3A_339 = tpu.vector_load %arg13[%get3A_336, %get3A_337, %get3A_338] {strides = array<i32>} : memref<3x64x256xf32, #tpu.memory_space<vmem>>, vector<1x1x16xf32>,
          %get3A_340 = vector.shape_cast %get3A_339 : vector<1x1x16xf32> to vector<16xf32>
          %add3A_341 = arith.addf %get3A_334, %get3A_340 : vector<16xf32>
          %get3A_342 = arith.constant 2 : i32
          %get3A_343 = arith.index_cast %get3A_342 : i32 to index
          %get3A_344 = arith.index_cast %scan3A_168 : i32 to index
          %get3A_345 = arith.constant 96 : index
          %get3A_346 = tpu.vector_load %arg13[%get3A_343, %get3A_344, %get3A_345] {strides = array<i32>} : memref<3x64x256xf32, #tpu.memory_space<vmem>>, vector<1x1x16xf32>,
          %get3A_347 = vector.shape_cast %get3A_346 : vector<1x1x16xf32> to vector<16xf32>
          %add3A_348 = arith.addf %add3A_341, %get3A_347 : vector<16xf32>
          %swap3A_349 = arith.constant 0 : i32
          %swap3A_350 = arith.index_cast %swap3A_349 : i32 to index
          %swap3A_351 = arith.index_cast %scan3A_168 : i32 to index
          %swap3A_352 = arith.constant 96 : index
          %swap3A_353 = tpu.vector_load %arg13[%swap3A_350, %swap3A_351, %swap3A_352] {strides = array<i32>} : memref<3x64x256xf32, #tpu.memory_space<vmem>>, vector<1x1x16xf32>,
          %swap3A_354 = vector.shape_cast %swap3A_353 : vector<1x1x16xf32> to vector<16xf32>
          %swap3A_355 = vector.shape_cast %add3A_348 : vector<16xf32> to vector<1x1x16xf32>
          tpu.vector_store %arg13[%swap3A_350, %swap3A_351, %swap3A_352], %swap3A_355 {strides = array<i32>} : memref<3x64x256xf32, #tpu.memory_space<vmem>>, vector<1x1x16xf32>,
          %get3A_356 = arith.constant 0 : i32
          %get3A_357 = arith.index_cast %get3A_356 : i32 to index
          %get3A_358 = arith.index_cast %scan3A_168 : i32 to index
          %get3A_359 = arith.constant 112 : index
          %get3A_360 = tpu.vector_load %arg13[%get3A_357, %get3A_358, %get3A_359] {strides = array<i32>} : memref<3x64x256xf32, #tpu.memory_space<vmem>>, vector<1x1x16xf32>,
          %get3A_361 = vector.shape_cast %get3A_360 : vector<1x1x16xf32> to vector<16xf32>
          %get3A_362 = arith.constant 1 : i32
          %get3A_363 = arith.index_cast %get3A_362 : i32 to index
          %get3A_364 = arith.index_cast %scan3A_168 : i32 to index
          %get3A_365 = arith.constant 112 : index
          %get3A_366 = tpu.vector_load %arg13[%get3A_363, %get3A_364, %get3A_365] {strides = array<i32>} : memref<3x64x256xf32, #tpu.memory_space<vmem>>, vector<1x1x16xf32>,
          %get3A_367 = vector.shape_cast %get3A_366 : vector<1x1x16xf32> to vector<16xf32>
          %add3A_368 = arith.addf %get3A_361, %get3A_367 : vector<16xf32>
          %get3A_369 = arith.constant 2 : i32
          %get3A_370 = arith.index_cast %get3A_369 : i32 to index
          %get3A_371 = arith.index_cast %scan3A_168 : i32 to index
          %get3A_372 = arith.constant 112 : index
          %get3A_373 = tpu.vector_load %arg13[%get3A_370, %get3A_371, %get3A_372] {strides = array<i32>} : memref<3x64x256xf32, #tpu.memory_space<vmem>>, vector<1x1x16xf32>,
          %get3A_374 = vector.shape_cast %get3A_373 : vector<1x1x16xf32> to vector<16xf32>
          %add3A_375 = arith.addf %add3A_368, %get3A_374 : vector<16xf32>
          %swap3A_376 = arith.constant 0 : i32
          %swap3A_377 = arith.index_cast %swap3A_376 : i32 to index
          %swap3A_378 = arith.index_cast %scan3A_168 : i32 to index
          %swap3A_379 = arith.constant 112 : index
          %swap3A_380 = tpu.vector_load %arg13[%swap3A_377, %swap3A_378, %swap3A_379] {strides = array<i32>} : memref<3x64x256xf32, #tpu.memory_space<vmem>>, vector<1x1x16xf32>,
          %swap3A_381 = vector.shape_cast %swap3A_380 : vector<1x1x16xf32> to vector<16xf32>
          %swap3A_382 = vector.shape_cast %add3A_375 : vector<16xf32> to vector<1x1x16xf32>
          tpu.vector_store %arg13[%swap3A_377, %swap3A_378, %swap3A_379], %swap3A_382 {strides = array<i32>} : memref<3x64x256xf32, #tpu.memory_space<vmem>>, vector<1x1x16xf32>,
          %get3A_383 = arith.constant 0 : i32
          %get3A_384 = arith.index_cast %get3A_383 : i32 to index
          %get3A_385 = arith.index_cast %scan3A_168 : i32 to index
          %get3A_386 = arith.constant 128 : index
          %get3A_387 = tpu.vector_load %arg13[%get3A_384, %get3A_385, %get3A_386] {strides = array<i32>} : memref<3x64x256xf32, #tpu.memory_space<vmem>>, vector<1x1x16xf32>,
          %get3A_388 = vector.shape_cast %get3A_387 : vector<1x1x16xf32> to vector<16xf32>
          %get3A_389 = arith.constant 1 : i32
          %get3A_390 = arith.index_cast %get3A_389 : i32 to index
          %get3A_391 = arith.index_cast %scan3A_168 : i32 to index
          %get3A_392 = arith.constant 128 : index
          %get3A_393 = tpu.vector_load %arg13[%get3A_390, %get3A_391, %get3A_392] {strides = array<i32>} : memref<3x64x256xf32, #tpu.memory_space<vmem>>, vector<1x1x16xf32>,
          %get3A_394 = vector.shape_cast %get3A_393 : vector<1x1x16xf32> to vector<16xf32>
          %add3A_395 = arith.addf %get3A_388, %get3A_394 : vector<16xf32>
          %get3A_396 = arith.constant 2 : i32
          %get3A_397 = arith.index_cast %get3A_396 : i32 to index
          %get3A_398 = arith.index_cast %scan3A_168 : i32 to index
          %get3A_399 = arith.constant 128 : index
          %get3A_400 = tpu.vector_load %arg13[%get3A_397, %get3A_398, %get3A_399] {strides = array<i32>} : memref<3x64x256xf32, #tpu.memory_space<vmem>>, vector<1x1x16xf32>,
          %get3A_401 = vector.shape_cast %get3A_400 : vector<1x1x16xf32> to vector<16xf32>
          %add3A_402 = arith.addf %add3A_395, %get3A_401 : vector<16xf32>
          %swap3A_403 = arith.constant 0 : i32
          %swap3A_404 = arith.index_cast %swap3A_403 : i32 to index
          %swap3A_405 = arith.index_cast %scan3A_168 : i32 to index
          %swap3A_406 = arith.constant 128 : index
          %swap3A_407 = tpu.vector_load %arg13[%swap3A_404, %swap3A_405, %swap3A_406] {strides = array<i32>} : memref<3x64x256xf32, #tpu.memory_space<vmem>>, vector<1x1x16xf32>,
          %swap3A_408 = vector.shape_cast %swap3A_407 : vector<1x1x16xf32> to vector<16xf32>
          %swap3A_409 = vector.shape_cast %add3A_402 : vector<16xf32> to vector<1x1x16xf32>
          tpu.vector_store %arg13[%swap3A_404, %swap3A_405, %swap3A_406], %swap3A_409 {strides = array<i32>} : memref<3x64x256xf32, #tpu.memory_space<vmem>>, vector<1x1x16xf32>,
          %get3A_410 = arith.constant 0 : i32
          %get3A_411 = arith.index_cast %get3A_410 : i32 to index
          %get3A_412 = arith.index_cast %scan3A_168 : i32 to index
          %get3A_413 = arith.constant 144 : index
          %get3A_414 = tpu.vector_load %arg13[%get3A_411, %get3A_412, %get3A_413] {strides = array<i32>} : memref<3x64x256xf32, #tpu.memory_space<vmem>>, vector<1x1x16xf32>,
          %get3A_415 = vector.shape_cast %get3A_414 : vector<1x1x16xf32> to vector<16xf32>
          %get3A_416 = arith.constant 1 : i32
          %get3A_417 = arith.index_cast %get3A_416 : i32 to index
          %get3A_418 = arith.index_cast %scan3A_168 : i32 to index
          %get3A_419 = arith.constant 144 : index
          %get3A_420 = tpu.vector_load %arg13[%get3A_417, %get3A_418, %get3A_419] {strides = array<i32>} : memref<3x64x256xf32, #tpu.memory_space<vmem>>, vector<1x1x16xf32>,
          %get3A_421 = vector.shape_cast %get3A_420 : vector<1x1x16xf32> to vector<16xf32>
          %add3A_422 = arith.addf %get3A_415, %get3A_421 : vector<16xf32>
          %get3A_423 = arith.constant 2 : i32
          %get3A_424 = arith.index_cast %get3A_423 : i32 to index
          %get3A_425 = arith.index_cast %scan3A_168 : i32 to index
          %get3A_426 = arith.constant 144 : index
          %get3A_427 = tpu.vector_load %arg13[%get3A_424, %get3A_425, %get3A_426] {strides = array<i32>} : memref<3x64x256xf32, #tpu.memory_space<vmem>>, vector<1x1x16xf32>,
          %get3A_428 = vector.shape_cast %get3A_427 : vector<1x1x16xf32> to vector<16xf32>
          %add3A_429 = arith.addf %add3A_422, %get3A_428 : vector<16xf32>
          %swap3A_430 = arith.constant 0 : i32
          %swap3A_431 = arith.index_cast %swap3A_430 : i32 to index
          %swap3A_432 = arith.index_cast %scan3A_168 : i32 to index
          %swap3A_433 = arith.constant 144 : index
          %swap3A_434 = tpu.vector_load %arg13[%swap3A_431, %swap3A_432, %swap3A_433] {strides = array<i32>} : memref<3x64x256xf32, #tpu.memory_space<vmem>>, vector<1x1x16xf32>,
          %swap3A_435 = vector.shape_cast %swap3A_434 : vector<1x1x16xf32> to vector<16xf32>
          %swap3A_436 = vector.shape_cast %add3A_429 : vector<16xf32> to vector<1x1x16xf32>
          tpu.vector_store %arg13[%swap3A_431, %swap3A_432, %swap3A_433], %swap3A_436 {strides = array<i32>} : memref<3x64x256xf32, #tpu.memory_space<vmem>>, vector<1x1x16xf32>,
          %get3A_437 = arith.constant 0 : i32
          %get3A_438 = arith.index_cast %get3A_437 : i32 to index
          %get3A_439 = arith.index_cast %scan3A_168 : i32 to index
          %get3A_440 = arith.constant 160 : index
          %get3A_441 = tpu.vector_load %arg13[%get3A_438, %get3A_439, %get3A_440] {strides = array<i32>} : memref<3x64x256xf32, #tpu.memory_space<vmem>>, vector<1x1x16xf32>,
          %get3A_442 = vector.shape_cast %get3A_441 : vector<1x1x16xf32> to vector<16xf32>
          %get3A_443 = arith.constant 1 : i32
          %get3A_444 = arith.index_cast %get3A_443 : i32 to index
          %get3A_445 = arith.index_cast %scan3A_168 : i32 to index
          %get3A_446 = arith.constant 160 : index
          %get3A_447 = tpu.vector_load %arg13[%get3A_444, %get3A_445, %get3A_446] {strides = array<i32>} : memref<3x64x256xf32, #tpu.memory_space<vmem>>, vector<1x1x16xf32>,
          %get3A_448 = vector.shape_cast %get3A_447 : vector<1x1x16xf32> to vector<16xf32>
          %add3A_449 = arith.addf %get3A_442, %get3A_448 : vector<16xf32>
          %get3A_450 = arith.constant 2 : i32
          %get3A_451 = arith.index_cast %get3A_450 : i32 to index
          %get3A_452 = arith.index_cast %scan3A_168 : i32 to index
          %get3A_453 = arith.constant 160 : index
          %get3A_454 = tpu.vector_load %arg13[%get3A_451, %get3A_452, %get3A_453] {strides = array<i32>} : memref<3x64x256xf32, #tpu.memory_space<vmem>>, vector<1x1x16xf32>,
          %get3A_455 = vector.shape_cast %get3A_454 : vector<1x1x16xf32> to vector<16xf32>
          %add3A_456 = arith.addf %add3A_449, %get3A_455 : vector<16xf32>
          %swap3A_457 = arith.constant 0 : i32
          %swap3A_458 = arith.index_cast %swap3A_457 : i32 to index
          %swap3A_459 = arith.index_cast %scan3A_168 : i32 to index
          %swap3A_460 = arith.constant 160 : index
          %swap3A_461 = tpu.vector_load %arg13[%swap3A_458, %swap3A_459, %swap3A_460] {strides = array<i32>} : memref<3x64x256xf32, #tpu.memory_space<vmem>>, vector<1x1x16xf32>,
          %swap3A_462 = vector.shape_cast %swap3A_461 : vector<1x1x16xf32> to vector<16xf32>
          %swap3A_463 = vector.shape_cast %add3A_456 : vector<16xf32> to vector<1x1x16xf32>
          tpu.vector_store %arg13[%swap3A_458, %swap3A_459, %swap3A_460], %swap3A_463 {strides = array<i32>} : memref<3x64x256xf32, #tpu.memory_space<vmem>>, vector<1x1x16xf32>,
          %get3A_464 = arith.constant 0 : i32
          %get3A_465 = arith.index_cast %get3A_464 : i32 to index
          %get3A_466 = arith.index_cast %scan3A_168 : i32 to index
          %get3A_467 = arith.constant 176 : index
          %get3A_468 = tpu.vector_load %arg13[%get3A_465, %get3A_466, %get3A_467] {strides = array<i32>} : memref<3x64x256xf32, #tpu.memory_space<vmem>>, vector<1x1x16xf32>,
          %get3A_469 = vector.shape_cast %get3A_468 : vector<1x1x16xf32> to vector<16xf32>
          %get3A_470 = arith.constant 1 : i32
          %get3A_471 = arith.index_cast %get3A_470 : i32 to index
          %get3A_472 = arith.index_cast %scan3A_168 : i32 to index
          %get3A_473 = arith.constant 176 : index
          %get3A_474 = tpu.vector_load %arg13[%get3A_471, %get3A_472, %get3A_473] {strides = array<i32>} : memref<3x64x256xf32, #tpu.memory_space<vmem>>, vector<1x1x16xf32>,
          %get3A_475 = vector.shape_cast %get3A_474 : vector<1x1x16xf32> to vector<16xf32>
          %add3A_476 = arith.addf %get3A_469, %get3A_475 : vector<16xf32>
          %get3A_477 = arith.constant 2 : i32
          %get3A_478 = arith.index_cast %get3A_477 : i32 to index
          %get3A_479 = arith.index_cast %scan3A_168 : i32 to index
          %get3A_480 = arith.constant 176 : index
          %get3A_481 = tpu.vector_load %arg13[%get3A_478, %get3A_479, %get3A_480] {strides = array<i32>} : memref<3x64x256xf32, #tpu.memory_space<vmem>>, vector<1x1x16xf32>,
          %get3A_482 = vector.shape_cast %get3A_481 : vector<1x1x16xf32> to vector<16xf32>
          %add3A_483 = arith.addf %add3A_476, %get3A_482 : vector<16xf32>
          %swap3A_484 = arith.constant 0 : i32
          %swap3A_485 = arith.index_cast %swap3A_484 : i32 to index
          %swap3A_486 = arith.index_cast %scan3A_168 : i32 to index
          %swap3A_487 = arith.constant 176 : index
          %swap3A_488 = tpu.vector_load %arg13[%swap3A_485, %swap3A_486, %swap3A_487] {strides = array<i32>} : memref<3x64x256xf32, #tpu.memory_space<vmem>>, vector<1x1x16xf32>,
          %swap3A_489 = vector.shape_cast %swap3A_488 : vector<1x1x16xf32> to vector<16xf32>
          %swap3A_490 = vector.shape_cast %add3A_483 : vector<16xf32> to vector<1x1x16xf32>
          tpu.vector_store %arg13[%swap3A_485, %swap3A_486, %swap3A_487], %swap3A_490 {strides = array<i32>} : memref<3x64x256xf32, #tpu.memory_space<vmem>>, vector<1x1x16xf32>,
          %get3A_491 = arith.constant 0 : i32
          %get3A_492 = arith.index_cast %get3A_491 : i32 to index
          %get3A_493 = arith.index_cast %scan3A_168 : i32 to index
          %get3A_494 = arith.constant 192 : index
          %get3A_495 = tpu.vector_load %arg13[%get3A_492, %get3A_493, %get3A_494] {strides = array<i32>} : memref<3x64x256xf32, #tpu.memory_space<vmem>>, vector<1x1x16xf32>,
          %get3A_496 = vector.shape_cast %get3A_495 : vector<1x1x16xf32> to vector<16xf32>
          %get3A_497 = arith.constant 1 : i32
          %get3A_498 = arith.index_cast %get3A_497 : i32 to index
          %get3A_499 = arith.index_cast %scan3A_168 : i32 to index
          %get3A_500 = arith.constant 192 : index
          %get3A_501 = tpu.vector_load %arg13[%get3A_498, %get3A_499, %get3A_500] {strides = array<i32>} : memref<3x64x256xf32, #tpu.memory_space<vmem>>, vector<1x1x16xf32>,
          %get3A_502 = vector.shape_cast %get3A_501 : vector<1x1x16xf32> to vector<16xf32>
          %add3A_503 = arith.addf %get3A_496, %get3A_502 : vector<16xf32>
          %get3A_504 = arith.constant 2 : i32
          %get3A_505 = arith.index_cast %get3A_504 : i32 to index
          %get3A_506 = arith.index_cast %scan3A_168 : i32 to index
          %get3A_507 = arith.constant 192 : index
          %get3A_508 = tpu.vector_load %arg13[%get3A_505, %get3A_506, %get3A_507] {strides = array<i32>} : memref<3x64x256xf32, #tpu.memory_space<vmem>>, vector<1x1x16xf32>,
          %get3A_509 = vector.shape_cast %get3A_508 : vector<1x1x16xf32> to vector<16xf32>
          %add3A_510 = arith.addf %add3A_503, %get3A_509 : vector<16xf32>
          %swap3A_511 = arith.constant 0 : i32
          %swap3A_512 = arith.index_cast %swap3A_511 : i32 to index
          %swap3A_513 = arith.index_cast %scan3A_168 : i32 to index
          %swap3A_514 = arith.constant 192 : index
          %swap3A_515 = tpu.vector_load %arg13[%swap3A_512, %swap3A_513, %swap3A_514] {strides = array<i32>} : memref<3x64x256xf32, #tpu.memory_space<vmem>>, vector<1x1x16xf32>,
          %swap3A_516 = vector.shape_cast %swap3A_515 : vector<1x1x16xf32> to vector<16xf32>
          %swap3A_517 = vector.shape_cast %add3A_510 : vector<16xf32> to vector<1x1x16xf32>
          tpu.vector_store %arg13[%swap3A_512, %swap3A_513, %swap3A_514], %swap3A_517 {strides = array<i32>} : memref<3x64x256xf32, #tpu.memory_space<vmem>>, vector<1x1x16xf32>,
          %get3A_518 = arith.constant 0 : i32
          %get3A_519 = arith.index_cast %get3A_518 : i32 to index
          %get3A_520 = arith.index_cast %scan3A_168 : i32 to index
          %get3A_521 = arith.constant 208 : index
          %get3A_522 = tpu.vector_load %arg13[%get3A_519, %get3A_520, %get3A_521] {strides = array<i32>} : memref<3x64x256xf32, #tpu.memory_space<vmem>>, vector<1x1x16xf32>,
          %get3A_523 = vector.shape_cast %get3A_522 : vector<1x1x16xf32> to vector<16xf32>
          %get3A_524 = arith.constant 1 : i32
          %get3A_525 = arith.index_cast %get3A_524 : i32 to index
          %get3A_526 = arith.index_cast %scan3A_168 : i32 to index
          %get3A_527 = arith.constant 208 : index
          %get3A_528 = tpu.vector_load %arg13[%get3A_525, %get3A_526, %get3A_527] {strides = array<i32>} : memref<3x64x256xf32, #tpu.memory_space<vmem>>, vector<1x1x16xf32>,
          %get3A_529 = vector.shape_cast %get3A_528 : vector<1x1x16xf32> to vector<16xf32>
          %add3A_530 = arith.addf %get3A_523, %get3A_529 : vector<16xf32>
          %get3A_531 = arith.constant 2 : i32
          %get3A_532 = arith.index_cast %get3A_531 : i32 to index
          %get3A_533 = arith.index_cast %scan3A_168 : i32 to index
          %get3A_534 = arith.constant 208 : index
          %get3A_535 = tpu.vector_load %arg13[%get3A_532, %get3A_533, %get3A_534] {strides = array<i32>} : memref<3x64x256xf32, #tpu.memory_space<vmem>>, vector<1x1x16xf32>,
          %get3A_536 = vector.shape_cast %get3A_535 : vector<1x1x16xf32> to vector<16xf32>
          %add3A_537 = arith.addf %add3A_530, %get3A_536 : vector<16xf32>
          %swap3A_538 = arith.constant 0 : i32
          %swap3A_539 = arith.index_cast %swap3A_538 : i32 to index
          %swap3A_540 = arith.index_cast %scan3A_168 : i32 to index
          %swap3A_541 = arith.constant 208 : index
          %swap3A_542 = tpu.vector_load %arg13[%swap3A_539, %swap3A_540, %swap3A_541] {strides = array<i32>} : memref<3x64x256xf32, #tpu.memory_space<vmem>>, vector<1x1x16xf32>,
          %swap3A_543 = vector.shape_cast %swap3A_542 : vector<1x1x16xf32> to vector<16xf32>
          %swap3A_544 = vector.shape_cast %add3A_537 : vector<16xf32> to vector<1x1x16xf32>
          tpu.vector_store %arg13[%swap3A_539, %swap3A_540, %swap3A_541], %swap3A_544 {strides = array<i32>} : memref<3x64x256xf32, #tpu.memory_space<vmem>>, vector<1x1x16xf32>,
          %get3A_545 = arith.constant 0 : i32
          %get3A_546 = arith.index_cast %get3A_545 : i32 to index
          %get3A_547 = arith.index_cast %scan3A_168 : i32 to index
          %get3A_548 = arith.constant 224 : index
          %get3A_549 = tpu.vector_load %arg13[%get3A_546, %get3A_547, %get3A_548] {strides = array<i32>} : memref<3x64x256xf32, #tpu.memory_space<vmem>>, vector<1x1x16xf32>,
          %get3A_550 = vector.shape_cast %get3A_549 : vector<1x1x16xf32> to vector<16xf32>
          %get3A_551 = arith.constant 1 : i32
          %get3A_552 = arith.index_cast %get3A_551 : i32 to index
          %get3A_553 = arith.index_cast %scan3A_168 : i32 to index
          %get3A_554 = arith.constant 224 : index
          %get3A_555 = tpu.vector_load %arg13[%get3A_552, %get3A_553, %get3A_554] {strides = array<i32>} : memref<3x64x256xf32, #tpu.memory_space<vmem>>, vector<1x1x16xf32>,
          %get3A_556 = vector.shape_cast %get3A_555 : vector<1x1x16xf32> to vector<16xf32>
          %add3A_557 = arith.addf %get3A_550, %get3A_556 : vector<16xf32>
          %get3A_558 = arith.constant 2 : i32
          %get3A_559 = arith.index_cast %get3A_558 : i32 to index
          %get3A_560 = arith.index_cast %scan3A_168 : i32 to index
          %get3A_561 = arith.constant 224 : index
          %get3A_562 = tpu.vector_load %arg13[%get3A_559, %get3A_560, %get3A_561] {strides = array<i32>} : memref<3x64x256xf32, #tpu.memory_space<vmem>>, vector<1x1x16xf32>,
          %get3A_563 = vector.shape_cast %get3A_562 : vector<1x1x16xf32> to vector<16xf32>
          %add3A_564 = arith.addf %add3A_557, %get3A_563 : vector<16xf32>
          %swap3A_565 = arith.constant 0 : i32
          %swap3A_566 = arith.index_cast %swap3A_565 : i32 to index
          %swap3A_567 = arith.index_cast %scan3A_168 : i32 to index
          %swap3A_568 = arith.constant 224 : index
          %swap3A_569 = tpu.vector_load %arg13[%swap3A_566, %swap3A_567, %swap3A_568] {strides = array<i32>} : memref<3x64x256xf32, #tpu.memory_space<vmem>>, vector<1x1x16xf32>,
          %swap3A_570 = vector.shape_cast %swap3A_569 : vector<1x1x16xf32> to vector<16xf32>
          %swap3A_571 = vector.shape_cast %add3A_564 : vector<16xf32> to vector<1x1x16xf32>
          tpu.vector_store %arg13[%swap3A_566, %swap3A_567, %swap3A_568], %swap3A_571 {strides = array<i32>} : memref<3x64x256xf32, #tpu.memory_space<vmem>>, vector<1x1x16xf32>,
          %get3A_572 = arith.constant 0 : i32
          %get3A_573 = arith.index_cast %get3A_572 : i32 to index
          %get3A_574 = arith.index_cast %scan3A_168 : i32 to index
          %get3A_575 = arith.constant 240 : index
          %get3A_576 = tpu.vector_load %arg13[%get3A_573, %get3A_574, %get3A_575] {strides = array<i32>} : memref<3x64x256xf32, #tpu.memory_space<vmem>>, vector<1x1x16xf32>,
          %get3A_577 = vector.shape_cast %get3A_576 : vector<1x1x16xf32> to vector<16xf32>
          %get3A_578 = arith.constant 1 : i32
          %get3A_579 = arith.index_cast %get3A_578 : i32 to index
          %get3A_580 = arith.index_cast %scan3A_168 : i32 to index
          %get3A_581 = arith.constant 240 : index
          %get3A_582 = tpu.vector_load %arg13[%get3A_579, %get3A_580, %get3A_581] {strides = array<i32>} : memref<3x64x256xf32, #tpu.memory_space<vmem>>, vector<1x1x16xf32>,
          %get3A_583 = vector.shape_cast %get3A_582 : vector<1x1x16xf32> to vector<16xf32>
          %add3A_584 = arith.addf %get3A_577, %get3A_583 : vector<16xf32>
          %get3A_585 = arith.constant 2 : i32
          %get3A_586 = arith.index_cast %get3A_585 : i32 to index
          %get3A_587 = arith.index_cast %scan3A_168 : i32 to index
          %get3A_588 = arith.constant 240 : index
          %get3A_589 = tpu.vector_load %arg13[%get3A_586, %get3A_587, %get3A_588] {strides = array<i32>} : memref<3x64x256xf32, #tpu.memory_space<vmem>>, vector<1x1x16xf32>,
          %get3A_590 = vector.shape_cast %get3A_589 : vector<1x1x16xf32> to vector<16xf32>
          %add3A_591 = arith.addf %add3A_584, %get3A_590 : vector<16xf32>
          %swap3A_592 = arith.constant 0 : i32
          %swap3A_593 = arith.index_cast %swap3A_592 : i32 to index
          %swap3A_594 = arith.index_cast %scan3A_168 : i32 to index
          %swap3A_595 = arith.constant 240 : index
          %swap3A_596 = tpu.vector_load %arg13[%swap3A_593, %swap3A_594, %swap3A_595] {strides = array<i32>} : memref<3x64x256xf32, #tpu.memory_space<vmem>>, vector<1x1x16xf32>,
          %swap3A_597 = vector.shape_cast %swap3A_596 : vector<1x1x16xf32> to vector<16xf32>
          %swap3A_598 = vector.shape_cast %add3A_591 : vector<16xf32> to vector<1x1x16xf32>
          tpu.vector_store %arg13[%swap3A_593, %swap3A_594, %swap3A_595], %swap3A_598 {strides = array<i32>} : memref<3x64x256xf32, #tpu.memory_space<vmem>>, vector<1x1x16xf32>,
        }
        %scan3A_163 = arith.constant 64 : i32
        %mul3A_164 = arith.constant 64 : i32
        %mul3A_165 = arith.muli %add3A_112, %mul3A_164 : i32
        %add3A_166 = arith.addi %mul3A_2, %mul3A_165 : i32
        %run_scoped3A_167 = arith.constant 0 : i32
        "tpu.region"() ({
          %run_scoped3A_168 = tpu.sem_alloc : memref<!tpu.dma_semaphore, #tpu.memory_space<semaphore_mem>>
          %dma_start3A_169 = arith.constant 0 : i32
          %dma_start3A_170 = arith.constant 0 : i32
          %dma_start3A_171 = tpu.memref_slice %arg13[%run_scoped3A_167, %dma_start3A_169, %dma_start3A_170] : memref<3x64x256xf32, #tpu.memory_space<vmem>> -> memref<1x64x256xf32, #tpu.memory_space<vmem>>
          %dma_start3A_172 = tpu.memref_squeeze %dma_start3A_171 : memref<1x64x256xf32, #tpu.memory_space<vmem>> -> memref<64x256xf32, #tpu.memory_space<vmem>>
          %dma_start3A_173 = arith.constant 0 : i32
          %dma_start3A_174 = tpu.memref_slice %arg8[%add3A_166, %dma_start3A_173] : memref<204800x256xf32, #tpu.memory_space<hbm>> -> memref<64x256xf32, #tpu.memory_space<hbm>>
          %dma_start3A_175 = arith.constant 0 : i32
          %dma_start3A_176 = tpu.memref_slice %arg8[%add3A_166, %dma_start3A_175] : memref<204800x256xf32, #tpu.memory_space<hbm>> -> memref<64x256xf32, #tpu.memory_space<hbm>>
          %dma_start3A_177 = arith.constant 0 : i32
          %dma_start3A_178 = arith.constant 0 : i32
          %dma_start3A_179 = tpu.memref_slice %arg13[%run_scoped3A_167, %dma_start3A_177, %dma_start3A_178] : memref<3x64x256xf32, #tpu.memory_space<vmem>> -> memref<1x64x256xf32, #tpu.memory_space<vmem>>
          %dma_start3A_180 = tpu.memref_squeeze %dma_start3A_179 : memref<1x64x256xf32, #tpu.memory_space<vmem>> -> memref<64x256xf32, #tpu.memory_space<vmem>>
          tpu.enqueue_dma source(%dma_start3A_180 : memref<64x256xf32, #tpu.memory_space<vmem>>) target(%dma_start3A_176 : memref<64x256xf32, #tpu.memory_space<hbm>>) target_semaphore(%run_scoped3A_168 : memref<!tpu.dma_semaphore, #tpu.memory_space<semaphore_mem>>)
          %dma_wait3A_181 = arith.constant 0 : i32
          %dma_wait3A_182 = arith.constant 0 : i32
          %dma_wait3A_183 = tpu.memref_slice %arg13[%run_scoped3A_167, %dma_wait3A_181, %dma_wait3A_182] : memref<3x64x256xf32, #tpu.memory_space<vmem>> -> memref<1x64x256xf32, #tpu.memory_space<vmem>>
          %dma_wait3A_184 = tpu.memref_squeeze %dma_wait3A_183 : memref<1x64x256xf32, #tpu.memory_space<vmem>> -> memref<64x256xf32, #tpu.memory_space<vmem>>
          %dma_wait3A_185 = arith.constant 0 : i32
          %dma_wait3A_186 = tpu.memref_slice %arg8[%add3A_166, %dma_wait3A_185] : memref<204800x256xf32, #tpu.memory_space<hbm>> -> memref<64x256xf32, #tpu.memory_space<hbm>>
          %dma_wait3A_187 = arith.constant 0 : i32
          %dma_wait3A_188 = tpu.memref_slice %arg8[%add3A_166, %dma_wait3A_187] : memref<204800x256xf32, #tpu.memory_space<hbm>> -> memref<64x256xf32, #tpu.memory_space<hbm>>
          %dma_wait3A_189 = arith.constant 0 : i32
          %dma_wait3A_190 = arith.constant 0 : i32
          %dma_wait3A_191 = tpu.memref_slice %arg13[%run_scoped3A_167, %dma_wait3A_189, %dma_wait3A_190] : memref<3x64x256xf32, #tpu.memory_space<vmem>> -> memref<1x64x256xf32, #tpu.memory_space<vmem>>
          %dma_wait3A_192 = tpu.memref_squeeze %dma_wait3A_191 : memref<1x64x256xf32, #tpu.memory_space<vmem>> -> memref<64x256xf32, #tpu.memory_space<vmem>>
          tpu.wait_dma2 semaphore(%run_scoped3A_168 : memref<!tpu.dma_semaphore, #tpu.memory_space<semaphore_mem>>) src(%dma_wait3A_192 : memref<64x256xf32, #tpu.memory_space<vmem>>) dst(%dma_wait3A_188 : memref<64x256xf32, #tpu.memory_space<hbm>>)
          tpu.yield
        }) : () -> ()
      } else {
      }
    }
    %scan3A_36 = arith.constant 50 : i32
    return
  }
}

module attributes {stable_mosaic.version = 14 : i64} {
  func.func @_tc_body(%arg0: i32, %arg1: memref<4096x256xf32, #tpu.memory_space<vmem>>, %arg2: memref<4096x16xf32, #tpu.memory_space<vmem>>, %arg3: memref<1x1x4096xi32, #tpu.memory_space<vmem>>, %arg4: memref<1x1x4096xi32, #tpu.memory_space<vmem>>, %arg5: memref<16x256xf32, #tpu.memory_space<vmem>>, %arg6: memref<8x256xf32, #tpu.memory_space<vmem>>, %arg7: memref<128x256xf32, #tpu.memory_space<vmem>>, %arg8: memref<1x256xf32, #tpu.memory_space<vmem>>, %arg9: memref<1x256xf32, #tpu.memory_space<vmem>>, %arg10: memref<1x256xf32, #tpu.memory_space<vmem>>, %arg11: memref<4096x256xf32, #tpu.memory_space<vmem>>) attributes {dimension_semantics = [#tpu.dimension_semantics<arbitrary>], iteration_bounds = array<i64: 50>, scalar_prefetch = 0 : i64, scratch_operands = 0 : i64, tpu.core_type = #tpu.core_type<tc>, window_params = [{transform_indices = @transform_0, window_bounds = array<i64: 4096, 256>}, {transform_indices = @transform_1, window_bounds = array<i64: 4096, 16>}, {transform_indices = @transform_2, window_bounds = array<i64: 1, 1, 4096>}, {transform_indices = @transform_3, window_bounds = array<i64: 1, 1, 4096>}, {pipeline_mode = #tpu.pipeline_mode<synchronous>, transform_indices = @transform_4, window_bounds = array<i64: 16, 256>}, {pipeline_mode = #tpu.pipeline_mode<synchronous>, transform_indices = @transform_5, window_bounds = array<i64: 8, 256>}, {pipeline_mode = #tpu.pipeline_mode<synchronous>, transform_indices = @transform_6, window_bounds = array<i64: 128, 256>}, {pipeline_mode = #tpu.pipeline_mode<synchronous>, transform_indices = @transform_7, window_bounds = array<i64: 1, 256>}, {pipeline_mode = #tpu.pipeline_mode<synchronous>, transform_indices = @transform_8, window_bounds = array<i64: 1, 256>}, {pipeline_mode = #tpu.pipeline_mode<synchronous>, transform_indices = @transform_9, window_bounds = array<i64: 1, 256>}, {transform_indices = @transform_10, window_bounds = array<i64: 4096, 256>}]} {
    %get3A = arith.constant 0 : index
    %get3A_0 = arith.constant 0 : index
    %get3A_1 = vector.load %arg1[%get3A, %get3A_0] : memref<4096x256xf32, #tpu.memory_space<vmem>>, vector<4096x256xf32>
    %get3A_2 = arith.constant 0 : index
    %get3A_3 = arith.constant 0 : index
    %get3A_4 = vector.load %arg2[%get3A_2, %get3A_3] : memref<4096x16xf32, #tpu.memory_space<vmem>>, vector<4096x16xf32>
    %get3A_5 = arith.constant 0 : index
    %get3A_6 = arith.constant 0 : index
    %get3A_7 = vector.load %arg5[%get3A_5, %get3A_6] : memref<16x256xf32, #tpu.memory_space<vmem>>, vector<16x256xf32>
    %dot_general3A = arith.constant dense<0.000000e+00> : vector<4096x256xf32>
    %dot_general3A_8 = tpu.matmul %get3A_4, %get3A_7, %dot_general3A {dimension_numbers = #tpu.dot_dimension_numbers<[1], [0], [0], [1], [0, 0, 1, 1], [], []>, transpose_lhs_hint = false} : vector<4096x16xf32>, vector<16x256xf32>, vector<4096x256xf32> -> vector<4096x256xf32>
    %add3A = arith.addf %get3A_1, %dot_general3A_8 : vector<4096x256xf32>
    %get3A_9 = arith.constant 0 : index
    %get3A_10 = arith.constant 0 : index
    %get3A_11 = vector.load %arg8[%get3A_9, %get3A_10] : memref<1x256xf32, #tpu.memory_space<vmem>>, vector<1x256xf32>
    %add3A_12 = vector.broadcast %get3A_11 : vector<1x256xf32> to vector<4096x256xf32>
    %add3A_13 = arith.addf %add3A, %add3A_12 : vector<4096x256xf32>
    %get3A_14 = arith.constant 0 : index
    %get3A_15 = arith.constant 0 : index
    %get3A_16 = arith.constant 0 : index
    %get3A_17 = vector.load %arg3[%get3A_14, %get3A_15, %get3A_16] : memref<1x1x4096xi32, #tpu.memory_space<vmem>>, vector<1x1x4096xi32>
    %reshape3A = vector.shape_cast %get3A_17 : vector<1x1x4096xi32> to vector<1x4096xi32>
    %get3A_18 = arith.constant 0 : index
    %get3A_19 = arith.constant 0 : index
    %get3A_20 = arith.constant 0 : index
    %get3A_21 = vector.load %arg4[%get3A_18, %get3A_19, %get3A_20] : memref<1x1x4096xi32, #tpu.memory_space<vmem>>, vector<1x1x4096xi32>
    %reshape3A_22 = vector.shape_cast %get3A_21 : vector<1x1x4096xi32> to vector<1x4096xi32>
    %iota3A = tpu.iota {dimensions = array<i32: 0>} : vector<8x4096xi32>
    %eq3A = vector.broadcast %reshape3A : vector<1x4096xi32> to vector<8x4096xi32>
    %eq3A_23 = arith.cmpi eq, %iota3A, %eq3A : vector<8x4096xi32>
    %convert_element_type3A = arith.extui %eq3A_23 : vector<8x4096xi1> to vector<8x4096xi32>
    %convert_element_type3A_24 = arith.sitofp %convert_element_type3A : vector<8x4096xi32> to vector<8x4096xf32>
    %convert_element_type3A_25 = arith.truncf %convert_element_type3A_24 : vector<8x4096xf32> to vector<8x4096xbf16>
    %iota3A_26 = tpu.iota {dimensions = array<i32: 0>} : vector<128x4096xi32>
    %eq3A_27 = vector.broadcast %reshape3A_22 : vector<1x4096xi32> to vector<128x4096xi32>
    %eq3A_28 = arith.cmpi eq, %iota3A_26, %eq3A_27 : vector<128x4096xi32>
    %convert_element_type3A_29 = arith.extui %eq3A_28 : vector<128x4096xi1> to vector<128x4096xi32>
    %convert_element_type3A_30 = arith.sitofp %convert_element_type3A_29 : vector<128x4096xi32> to vector<128x4096xf32>
    %convert_element_type3A_31 = arith.truncf %convert_element_type3A_30 : vector<128x4096xf32> to vector<128x4096xbf16>
    %get3A_32 = arith.constant 0 : index
    %get3A_33 = arith.constant 0 : index
    %get3A_34 = vector.load %arg6[%get3A_32, %get3A_33] : memref<8x256xf32, #tpu.memory_space<vmem>>, vector<8x256xf32>
    %convert_element_type3A_35 = arith.truncf %get3A_34 : vector<8x256xf32> to vector<8x256xbf16>
    %dot_general3A_36 = arith.constant dense<0.000000e+00> : vector<4096x256xf32>
    %dot_general3A_37 = tpu.matmul %convert_element_type3A_25, %convert_element_type3A_35, %dot_general3A_36 {dimension_numbers = #tpu.dot_dimension_numbers<[0], [0], [1], [1], [0, 1, 1, 1], [], []>, transpose_lhs_hint = false} : vector<8x4096xbf16>, vector<8x256xbf16>, vector<4096x256xf32> -> vector<4096x256xf32>
    %add3A_38 = arith.addf %add3A_13, %dot_general3A_37 : vector<4096x256xf32>
    %get3A_39 = arith.constant 0 : index
    %get3A_40 = arith.constant 0 : index
    %get3A_41 = vector.load %arg7[%get3A_39, %get3A_40] : memref<128x256xf32, #tpu.memory_space<vmem>>, vector<128x256xf32>
    %convert_element_type3A_42 = arith.truncf %get3A_41 : vector<128x256xf32> to vector<128x256xbf16>
    %dot_general3A_43 = arith.constant dense<0.000000e+00> : vector<4096x256xf32>
    %dot_general3A_44 = tpu.matmul %convert_element_type3A_31, %convert_element_type3A_42, %dot_general3A_43 {dimension_numbers = #tpu.dot_dimension_numbers<[0], [0], [1], [1], [0, 1, 1, 1], [], []>, transpose_lhs_hint = false} : vector<128x4096xbf16>, vector<128x256xbf16>, vector<4096x256xf32> -> vector<4096x256xf32>
    %add3A_45 = arith.addf %add3A_38, %dot_general3A_44 : vector<4096x256xf32>
    %mul3A = arith.constant 5.000000e-01 : f32
    %mul3A_46 = vector.broadcast %mul3A : f32 to vector<4096x256xf32>
    %mul3A_47 = arith.mulf %mul3A_46, %add3A_45 : vector<4096x256xf32>
    %mul3A_48 = arith.constant 0.707106769 : f32
    %mul3A_49 = vector.broadcast %mul3A_48 : f32 to vector<4096x256xf32>
    %mul3A_50 = arith.mulf %add3A_45, %mul3A_49 : vector<4096x256xf32>
    %erf3A = math.erf %mul3A_50 : vector<4096x256xf32>
    %add3A_51 = arith.constant 1.000000e+00 : f32
    %add3A_52 = vector.broadcast %add3A_51 : f32 to vector<4096x256xf32>
    %add3A_53 = arith.addf %add3A_52, %erf3A : vector<4096x256xf32>
    %mul3A_54 = arith.mulf %mul3A_47, %add3A_53 : vector<4096x256xf32>
    %reduce_sum3A = arith.constant dense<0.000000e+00> : vector<4096xf32>
    %reduce_sum3A_55 = vector.multi_reduction <add>, %mul3A_54, %reduce_sum3A [1] : vector<4096x256xf32> to vector<4096xf32>
    %broadcast_in_dim3A = vector.shape_cast %reduce_sum3A_55 : vector<4096xf32> to vector<4096x1xf32>
    %div3A = arith.constant 2.560000e+02 : f32
    %div3A_56 = vector.broadcast %div3A : f32 to vector<4096x1xf32>
    %div3A_57 = arith.divf %broadcast_in_dim3A, %div3A_56 : vector<4096x1xf32>
    %sub3A = vector.broadcast %div3A_57 : vector<4096x1xf32> to vector<4096x256xf32>
    %sub3A_58 = arith.subf %mul3A_54, %sub3A : vector<4096x256xf32>
    %mul3A_59 = arith.mulf %sub3A_58, %sub3A_58 : vector<4096x256xf32>
    %reduce_sum3A_60 = arith.constant dense<0.000000e+00> : vector<4096xf32>
    %reduce_sum3A_61 = vector.multi_reduction <add>, %mul3A_59, %reduce_sum3A_60 [1] : vector<4096x256xf32> to vector<4096xf32>
    %broadcast_in_dim3A_62 = vector.shape_cast %reduce_sum3A_61 : vector<4096xf32> to vector<4096x1xf32>
    %div3A_63 = arith.constant 2.560000e+02 : f32
    %div3A_64 = vector.broadcast %div3A_63 : f32 to vector<4096x1xf32>
    %div3A_65 = arith.divf %broadcast_in_dim3A_62, %div3A_64 : vector<4096x1xf32>
    %add3A_66 = arith.constant 9.99999974E-6 : f32
    %add3A_67 = vector.broadcast %add3A_66 : f32 to vector<4096x1xf32>
    %add3A_68 = arith.addf %div3A_65, %add3A_67 : vector<4096x1xf32>
    %rsqrt3A = math.rsqrt %add3A_68 : vector<4096x1xf32>
    %mul3A_69 = vector.broadcast %rsqrt3A : vector<4096x1xf32> to vector<4096x256xf32>
    %mul3A_70 = arith.mulf %sub3A_58, %mul3A_69 : vector<4096x256xf32>
    %get3A_71 = arith.constant 0 : index
    %get3A_72 = arith.constant 0 : index
    %get3A_73 = vector.load %arg9[%get3A_71, %get3A_72] : memref<1x256xf32, #tpu.memory_space<vmem>>, vector<1x256xf32>
    %mul3A_74 = vector.broadcast %get3A_73 : vector<1x256xf32> to vector<4096x256xf32>
    %mul3A_75 = arith.mulf %mul3A_70, %mul3A_74 : vector<4096x256xf32>
    %get3A_76 = arith.constant 0 : index
    %get3A_77 = arith.constant 0 : index
    %get3A_78 = vector.load %arg10[%get3A_76, %get3A_77] : memref<1x256xf32, #tpu.memory_space<vmem>>, vector<1x256xf32>
    %add3A_79 = vector.broadcast %get3A_78 : vector<1x256xf32> to vector<4096x256xf32>
    %add3A_80 = arith.addf %mul3A_75, %add3A_79 : vector<4096x256xf32>
    %swap3A = arith.constant 0 : index
    %swap3A_81 = arith.constant 0 : index
    %swap3A_82 = vector.load %arg11[%swap3A, %swap3A_81] : memref<4096x256xf32, #tpu.memory_space<vmem>>, vector<4096x256xf32>
    tpu.vector_store %arg11[%swap3A, %swap3A_81], %add3A_80 {strides = array<i32>} : memref<4096x256xf32, #tpu.memory_space<vmem>>, vector<4096x256xf32>,
    return
  }
  func.func @transform_0(%arg0: i32) -> (i32, i32) {
    %c0_i32 = arith.constant 0 : i32
    %c0_i32_0 = arith.constant 0 : i32
    return %arg0, %c0_i32 : i32, i32
  }
  func.func @transform_1(%arg0: i32) -> (i32, i32) {
    %c0_i32 = arith.constant 0 : i32
    %c0_i32_0 = arith.constant 0 : i32
    return %arg0, %c0_i32 : i32, i32
  }
  func.func @transform_2(%arg0: i32) -> (i32, i32, i32) {
    %c0_i32 = arith.constant 0 : i32
    %c0_i32_0 = arith.constant 0 : i32
    %c0_i32_1 = arith.constant 0 : i32
    return %arg0, %c0_i32, %c0_i32_0 : i32, i32, i32
  }
  func.func @transform_3(%arg0: i32) -> (i32, i32, i32) {
    %c0_i32 = arith.constant 0 : i32
    %c0_i32_0 = arith.constant 0 : i32
    %c0_i32_1 = arith.constant 0 : i32
    return %arg0, %c0_i32, %c0_i32_0 : i32, i32, i32
  }
  func.func @transform_4(%arg0: i32) -> (i32, i32) {
    %c0_i32 = arith.constant 0 : i32
    %c0_i32_0 = arith.constant 0 : i32
    %c0_i32_1 = arith.constant 0 : i32
    return %c0_i32, %c0_i32_0 : i32, i32
  }
  func.func @transform_5(%arg0: i32) -> (i32, i32) {
    %c0_i32 = arith.constant 0 : i32
    %c0_i32_0 = arith.constant 0 : i32
    %c0_i32_1 = arith.constant 0 : i32
    return %c0_i32, %c0_i32_0 : i32, i32
  }
  func.func @transform_6(%arg0: i32) -> (i32, i32) {
    %c0_i32 = arith.constant 0 : i32
    %c0_i32_0 = arith.constant 0 : i32
    %c0_i32_1 = arith.constant 0 : i32
    return %c0_i32, %c0_i32_0 : i32, i32
  }
  func.func @transform_7(%arg0: i32) -> (i32, i32) {
    %c0_i32 = arith.constant 0 : i32
    %c0_i32_0 = arith.constant 0 : i32
    %c0_i32_1 = arith.constant 0 : i32
    return %c0_i32, %c0_i32_0 : i32, i32
  }
  func.func @transform_8(%arg0: i32) -> (i32, i32) {
    %c0_i32 = arith.constant 0 : i32
    %c0_i32_0 = arith.constant 0 : i32
    %c0_i32_1 = arith.constant 0 : i32
    return %c0_i32, %c0_i32_0 : i32, i32
  }
  func.func @transform_9(%arg0: i32) -> (i32, i32) {
    %c0_i32 = arith.constant 0 : i32
    %c0_i32_0 = arith.constant 0 : i32
    %c0_i32_1 = arith.constant 0 : i32
    return %c0_i32, %c0_i32_0 : i32, i32
  }
  func.func @transform_10(%arg0: i32) -> (i32, i32) {
    %c0_i32 = arith.constant 0 : i32
    %c0_i32_0 = arith.constant 0 : i32
    return %arg0, %c0_i32 : i32, i32
  }
}

</mosaic_0001>

<sc_bundles>
// kernel: kernel.4.cloned.1.call-start
scs
__scs_entry_jumppad:
0x0: {  	(pc) =	sbr.rel $0x88, $3  }
0x1: {  	(tag) =	ssettag $0x0;
	lr =	simm.s32 $0x1  }
0x2: {  	[smem:$0x3F92] =	sst lr;
	_ =	strace $0xD0000000  }
0x3: {  	_ = 	snop  }
0x4: {  	_ = 	snop  }
0x5: {  	_ = 	snop  }
0x6: {  	_ = 	snop  }
0x7: {  	_ = 	snop  }
__scs_overlays_trampoline_lowered:
0x8: {  	[smem:$0x3FA1] =	sst s0  }
0x9: {  	[smem:$0x3FA2] =	sst s1  }
0xa: {  	[smem:$0x3FA3] =	sst s2  }
0xb: {  	[smem:$0x3FA4] =	sst s3  }
0xc: {  	[smem:$0x3FA5] =	sst s4  }
0xd: {  	[smem:$0x3FA6] =	sst s5  }
0xe: {  	[smem:$0x3FA7] =	sst s6  }
0xf: {  	[smem:$0x3FA8] =	sst s7  }
0x10: {  	[smem:$0x3FA9] =	sst s8  }
0x11: {  	[smem:$0x3FAA] =	sst s9;
	s0 =	simm.s32 @!p0 $0x0  }
0x12: {  	s1 =	sld [smem:$0x3F90];
	s0 =	simm.s32 @p0 $0x1  }
0x13: {  	[smem:$0x3FAB] =	sst s0;
	s0 =	simm.s32 @!p1 $0x0  }
0x14: {  	s2 =	sld [smem:$0x3F8F];
	s0 =	simm.s32 @p1 $0x1  }
0x15: {  	[smem:$0x3FAC] =	sst s0;
	s0 =	simm.s32 @!p2 $0x0  }
0x16: {  	s3 =	sld [smem:$0x3FDB];
	s0 =	simm.s32 @p2 $0x1  }
0x17: {  	s4 =	simm.s32 $0x1BF5;
	[smem:$0x3FAE] =	sst s0  }
0x18: {  	s0 =	sld [smem:$0x3F91];
	_ =	swait.ge [sflag:s4], $0x0  }
0x19: {  	s7 =	sld [smem:$0x3F92]  }
0x1a: {  	s8 =	sadd.s32 $0xFFFFE003, lr  }
0x1b: {  	s9 =	sadd.s32 $0xFFFFFEF7, lr;
	s5 =	simm.s32 $0xFFFFFFFF;
	p2 =	slt.u32 s8, $0xFFFFF086  }
0x1c: {  	p1 =	slt.u32 s9, $0xF7A;
	s5 =	simm.s32 @!p2 $0x0  }
0x1d: {  	s5 =	simm.s32 @p1 $0x1;
	p0 =	seq.s32 s7, s2  }
0x1e: {  	s7 =	smul.u32 @!p0 $0xF7A, s2;
	p2 =	seq.s32 @!p0 s5, $0x0  }
0x1f: {  	s9 =	smul.u32 $0xF7A, s1;
	s8 =	simm.s32 @!p0 $0x1BF5;
	p2 =	por !p2, p0  }
0x20: {  	[sflag:s8] =	ssyncset.s32 @!p0 $0xFFFFF086;
	s6 =	sadd.s32 @!p0 s3, s7;
	s7 =	simm.s32 @!p0 $0x108  }
0x21: {  	s3 =	sadd.s32 s3, s9;
	s6 =	sadd.s32 @!p0 $0x88, s6;
	s7 =	simm.s32 @p2 $0x1082  }
0x22: {  	[simem:s7], [sflag:s8] =	dma.local @!p0 [hbm:s6], $0xF7A  }
0x23: {  	s9 =	sor.u32 $0xD0000000, s2;
	s6 =	simm.s32 $0x108;
	_ =	swait.ge @!p0 [sflag:s8], $0x0  }
0x24: {  	s3 =	sadd.s32 $0x88, s3;
	s6 =	simm.s32 @!p1 $0x1082;
	[sflag:s4] =	ssyncset.s32 $0xFFFFF086  }
0x25: {  	[simem:s6], [sflag:s4] =	dma.local [hbm:s3], $0xF7A  }
0x26: {  	[smem:$0x3F92] =	sst s1;
	(tag) =	ssettag s2;
	_ =	strace s9  }
0x27: {  	s1 =	sld [smem:$0x3FA2]  }
0x28: {  	s2 =	sld [smem:$0x3FA3]  }
0x29: {  	s4 =	sld [smem:$0x3FA5]  }
0x2a: {  	p0 =	seq.s32 s5, $0x0;
	s5 =	sld [smem:$0x3FA6]  }
0x2b: {  	s6 =	sld [smem:$0x3FA7]  }
0x2c: {  	s7 =	sld [smem:$0x3FA8]  }
0x2d: {  	s3 =	simm.s32 $0x108;
	s8 =	sld [smem:$0x3FA9]  }
0x2e: {  	s3 =	simm.s32 @!p0 $0x1082;
	s9 =	sld [smem:$0x3FAA]  }
0x2f: {  	lr =	sadd.s32 s0, s3;
	s0 =	sld [smem:$0x3FA1]  }
0x30: {  	s3 =	sld [smem:$0x3FA4]  }
0x31: {  	[smem:$0x3FAD] =	sst s10  }
0x32: {  	s10 =	sld [smem:$0x3FAB];
	_ =	sdelay $0x3  }
0x33: {  	p0 =	seq.s32 s10, $0x1;
	s10 =	sld [smem:$0x3FAD];
	_ =	sdelay $0x3  }
0x34: {  	[smem:$0x3FAD] =	sst s10  }
0x35: {  	s10 =	sld [smem:$0x3FAC];
	_ =	sdelay $0x3  }
0x36: {  	p1 =	seq.s32 s10, $0x1;
	s10 =	sld [smem:$0x3FAD];
	_ =	sdelay $0x3  }
0x37: {  	[smem:$0x3FAD] =	sst s10  }
0x38: {  	s10 =	sld [smem:$0x3FAE]  }
0x39: {  	_ = 	snop;
	(pc) =	sbr.ind lr, $3  }
0x3a: {  	_ = 	snop  }
0x3b: {  	_ = 	snop  }
0x3c: {  	p2 =	seq.s32 s10, $0x1;
	s10 =	sld [smem:$0x3FAD]  }
0x3d: {  	_ =	shalt  }
0x3e: {  	_ =	shalt  }
0x3f: {  	_ =	shalt  }
0x40: {  	_ =	shalt  }
0x41: {  	_ =	shalt  }
0x42: {  	_ =	shalt  }
0x43: {  	_ =	shalt  }
0x44: {  	_ =	shalt  }
0x45: {  	_ =	shalt  }
0x46: {  	_ =	shalt  }
0x47: {  	_ =	shalt  }
0x48: {  	_ =	shalt  }
0x49: {  	_ =	shalt  }
0x4a: {  	_ =	shalt  }
0x4b: {  	_ =	shalt  }
0x4c: {  	_ =	shalt  }
0x4d: {  	_ =	shalt  }
0x4e: {  	_ =	shalt  }
0x4f: {  	_ =	shalt  }
0x50: {  	_ =	shalt  }
0x51: {  	_ =	shalt  }
0x52: {  	_ =	shalt  }
0x53: {  	_ =	shalt  }
0x54: {  	_ =	shalt  }
0x55: {  	_ =	shalt  }
0x56: {  	_ =	shalt  }
0x57: {  	_ =	shalt  }
0x58: {  	_ =	shalt  }
0x59: {  	_ =	shalt  }
0x5a: {  	_ =	shalt  }
0x5b: {  	_ =	shalt  }
0x5c: {  	_ =	shalt  }
0x5d: {  	_ =	shalt  }
0x5e: {  	_ =	shalt  }
0x5f: {  	_ =	shalt  }
0x60: {  	_ =	shalt  }
0x61: {  	_ =	shalt  }
0x62: {  	_ =	shalt  }
0x63: {  	_ =	shalt  }
0x64: {  	_ =	shalt  }
0x65: {  	_ =	shalt  }
0x66: {  	_ =	shalt  }
0x67: {  	_ =	shalt  }
0x68: {  	_ =	shalt  }
0x69: {  	_ =	shalt  }
0x6a: {  	_ =	shalt  }
0x6b: {  	_ =	shalt  }
0x6c: {  	_ =	shalt  }
0x6d: {  	_ =	shalt  }
0x6e: {  	_ =	shalt  }
0x6f: {  	_ =	shalt  }
0x70: {  	_ =	shalt  }
0x71: {  	_ =	shalt  }
0x72: {  	_ =	shalt  }
0x73: {  	_ =	shalt  }
0x74: {  	_ =	shalt  }
0x75: {  	_ =	shalt  }
0x76: {  	_ =	shalt  }
0x77: {  	_ =	shalt  }
0x78: {  	_ =	shalt  }
0x79: {  	_ =	shalt  }
0x7a: {  	_ =	shalt  }
0x7b: {  	_ =	shalt  }
0x7c: {  	_ =	shalt  }
0x7d: {  	_ =	shalt  }
0x7e: {  	_ =	shalt  }
0x7f: {  	_ =	shalt  }
0x80: {  	_ =	shalt  }
0x81: {  	_ =	shalt  }
0x82: {  	_ =	shalt  }
0x83: {  	_ =	shalt  }
0x84: {  	_ =	shalt  }
0x85: {  	_ =	shalt  }
0x86: {  	_ =	shalt  }
0x87: {  	_ =	shalt  }
.Lfunc_end0:
.L_simem_size_0:
called_computation.1_lowered:
.L_overlay_start_0:
0x88: {  	s2 =	sld [smem:$0x3FD9]  }
0x89: {  	s3 =	sld [smem:$0x3FFE];
	_ =	sdelay $0x1  }
0x8a: {  	s1 =	srdreg.scid  }
0x8b: {  	s0 =	sand.u32 $0x1, s1  }
0x8c: {  	s17 =	sshll.u32 s0, $0xA;
	s2 =	sadd.s32 s3, s2  }
0x8d: {  	s2 =	sadd.s32 s2, s17  }
0x8e: {  	[smem:$0x3FB9] =	sst s2  }
0x8f: {  	_ = 	snop  }
0x90: {  	s2 =	sld [smem:$0x3FC2]  }
0x91: {  	s18 =	sld [smem:$0x3FC1]  }
0x92: {  	s4 =	sld [smem:$0x3FC0];
	(tm) =	ssettm $0x1  }
0x93: {  	s5 =	sld [smem:$0x3FFB];
	_ =	sdelay $0x3  }
0x94: {  	_ =	strace s5  }
0x95: {  	s5 =	sld [smem:$0x3FFC];
	_ =	sdelay $0x3  }
0x96: {  	_ =	strace s5  }
0x97: {  	s5 =	sld [smem:$0x3FFD];
	_ =	sdelay $0x3  }
0x98: {  	_ =	strace s5  }
0x99: {  	_ =	strace $0x8FFFFFFF  }
0x9a: {  	s19 =	sld [smem:$0x3FDB];
	_ =	sdelay $0x1  }
0x9b: {  	s6 =	simm.s32 $_scs_section_size  }
0x9c: {  	s7 =	simm.s32 $_size__tile_overlayer_lowered;
	s8 =	simm.s32 $_tile_overlayer_lowered  }
0x9d: {  	s22 =	simm.s32 $0x1BFF;
	s21 =	sshll.u32 s8, $0x1;
	s5 =	sadd.s32 s6, s19  }
0x9e: {  	s9 =	simm.s32 $0x0;
	s20 =	sshll.u32 s7, $0x1;
	s7 =	sadd.s32 s21, s5  }
0x9f: {  	[timem:s9], [sflag:s22] =	dma.local [hbm:s7], s20  }
0xa0: {  	_ =	swait.ge [sflag:s22], s20  }
0xa1: {  	s6 =	ssub.s32 $0x0, s20;
	[sflag:s22] =	ssyncset.done $0x0  }
0xa2: {  	[sflag:s22] =	ssyncadd.s32 s6;
	_ =	sdelay $0x1  }
0xa3: {  	s23 =	simm.s32 $0x1B8B  }
0xa4: {  	_ =	swait.ge [sflag:s23], $0x1  }
0xa5: {  	[sflag:s23] =	ssyncset.done $0x0  }
0xa6: {  	s25 =	simm.s32 $0x1B8E;
	s24 =	sld [smem:$0x3FFE];
	[sflag:s23] =	ssyncadd.s32 $0xFFFFFFFF  }
0xa7: {  	s26 =	simm.s32 $execute0_lowered;
	[smem:$0x3FD2] =	sst s25  }
0xa8: {  	s7 =	sshll.u32 s26, $0x1;
	_ =	strace $0x80000046;
	[dreg:$0x1] =	wrdreg $0xFFFFFFFF  }
0xa9: {  	s28 =	simm.s32 $_size_execute0_lowered;
	s5 =	sadd.s32 s5, s7;
	[dreg:$0x0] =	wrdreg $0x0  }
0xaa: {  	s7 =	sshll.u32 s28, $0x1;
	[dreg:$0x2] =	wrdreg s5  }
0xab: {  	[dreg:$0x3] =	wrdreg s7  }
0xac: {  	[dreg:$0x4] =	wrdreg $0xC0  }
0xad: {  	_ =	task [dreg:s9], $0x5FFFF  }
0xae: {  	[dreg:$0x1] =	wrdreg $0xFFFFFFFF  }
0xaf: {  	[dreg:$0x0] =	wrdreg $0x60  }
0xb0: {  	[dreg:$0x2] =	wrdreg s24  }
0xb1: {  	[dreg:$0x3] =	wrdreg s2  }
0xb2: {  	[dreg:$0x4] =	wrdreg s18  }
0xb3: {  	[dreg:$0x5] =	wrdreg s4  }
0xb4: {  	[dreg:$0x6] =	wrdreg $0x9  }
0xb5: {  	_ =	task.clear_ibuf [dreg:s9], $0x7FFFF;
	_ =	strace $0x90000046  }
0xb6: {  	s29 =	simm.s32 $0x9;
	_ =	strace $0x80000048  }
0xb7: {  	_ =	swait.ge [sflag:s29], $0x1  }
0xb8: {  	[sflag:s29] =	ssyncadd.s32 $0xFFFFFFFF  }
0xb9: {  	_ =	strace $0x90000048  }
0xba: {  	_ =	sfence  }
0xbb: {  	s30 =	sld [smem:$0x0];
	_ =	sdelay $0x2  }
0xbc: {  	s31 =	sshll.u32 s1, $0xD;
	s1 =	sshrl.u32 s1, $0x2  }
0xbd: {  	s3 =	sand.u32 $0x4000, s31;
	s1 =	sadd.s32 s1, s30  }
0xbe: {  	s0 =	sor.u32 s3, s0;
	s1 =	sshll.u32 s1, $0x11  }
0xbf: {  	s0 =	sor.u32 s1, s0  }
0xc0: {  	s0 =	sadd.s32 $0x8F2B, s0  }
0xc1: {  	[sflag:s0] =	ssyncadd.remote.s32 $0x1  }
0xc2: {  	_ =	sfence.sel $0xFFFF  }
0xc3: {  	[dreg:$0x0] =	wrdreg $0xFFFFFFFF;
	(pc) =	sbr.abs _section_cstart, $3  }
0xc4: {  	[dreg:$0x1] =	wrdreg $0xFFFFFFFF  }
0xc5: {  	_ =	task.clear_ibuf [dreg:s9], $0x2FFFF;
	_ =	strace $0x9FFFFFFF  }
0xc6: {  	(tm) =	ssettm $0x7FFFFFFF  }
0xc7: {  	_ =	shalt  }
tec
execute0_lowered:
.L_overlay_start_1:
0x0: {  	(tag) =	ssettag $0x1  }
0x1: {  	s0 =	rddreg [dreg:$0x0]  }
0x2: {  	s1 =	rddreg [dreg:$0x1]  }
0x3: {  	s3 =	rddreg [dreg:$0x2];
	s2 =	srdreg.scid  }
0x4: {  	s5 =	stileid.u32;
	s4 =	rddreg [dreg:$0x3]  }
0x5: {  	s12 =	simm.s32 $0x3;
	s15 =	simm.s32 $0x4B00;
	s16 =	simm.s32 $0x10B00  }
0x6: {  	s30 =	simm.s32 $0x17300;
	s31 =	simm.s32 $0x17B00;
	s13 =	simm.s32 $0x19300  }
0x7: {  	s14 =	simm.s32 $0x19B00;
	s11 =	simm.s32 $0x1BB00;
	s17 =	simm.s32 $0x1C300  }
0x8: {  	s18 =	simm.s32 $0x1;
	s19 =	simm.s32 $0x4;
	s20 =	simm.s32 $0x2  }
0x9: {  	s22 =	simm.s32 $0x0;
	s2 =	sand.u32 $0x1, s2;
	s6 =	sshll.u32 s5, $0x1  }
0xa: {  	s5 =	simm.s32 $0x0;
	s7 =	sor.u32 s2, s6;
	s2 =	ssub.s32 $0x2, s2  }
0xb: {  	[smem:$0x7FF] =	sst s5;
	s6 =	smul.u32 $0x320, s7;
	s8 =	sshrl.u32 s2, $0x1  }
0xc: {  	_ =	strace $0x80000047;
	s10 =	smul.u32 $0x190000, s7;
	s25 =	ssub.s32 s2, s8  }
0xd: {  	s9 =	sadd.s32 s6, s0;
	s6 =	sadd.s32 $0x14600, s0;
	s0 =	smax.u32 s25, $0x1  }
0xe: {  	s7 =	simm.s32 $0x1A300;
	s26 =	sadd.s32 $0xE200, s9;
	[dreg:$0x8] =	wrdreg s0  }
0xf: {  	v2 =	vlaneseq.u32;
	s2 =	simm.s32 $0x18300;
	s28 =	sadd.s32 $0x7E00, s9;
	[dreg:$0x5] =	wrdreg s26  }
0x10: {  	vm0 =	vmmov $0xffff;
	v1 =	vshrl.u32 v2, $0x3;
	s8 =	simm.s32 $0x1AB00;
	s29 =	sadd.s32 $0x1A00, s9;
	[dreg:$0x6] =	wrdreg s28  }
0x11: {  	v0 =	vand.u32 $0x7, v2;
	v2 =	vor.u32 $0x8, v2;
	v1 =	vmul.u32 $0x8, v1;
	s0 =	simm.s32 $0x18B00;
	s9 =	simm.s32 $0x1B300;
	[dreg:$0x7] =	wrdreg s29  }
.LBB2_1:
0x12: {  	[dreg:$0x9] =	wrdreg s22  }
0x13: {  	s21 =	rddreg [dreg:$0x5]  }
0x14: {  	[tilespmem:s5], [sflag:$0x3] =	stream.linear.gather [hbm4b:s21+s5], $0x1900, $0x38;
	[tilespmem:$0x1CB00] =	vst v63  }
0x15: {  	_ =	swait.ge [sflag:s12], $0x1900  }
0x16: {  	[sflag:s12] =	ssyncset.done $0x0  }
0x17: {  	s24 =	simm.s32 $0x1900;
	s23 =	rddreg [dreg:$0x6];
	[sflag:s12] =	ssyncadd.s32 $0xFFFFE700  }
0x18: {  	[tilespmem:s24], [sflag:$0x3] =	stream.linear.gather [hbm4b:s23+s5], $0x1900, $0x38;
	[tilespmem:$0x1CB00] =	vst v63  }
0x19: {  	_ =	swait.ge [sflag:s12], $0x1900  }
0x1a: {  	[sflag:s12] =	ssyncset.done $0x0  }
0x1b: {  	s26 =	simm.s32 $0x3200;
	s25 =	rddreg [dreg:$0x7];
	[sflag:s12] =	ssyncadd.s32 $0xFFFFE700  }
0x1c: {  	[tilespmem:s26], [sflag:$0x3] =	stream.linear.gather [hbm4b:s25+s5], $0x1900, $0x38;
	[tilespmem:$0x1CB00] =	vst v63  }
0x1d: {  	_ =	swait.ge [sflag:s12], $0x1900  }
0x1e: {  	[sflag:s12] =	ssyncset.done $0x0  }
0x1f: {  	[sflag:s12] =	ssyncadd.s32 $0xFFFFE700  }
0x20: {  	v3 =	vld [tilespmem:$0x0];
	_ =	sdelay $0x4  }
0x21: {  	v4 =	vshll.u32 v3, $0x1  }
0x22: {  	v3 =	vand.u32 $0x7, v3;
	v4 =	vand.u32 $0xFFFFFFF0, v4  }
0x23: {  	v3 =	vor.u32 v3, v4  }
0x24: {  	v4 =	vperm.xlane v3, v0;
	_ =	sdelay $0x1  }
0x25: {  	v3 =	vperm.xlane v3, v2;
	v4 =	vadd.s32 v1, v4;
	_ =	sdelay $0x1  }
0x26: {  	v3 =	vadd.s32 v1, v3;
	_ =	sdelay $0x2  }
0x27: {  	[tilespmem:s15], [sflag:$0x1] =	stream.indirect_vreg.gather [hbm4b:s1+s5], $0x80, v4, vm0, $0xb8;
	[tilespmem:$0x1CB00] =	vst v63  }
0x28: {  	s28 =	simm.s32 $0x5300  }
0x29: {  	[tilespmem:s28], [sflag:$0x1] =	stream.indirect_vreg.gather [hbm4b:s1+s5], $0x80, v3, vm0, $0xb8;
	[tilespmem:$0x1CB00] =	vst v63  }
0x2a: {  	v3 =	vld [tilespmem:$0x10];
	_ =	sdelay $0x4  }
0x2b: {  	v53 =	vshll.u32 v3, $0x1  }
0x2c: {  	v3 =	vand.u32 $0x7, v3;
	v4 =	vand.u32 $0xFFFFFFF0, v53  }
0x2d: {  	v3 =	vor.u32 v3, v4  }
0x2e: {  	v4 =	vperm.xlane v3, v0;
	_ =	sdelay $0x1  }
0x2f: {  	v3 =	vperm.xlane v3, v2;
	v4 =	vadd.s32 v1, v4;
	_ =	sdelay $0x1  }
0x30: {  	v3 =	vadd.s32 v1, v3;
	_ =	sdelay $0x1  }
0x31: {  	s29 =	simm.s32 $0x5B00  }
0x32: {  	[tilespmem:s29], [sflag:$0x1] =	stream.indirect_vreg.gather [hbm4b:s1+s5], $0x80, v4, vm0, $0xb8;
	[tilespmem:$0x1CB00] =	vst v63  }
0x33: {  	s22 =	simm.s32 $0x6300  }
0x34: {  	[tilespmem:s22], [sflag:$0x1] =	stream.indirect_vreg.gather [hbm4b:s1+s5], $0x80, v3, vm0, $0xb8;
	[tilespmem:$0x1CB00] =	vst v63  }
0x35: {  	v3 =	vld [tilespmem:$0x20];
	_ =	sdelay $0x4  }
0x36: {  	v54 =	vshll.u32 v3, $0x1  }
0x37: {  	v3 =	vand.u32 $0x7, v3;
	v4 =	vand.u32 $0xFFFFFFF0, v54  }
0x38: {  	v3 =	vor.u32 v3, v4  }
0x39: {  	v4 =	vperm.xlane v3, v0;
	_ =	sdelay $0x1  }
0x3a: {  	v3 =	vperm.xlane v3, v2;
	v4 =	vadd.s32 v1, v4;
	_ =	sdelay $0x1  }
0x3b: {  	v3 =	vadd.s32 v1, v3;
	_ =	sdelay $0x1  }
0x3c: {  	s23 =	simm.s32 $0x6B00  }
0x3d: {  	[tilespmem:s23], [sflag:$0x1] =	stream.indirect_vreg.gather [hbm4b:s1+s5], $0x80, v4, vm0, $0xb8;
	[tilespmem:$0x1CB00] =	vst v63  }
0x3e: {  	s24 =	simm.s32 $0x7300  }
0x3f: {  	[tilespmem:s24], [sflag:$0x1] =	stream.indirect_vreg.gather [hbm4b:s1+s5], $0x80, v3, vm0, $0xb8;
	[tilespmem:$0x1CB00] =	vst v63  }
0x40: {  	v3 =	vld [tilespmem:$0x30];
	_ =	sdelay $0x4  }
0x41: {  	v55 =	vshll.u32 v3, $0x1  }
0x42: {  	v3 =	vand.u32 $0x7, v3;
	v4 =	vand.u32 $0xFFFFFFF0, v55  }
0x43: {  	v3 =	vor.u32 v3, v4  }
0x44: {  	v4 =	vperm.xlane v3, v0;
	_ =	sdelay $0x1  }
0x45: {  	v3 =	vperm.xlane v3, v2;
	v4 =	vadd.s32 v1, v4;
	_ =	sdelay $0x1  }
0x46: {  	v3 =	vadd.s32 v1, v3;
	_ =	sdelay $0x1  }
0x47: {  	s25 =	simm.s32 $0x7B00  }
0x48: {  	[tilespmem:s25], [sflag:$0x1] =	stream.indirect_vreg.gather [hbm4b:s1+s5], $0x80, v4, vm0, $0xb8;
	[tilespmem:$0x1CB00] =	vst v63  }
0x49: {  	s26 =	simm.s32 $0x8300  }
0x4a: {  	[tilespmem:s26], [sflag:$0x1] =	stream.indirect_vreg.gather [hbm4b:s1+s5], $0x80, v3, vm0, $0xb8;
	[tilespmem:$0x1CB00] =	vst v63  }
0x4b: {  	v3 =	vld [tilespmem:$0x1900];
	_ =	sdelay $0x4  }
0x4c: {  	v56 =	vshll.u32 v3, $0x1  }
0x4d: {  	v3 =	vand.u32 $0x7, v3;
	v4 =	vand.u32 $0xFFFFFFF0, v56  }
0x4e: {  	v3 =	vor.u32 v3, v4  }
0x4f: {  	v4 =	vperm.xlane v3, v0;
	_ =	sdelay $0x1  }
0x50: {  	v3 =	vperm.xlane v3, v2;
	v4 =	vadd.s32 v1, v4;
	_ =	sdelay $0x1  }
0x51: {  	v3 =	vadd.s32 v1, v3;
	_ =	sdelay $0x1  }
0x52: {  	s28 =	simm.s32 $0x8B00  }
0x53: {  	[tilespmem:s28], [sflag:$0x1] =	stream.indirect_vreg.gather [hbm4b:s3+s5], $0x80, v4, vm0, $0xb8;
	[tilespmem:$0x1CB00] =	vst v63  }
0x54: {  	s29 =	simm.s32 $0x9300  }
0x55: {  	[tilespmem:s29], [sflag:$0x1] =	stream.indirect_vreg.gather [hbm4b:s3+s5], $0x80, v3, vm0, $0xb8;
	[tilespmem:$0x1CB00] =	vst v63  }
0x56: {  	v3 =	vld [tilespmem:$0x1910];
	_ =	sdelay $0x4  }
0x57: {  	v57 =	vshll.u32 v3, $0x1  }
0x58: {  	v3 =	vand.u32 $0x7, v3;
	v4 =	vand.u32 $0xFFFFFFF0, v57  }
0x59: {  	v3 =	vor.u32 v3, v4  }
0x5a: {  	v4 =	vperm.xlane v3, v0;
	_ =	sdelay $0x1  }
0x5b: {  	v3 =	vperm.xlane v3, v2;
	v4 =	vadd.s32 v1, v4;
	_ =	sdelay $0x1  }
0x5c: {  	v3 =	vadd.s32 v1, v3;
	_ =	sdelay $0x1  }
0x5d: {  	s22 =	simm.s32 $0x9B00  }
0x5e: {  	[tilespmem:s22], [sflag:$0x1] =	stream.indirect_vreg.gather [hbm4b:s3+s5], $0x80, v4, vm0, $0xb8;
	[tilespmem:$0x1CB00] =	vst v63  }
0x5f: {  	s23 =	simm.s32 $0xA300  }
0x60: {  	[tilespmem:s23], [sflag:$0x1] =	stream.indirect_vreg.gather [hbm4b:s3+s5], $0x80, v3, vm0, $0xb8;
	[tilespmem:$0x1CB00] =	vst v63  }
0x61: {  	v3 =	vld [tilespmem:$0x1920];
	_ =	sdelay $0x4  }
0x62: {  	v58 =	vshll.u32 v3, $0x1  }
0x63: {  	v3 =	vand.u32 $0x7, v3;
	v4 =	vand.u32 $0xFFFFFFF0, v58  }
0x64: {  	v3 =	vor.u32 v3, v4  }
0x65: {  	v4 =	vperm.xlane v3, v0;
	_ =	sdelay $0x1  }
0x66: {  	v3 =	vperm.xlane v3, v2;
	v4 =	vadd.s32 v1, v4;
	_ =	sdelay $0x1  }
0x67: {  	v3 =	vadd.s32 v1, v3;
	_ =	sdelay $0x1  }
0x68: {  	s24 =	simm.s32 $0xAB00  }
0x69: {  	[tilespmem:s24], [sflag:$0x1] =	stream.indirect_vreg.gather [hbm4b:s3+s5], $0x80, v4, vm0, $0xb8;
	[tilespmem:$0x1CB00] =	vst v63  }
0x6a: {  	s25 =	simm.s32 $0xB300  }
0x6b: {  	[tilespmem:s25], [sflag:$0x1] =	stream.indirect_vreg.gather [hbm4b:s3+s5], $0x80, v3, vm0, $0xb8;
	[tilespmem:$0x1CB00] =	vst v63  }
0x6c: {  	v3 =	vld [tilespmem:$0x1930];
	_ =	sdelay $0x4  }
0x6d: {  	v59 =	vshll.u32 v3, $0x1  }
0x6e: {  	v3 =	vand.u32 $0x7, v3;
	v4 =	vand.u32 $0xFFFFFFF0, v59  }
0x6f: {  	v3 =	vor.u32 v3, v4  }
0x70: {  	v4 =	vperm.xlane v3, v0;
	_ =	sdelay $0x1  }
0x71: {  	v3 =	vperm.xlane v3, v2;
	v4 =	vadd.s32 v1, v4;
	_ =	sdelay $0x1  }
0x72: {  	v3 =	vadd.s32 v1, v3;
	_ =	sdelay $0x1  }
0x73: {  	s26 =	simm.s32 $0xBB00  }
0x74: {  	[tilespmem:s26], [sflag:$0x1] =	stream.indirect_vreg.gather [hbm4b:s3+s5], $0x80, v4, vm0, $0xb8;
	[tilespmem:$0x1CB00] =	vst v63  }
0x75: {  	s28 =	simm.s32 $0xC300  }
0x76: {  	[tilespmem:s28], [sflag:$0x1] =	stream.indirect_vreg.gather [hbm4b:s3+s5], $0x80, v3, vm0, $0xb8;
	[tilespmem:$0x1CB00] =	vst v63  }
0x77: {  	v3 =	vld [tilespmem:$0x3200];
	_ =	sdelay $0x4  }
0x78: {  	v60 =	vshll.u32 v3, $0x1  }
0x79: {  	v3 =	vand.u32 $0x7, v3;
	v4 =	vand.u32 $0xFFFFFFF0, v60  }
0x7a: {  	v3 =	vor.u32 v3, v4  }
0x7b: {  	v4 =	vperm.xlane v3, v0;
	_ =	sdelay $0x1  }
0x7c: {  	v3 =	vperm.xlane v3, v2;
	v4 =	vadd.s32 v1, v4;
	_ =	sdelay $0x1  }
0x7d: {  	v3 =	vadd.s32 v1, v3;
	_ =	sdelay $0x1  }
0x7e: {  	s29 =	simm.s32 $0xCB00  }
0x7f: {  	[tilespmem:s29], [sflag:$0x1] =	stream.indirect_vreg.gather [hbm4b:s4+s5], $0x80, v4, vm0, $0xb8;
	[tilespmem:$0x1CB00] =	vst v63  }
0x80: {  	s22 =	simm.s32 $0xD300  }
0x81: {  	[tilespmem:s22], [sflag:$0x1] =	stream.indirect_vreg.gather [hbm4b:s4+s5], $0x80, v3, vm0, $0xb8;
	[tilespmem:$0x1CB00] =	vst v63  }
0x82: {  	v3 =	vld [tilespmem:$0x3210];
	_ =	sdelay $0x4  }
0x83: {  	v61 =	vshll.u32 v3, $0x1  }
0x84: {  	v3 =	vand.u32 $0x7, v3;
	v4 =	vand.u32 $0xFFFFFFF0, v61  }
0x85: {  	v3 =	vor.u32 v3, v4  }
0x86: {  	v4 =	vperm.xlane v3, v0;
	_ =	sdelay $0x1  }
0x87: {  	v3 =	vperm.xlane v3, v2;
	v4 =	vadd.s32 v1, v4;
	_ =	sdelay $0x1  }
0x88: {  	v3 =	vadd.s32 v1, v3;
	_ =	sdelay $0x1  }
0x89: {  	s23 =	simm.s32 $0xDB00  }
0x8a: {  	[tilespmem:s23], [sflag:$0x1] =	stream.indirect_vreg.gather [hbm4b:s4+s5], $0x80, v4, vm0, $0xb8;
	[tilespmem:$0x1CB00] =	vst v63  }
0x8b: {  	s24 =	simm.s32 $0xE300  }
0x8c: {  	[tilespmem:s24], [sflag:$0x1] =	stream.indirect_vreg.gather [hbm4b:s4+s5], $0x80, v3, vm0, $0xb8;
	[tilespmem:$0x1CB00] =	vst v63  }
0x8d: {  	v3 =	vld [tilespmem:$0x3220];
	_ =	sdelay $0x4  }
0x8e: {  	v62 =	vshll.u32 v3, $0x1  }
0x8f: {  	v3 =	vand.u32 $0x7, v3;
	v4 =	vand.u32 $0xFFFFFFF0, v62  }
0x90: {  	v3 =	vor.u32 v3, v4  }
0x91: {  	v4 =	vperm.xlane v3, v0;
	_ =	sdelay $0x1  }
0x92: {  	v3 =	vperm.xlane v3, v2;
	v4 =	vadd.s32 v1, v4;
	_ =	sdelay $0x1  }
0x93: {  	v3 =	vadd.s32 v1, v3;
	_ =	sdelay $0x1  }
0x94: {  	s25 =	simm.s32 $0xEB00  }
0x95: {  	[tilespmem:s25], [sflag:$0x1] =	stream.indirect_vreg.gather [hbm4b:s4+s5], $0x80, v4, vm0, $0xb8;
	[tilespmem:$0x1CB00] =	vst v63  }
0x96: {  	s26 =	simm.s32 $0xF300  }
0x97: {  	[tilespmem:s26], [sflag:$0x1] =	stream.indirect_vreg.gather [hbm4b:s4+s5], $0x80, v3, vm0, $0xb8;
	[tilespmem:$0x1CB00] =	vst v63  }
0x98: {  	v3 =	vld [tilespmem:$0x3230];
	_ =	sdelay $0x4  }
0x99: {  	v63 =	vshll.u32 v3, $0x1  }
0x9a: {  	v3 =	vand.u32 $0x7, v3;
	v4 =	vand.u32 $0xFFFFFFF0, v63  }
0x9b: {  	v3 =	vor.u32 v3, v4  }
0x9c: {  	v4 =	vperm.xlane v3, v0;
	_ =	sdelay $0x1  }
0x9d: {  	v3 =	vperm.xlane v3, v2;
	v4 =	vadd.s32 v1, v4;
	_ =	sdelay $0x1  }
0x9e: {  	v3 =	vadd.s32 v1, v3;
	_ =	sdelay $0x1  }
0x9f: {  	s28 =	simm.s32 $0xFB00  }
0xa0: {  	[tilespmem:s28], [sflag:$0x1] =	stream.indirect_vreg.gather [hbm4b:s4+s5], $0x80, v4, vm0, $0xb8;
	[tilespmem:$0x1CB00] =	vst v63  }
0xa1: {  	s21 =	simm.s32 $0x0;
	s29 =	simm.s32 $0x10300  }
0xa2: {  	[tilespmem:s29], [sflag:$0x1] =	stream.indirect_vreg.gather [hbm4b:s4+s5], $0x80, v3, vm0, $0xb8;
	[tilespmem:$0x1CB00] =	vst v63  }
.LBB2_2:
0xa3: {  	s22 =	sshllo.u32 s21, $0x1  }
0xa4: {  	s24 =	sshll.u32 s22, $0x6  }
0xa5: {  	v3 =	vld [tilespmem:s24+$0x0];
	_ =	sdelay $0x4  }
0xa6: {  	v4 =	vshll.u32 v3, $0x1  }
0xa7: {  	v3 =	vand.u32 $0x7, v3;
	v4 =	vand.u32 $0xFFFFFFF0, v4  }
0xa8: {  	v3 =	vor.u32 v3, v4  }
0xa9: {  	v4 =	vperm.xlane v3, v0;
	_ =	sdelay $0x1  }
0xaa: {  	v3 =	vperm.xlane v3, v2;
	v4 =	vadd.s32 v1, v4;
	_ =	sdelay $0x1  }
0xab: {  	v3 =	vadd.s32 v1, v3;
	_ =	sdelay $0x1  }
0xac: {  	s23 =	simm.s32 $0x0  }
0xad: {  	[tilespmem:s16], [sflag:$0x2] =	stream.indirect_vreg.gather [hbm4b:s1+s23], $0x80, v4, vm0, $0xb8;
	[tilespmem:$0x1CB00] =	vst v63  }
0xae: {  	s25 =	simm.s32 $0x11300  }
0xaf: {  	[tilespmem:s25], [sflag:$0x2] =	stream.indirect_vreg.gather [hbm4b:s1+s23], $0x80, v3, vm0, $0xb8;
	[tilespmem:$0x1CB00] =	vst v63  }
0xb0: {  	v3 =	vld [tilespmem:s24+$0x10];
	_ =	sdelay $0x4  }
0xb1: {  	v4 =	vshll.u32 v3, $0x1  }
0xb2: {  	v3 =	vand.u32 $0x7, v3;
	v4 =	vand.u32 $0xFFFFFFF0, v4  }
0xb3: {  	v3 =	vor.u32 v3, v4  }
0xb4: {  	v4 =	vperm.xlane v3, v0;
	_ =	sdelay $0x1  }
0xb5: {  	v3 =	vperm.xlane v3, v2;
	v4 =	vadd.s32 v1, v4;
	_ =	sdelay $0x1  }
0xb6: {  	v3 =	vadd.s32 v1, v3;
	_ =	sdelay $0x1  }
0xb7: {  	s29 =	simm.s32 $0x11B00  }
0xb8: {  	[tilespmem:s29], [sflag:$0x2] =	stream.indirect_vreg.gather [hbm4b:s1+s23], $0x80, v4, vm0, $0xb8;
	[tilespmem:$0x1CB00] =	vst v63  }
0xb9: {  	s26 =	simm.s32 $0x12300  }
0xba: {  	[tilespmem:s26], [sflag:$0x2] =	stream.indirect_vreg.gather [hbm4b:s1+s23], $0x80, v3, vm0, $0xb8;
	[tilespmem:$0x1CB00] =	vst v63  }
0xbb: {  	v3 =	vld [tilespmem:s24+$0x20];
	_ =	sdelay $0x4  }
0xbc: {  	v4 =	vshll.u32 v3, $0x1  }
0xbd: {  	v3 =	vand.u32 $0x7, v3;
	v4 =	vand.u32 $0xFFFFFFF0, v4  }
0xbe: {  	v3 =	vor.u32 v3, v4  }
0xbf: {  	v4 =	vperm.xlane v3, v0;
	_ =	sdelay $0x1  }
0xc0: {  	v3 =	vperm.xlane v3, v2;
	v4 =	vadd.s32 v1, v4;
	_ =	sdelay $0x1  }
0xc1: {  	v3 =	vadd.s32 v1, v3;
	_ =	sdelay $0x1  }
0xc2: {  	s28 =	simm.s32 $0x12B00  }
0xc3: {  	[tilespmem:s28], [sflag:$0x2] =	stream.indirect_vreg.gather [hbm4b:s1+s23], $0x80, v4, vm0, $0xb8;
	[tilespmem:$0x1CB00] =	vst v63  }
0xc4: {  	s29 =	simm.s32 $0x13300  }
0xc5: {  	[tilespmem:s29], [sflag:$0x2] =	stream.indirect_vreg.gather [hbm4b:s1+s23], $0x80, v3, vm0, $0xb8;
	[tilespmem:$0x1CB00] =	vst v63  }
0xc6: {  	v3 =	vld [tilespmem:s24+$0x30];
	_ =	sdelay $0x4  }
0xc7: {  	v4 =	vshll.u32 v3, $0x1  }
0xc8: {  	v3 =	vand.u32 $0x7, v3;
	v4 =	vand.u32 $0xFFFFFFF0, v4  }
0xc9: {  	v3 =	vor.u32 v3, v4  }
0xca: {  	v4 =	vperm.xlane v3, v0;
	_ =	sdelay $0x1  }
0xcb: {  	v3 =	vperm.xlane v3, v2;
	v4 =	vadd.s32 v1, v4;
	_ =	sdelay $0x1  }
0xcc: {  	v3 =	vadd.s32 v1, v3;
	_ =	sdelay $0x1  }
0xcd: {  	s26 =	simm.s32 $0x13B00  }
0xce: {  	[tilespmem:s26], [sflag:$0x2] =	stream.indirect_vreg.gather [hbm4b:s1+s23], $0x80, v4, vm0, $0xb8;
	[tilespmem:$0x1CB00] =	vst v63  }
0xcf: {  	s28 =	simm.s32 $0x14300  }
0xd0: {  	[tilespmem:s28], [sflag:$0x2] =	stream.indirect_vreg.gather [hbm4b:s1+s23], $0x80, v3, vm0, $0xb8;
	[tilespmem:$0x1CB00] =	vst v63  }
0xd1: {  	v3 =	vld [tilespmem:s24+$0x1900];
	_ =	sdelay $0x4  }
0xd2: {  	v4 =	vshll.u32 v3, $0x1  }
0xd3: {  	v3 =	vand.u32 $0x7, v3;
	v4 =	vand.u32 $0xFFFFFFF0, v4  }
0xd4: {  	v3 =	vor.u32 v3, v4  }
0xd5: {  	v4 =	vperm.xlane v3, v0;
	_ =	sdelay $0x1  }
0xd6: {  	v3 =	vperm.xlane v3, v2;
	v4 =	vadd.s32 v1, v4;
	_ =	sdelay $0x1  }
0xd7: {  	v3 =	vadd.s32 v1, v3;
	_ =	sdelay $0x1  }
0xd8: {  	s29 =	simm.s32 $0x14B00  }
0xd9: {  	[tilespmem:s29], [sflag:$0x2] =	stream.indirect_vreg.gather [hbm4b:s3+s23], $0x80, v4, vm0, $0xb8;
	[tilespmem:$0x1CB00] =	vst v63  }
0xda: {  	s26 =	simm.s32 $0x15300  }
0xdb: {  	[tilespmem:s26], [sflag:$0x2] =	stream.indirect_vreg.gather [hbm4b:s3+s23], $0x80, v3, vm0, $0xb8;
	[tilespmem:$0x1CB00] =	vst v63  }
0xdc: {  	v3 =	vld [tilespmem:s24+$0x1910];
	_ =	sdelay $0x4  }
0xdd: {  	v4 =	vshll.u32 v3, $0x1  }
0xde: {  	v3 =	vand.u32 $0x7, v3;
	v4 =	vand.u32 $0xFFFFFFF0, v4  }
0xdf: {  	v3 =	vor.u32 v3, v4  }
0xe0: {  	v4 =	vperm.xlane v3, v0;
	_ =	sdelay $0x1  }
0xe1: {  	v3 =	vperm.xlane v3, v2;
	v4 =	vadd.s32 v1, v4;
	_ =	sdelay $0x1  }
0xe2: {  	v3 =	vadd.s32 v1, v3;
	_ =	sdelay $0x1  }
0xe3: {  	s28 =	simm.s32 $0x15B00  }
0xe4: {  	[tilespmem:s28], [sflag:$0x2] =	stream.indirect_vreg.gather [hbm4b:s3+s23], $0x80, v4, vm0, $0xb8;
	[tilespmem:$0x1CB00] =	vst v63  }
0xe5: {  	s29 =	simm.s32 $0x16300  }
0xe6: {  	[tilespmem:s29], [sflag:$0x2] =	stream.indirect_vreg.gather [hbm4b:s3+s23], $0x80, v3, vm0, $0xb8;
	[tilespmem:$0x1CB00] =	vst v63  }
0xe7: {  	v3 =	vld [tilespmem:s24+$0x1920];
	_ =	sdelay $0x4  }
0xe8: {  	v4 =	vshll.u32 v3, $0x1  }
0xe9: {  	v3 =	vand.u32 $0x7, v3;
	v4 =	vand.u32 $0xFFFFFFF0, v4  }
0xea: {  	v3 =	vor.u32 v3, v4  }
0xeb: {  	v4 =	vperm.xlane v3, v0;
	_ =	sdelay $0x1  }
0xec: {  	v3 =	vperm.xlane v3, v2;
	v4 =	vadd.s32 v1, v4;
	_ =	sdelay $0x1  }
0xed: {  	v3 =	vadd.s32 v1, v3;
	_ =	sdelay $0x1  }
0xee: {  	s26 =	simm.s32 $0x16B00  }
0xef: {  	[tilespmem:s26], [sflag:$0x2] =	stream.indirect_vreg.gather [hbm4b:s3+s23], $0x80, v4, vm0, $0xb8;
	[tilespmem:$0x1CB00] =	vst v63  }
0xf0: {  	_ = 	snop  }
0xf1: {  	[tilespmem:s30], [sflag:$0x2] =	stream.indirect_vreg.gather [hbm4b:s3+s23], $0x80, v3, vm0, $0xb8;
	[tilespmem:$0x1CB00] =	vst v63  }
0xf2: {  	v3 =	vld [tilespmem:s24+$0x1930];
	_ =	sdelay $0x4  }
0xf3: {  	v4 =	vshll.u32 v3, $0x1  }
0xf4: {  	v3 =	vand.u32 $0x7, v3;
	v4 =	vand.u32 $0xFFFFFFF0, v4  }
0xf5: {  	v3 =	vor.u32 v3, v4  }
0xf6: {  	v4 =	vperm.xlane v3, v0;
	_ =	sdelay $0x1  }
0xf7: {  	v3 =	vperm.xlane v3, v2;
	v4 =	vadd.s32 v1, v4;
	_ =	sdelay $0x1  }
0xf8: {  	v3 =	vadd.s32 v1, v3;
	_ =	sdelay $0x2  }
0xf9: {  	[tilespmem:s31], [sflag:$0x2] =	stream.indirect_vreg.gather [hbm4b:s3+s23], $0x80, v4, vm0, $0xb8;
	[tilespmem:$0x1CB00] =	vst v63  }
0xfa: {  	_ = 	snop  }
0xfb: {  	[tilespmem:s2], [sflag:$0x2] =	stream.indirect_vreg.gather [hbm4b:s3+s23], $0x80, v3, vm0, $0xb8;
	[tilespmem:$0x1CB00] =	vst v63  }
0xfc: {  	v3 =	vld [tilespmem:s24+$0x3200];
	_ =	sdelay $0x4  }
0xfd: {  	v4 =	vshll.u32 v3, $0x1  }
0xfe: {  	v3 =	vand.u32 $0x7, v3;
	v4 =	vand.u32 $0xFFFFFFF0, v4  }
0xff: {  	v3 =	vor.u32 v3, v4  }
0x100: {  	v4 =	vperm.xlane v3, v0;
	_ =	sdelay $0x1  }
0x101: {  	v3 =	vperm.xlane v3, v2;
	v4 =	vadd.s32 v1, v4;
	_ =	sdelay $0x1  }
0x102: {  	v3 =	vadd.s32 v1, v3;
	_ =	sdelay $0x2  }
0x103: {  	[tilespmem:s0], [sflag:$0x2] =	stream.indirect_vreg.gather [hbm4b:s4+s23], $0x80, v4, vm0, $0xb8;
	[tilespmem:$0x1CB00] =	vst v63  }
0x104: {  	_ = 	snop  }
0x105: {  	[tilespmem:s13], [sflag:$0x2] =	stream.indirect_vreg.gather [hbm4b:s4+s23], $0x80, v3, vm0, $0xb8;
	[tilespmem:$0x1CB00] =	vst v63  }
0x106: {  	v3 =	vld [tilespmem:s24+$0x3210];
	_ =	sdelay $0x4  }
0x107: {  	v4 =	vshll.u32 v3, $0x1  }
0x108: {  	v3 =	vand.u32 $0x7, v3;
	v4 =	vand.u32 $0xFFFFFFF0, v4  }
0x109: {  	v3 =	vor.u32 v3, v4  }
0x10a: {  	v4 =	vperm.xlane v3, v0;
	_ =	sdelay $0x1  }
0x10b: {  	v3 =	vperm.xlane v3, v2;
	v4 =	vadd.s32 v1, v4;
	_ =	sdelay $0x1  }
0x10c: {  	v3 =	vadd.s32 v1, v3;
	_ =	sdelay $0x2  }
0x10d: {  	[tilespmem:s14], [sflag:$0x2] =	stream.indirect_vreg.gather [hbm4b:s4+s23], $0x80, v4, vm0, $0xb8;
	[tilespmem:$0x1CB00] =	vst v63  }
0x10e: {  	_ = 	snop  }
0x10f: {  	[tilespmem:s7], [sflag:$0x2] =	stream.indirect_vreg.gather [hbm4b:s4+s23], $0x80, v3, vm0, $0xb8;
	[tilespmem:$0x1CB00] =	vst v63  }
0x110: {  	v3 =	vld [tilespmem:s24+$0x3220];
	_ =	sdelay $0x4  }
0x111: {  	v4 =	vshll.u32 v3, $0x1  }
0x112: {  	v3 =	vand.u32 $0x7, v3;
	v4 =	vand.u32 $0xFFFFFFF0, v4  }
0x113: {  	v3 =	vor.u32 v3, v4  }
0x114: {  	v4 =	vperm.xlane v3, v0;
	_ =	sdelay $0x1  }
0x115: {  	v3 =	vperm.xlane v3, v2;
	v4 =	vadd.s32 v1, v4;
	_ =	sdelay $0x1  }
0x116: {  	v3 =	vadd.s32 v1, v3;
	_ =	sdelay $0x2  }
0x117: {  	[tilespmem:s8], [sflag:$0x2] =	stream.indirect_vreg.gather [hbm4b:s4+s23], $0x80, v4, vm0, $0xb8;
	[tilespmem:$0x1CB00] =	vst v63  }
0x118: {  	_ = 	snop  }
0x119: {  	[tilespmem:s9], [sflag:$0x2] =	stream.indirect_vreg.gather [hbm4b:s4+s23], $0x80, v3, vm0, $0xb8;
	[tilespmem:$0x1CB00] =	vst v63  }
0x11a: {  	v3 =	vld [tilespmem:s24+$0x3230];
	_ =	sdelay $0x4  }
0x11b: {  	v4 =	vshll.u32 v3, $0x1  }
0x11c: {  	v3 =	vand.u32 $0x7, v3;
	v4 =	vand.u32 $0xFFFFFFF0, v4  }
0x11d: {  	v3 =	vor.u32 v3, v4  }
0x11e: {  	v4 =	vperm.xlane v3, v0;
	_ =	sdelay $0x1  }
0x11f: {  	v3 =	vperm.xlane v3, v2;
	v4 =	vadd.s32 v1, v4;
	_ =	sdelay $0x1  }
0x120: {  	v3 =	vadd.s32 v1, v3;
	_ =	sdelay $0x2  }
0x121: {  	[tilespmem:s11], [sflag:$0x2] =	stream.indirect_vreg.gather [hbm4b:s4+s23], $0x80, v4, vm0, $0xb8;
	[tilespmem:$0x1CB00] =	vst v63  }
0x122: {  	_ = 	snop  }
0x123: {  	[tilespmem:s17], [sflag:$0x2] =	stream.indirect_vreg.gather [hbm4b:s4+s23], $0x80, v3, vm0, $0xb8;
	[tilespmem:$0x1CB00] =	vst v63  }
0x124: {  	_ =	swait.ge [sflag:s18], $0x4000  }
0x125: {  	[sflag:s18] =	ssyncset.done $0x0  }
0x126: {  	[sflag:s18] =	ssyncadd.s32 $0xFFFFC000  }
0x127: {  	_ =	swait.ge [sflag:s18], $0x4000  }
0x128: {  	[sflag:s18] =	ssyncset.done $0x0  }
0x129: {  	[sflag:s18] =	ssyncadd.s32 $0xFFFFC000  }
0x12a: {  	_ =	swait.ge [sflag:s18], $0x4000  }
0x12b: {  	s28 =	sand.u32 $0x3800, s23;
	s29 =	sand.u32 $0x380, s23;
	[sflag:s18] =	ssyncset.done $0x0  }
0x12c: {  	s24 =	sor.u32 s29, s28;
	[sflag:s18] =	ssyncadd.s32 $0xFFFFC000  }
0x12d: {  	v17 =	vld [tilespmem:s24+$0xCB00]  }
0x12e: {  	v18 =	vld [tilespmem:s24+$0xCB10]  }
0x12f: {  	v19 =	vld [tilespmem:s24+$0xCB20]  }
0x130: {  	v21 =	vld [tilespmem:s24+$0xCB30]  }
0x131: {  	v22 =	vld [tilespmem:s24+$0xCB40]  }
0x132: {  	v23 =	vld [tilespmem:s24+$0xCB50]  }
0x133: {  	v24 =	vld [tilespmem:s24+$0xCB60]  }
0x134: {  	v9 =	vld [tilespmem:s24+$0xCB70]  }
0x135: {  	v8 =	vld [tilespmem:s24+$0xCF00]  }
0x136: {  	v7 =	vld [tilespmem:s24+$0xCF10]  }
0x137: {  	v6 =	vld [tilespmem:s24+$0xCF20]  }
0x138: {  	v5 =	vld [tilespmem:s24+$0xCF30]  }
0x139: {  	v4 =	vld [tilespmem:s24+$0xCF40]  }
0x13a: {  	v3 =	vld [tilespmem:s24+$0xCF50]  }
0x13b: {  	v20 =	vld [tilespmem:s24+$0x8B00]  }
0x13c: {  	v25 =	vld [tilespmem:s24+$0x8B10]  }
0x13d: {  	v26 =	vld [tilespmem:s24+$0x8B20]  }
0x13e: {  	v27 =	vld [tilespmem:s24+$0x8B30]  }
0x13f: {  	v28 =	vld [tilespmem:s24+$0x8B40]  }
0x140: {  	v29 =	vld [tilespmem:s24+$0x8B50]  }
0x141: {  	v30 =	vld [tilespmem:s24+$0x8B60]  }
0x142: {  	v31 =	vld [tilespmem:s24+$0x8B70]  }
0x143: {  	v32 =	vld [tilespmem:s24+$0x8F00]  }
0x144: {  	v16 =	vld [tilespmem:s24+$0x8F10]  }
0x145: {  	v15 =	vld [tilespmem:s24+$0x8F20]  }
0x146: {  	v14 =	vld [tilespmem:s24+$0x8F30]  }
0x147: {  	v13 =	vld [tilespmem:s24+$0x8F40]  }
0x148: {  	v12 =	vld [tilespmem:s24+$0x8F50]  }
0x149: {  	v11 =	vld [tilespmem:s24+$0x8F60]  }
0x14a: {  	v10 =	vld [tilespmem:s24+$0x8F70]  }
0x14b: {  	v33 =	vld [tilespmem:s24+$0x4B00]  }
0x14c: {  	v34 =	vld [tilespmem:s24+$0x4B10]  }
0x14d: {  	v35 =	vld [tilespmem:s24+$0x4B20]  }
0x14e: {  	v36 =	vld [tilespmem:s24+$0x4B30]  }
0x14f: {  	v37 =	vld [tilespmem:s24+$0x4B40]  }
0x150: {  	v61 =	vld [tilespmem:s24+$0x4B50];
	v20 =	vadd.f32 v20, v33  }
0x151: {  	v62 =	vld [tilespmem:s24+$0x4B60];
	v25 =	vadd.f32 v25, v34  }
0x152: {  	v17 =	vadd.f32 v17, v20;
	v20 =	vadd.f32 v26, v35;
	v26 =	vld [tilespmem:s24+$0x4B70]  }
0x153: {  	v18 =	vadd.f32 v18, v25;
	v25 =	vadd.f32 v27, v36;
	v27 =	vld [tilespmem:s24+$0x4F00]  }
0x154: {  	[tilespmem:s24+$0x4B00] =	vst v17;
	v17 =	vadd.f32 v19, v20;
	v19 =	vadd.f32 v28, v37;
	v20 =	vld [tilespmem:s24+$0x4F10]  }
0x155: {  	[tilespmem:s24+$0x4B10] =	vst v18;
	v18 =	vadd.f32 v21, v25;
	v25 =	vadd.f32 v29, v61;
	v21 =	vld [tilespmem:s24+$0x4F20]  }
0x156: {  	v63 =	vadd.f32 v30, v62;
	[tilespmem:s24+$0x4B20] =	vst v17;
	v17 =	vadd.f32 v22, v19;
	v19 =	vld [tilespmem:s24+$0x4F30]  }
0x157: {  	[tilespmem:s24+$0x4B30] =	vst v18;
	v22 =	vadd.f32 v23, v25;
	v18 =	vld [tilespmem:s24+$0x4F40];
	v23 =	vadd.f32 v31, v26  }
0x158: {  	s25 =	simm.s32 $0x100;
	v24 =	vadd.f32 v24, v63;
	v25 =	vadd.f32 v32, v27;
	[tilespmem:s24+$0x4B40] =	vst v17;
	v17 =	vld [tilespmem:s24+$0x4F50]  }
.LBB2_3:
0x159: {  	p0 =	sne.s32 s25, $0x3F00;
	[tilespmem:s24+$0x4B50] =	vst v22;
	v9 =	vadd.f32 v9, v23;
	v16 =	vadd.f32 v16, v20;
	v20 =	vld [tilespmem:s24+$0x4F60]  }
0x15a: {  	s23 =	sadd.s32 $0x80, s23;
	[tilespmem:s24+$0x4B60] =	vst v24;
	v8 =	vadd.f32 v8, v25;
	v15 =	vadd.f32 v15, v21;
	v21 =	vld [tilespmem:s24+$0x4F70]  }
0x15b: {  	s26 =	sand.u32 $0x3800, s25;
	s28 =	sand.u32 $0x380, s23;
	[tilespmem:s24+$0x4B70] =	vst v9;
	v7 =	vadd.f32 v7, v16;
	v9 =	vadd.f32 v14, v19;
	v14 =	vld [tilespmem:s24+$0xCF60]  }
0x15c: {  	s26 =	sor.u32 s28, s26;
	[tilespmem:s24+$0x4F00] =	vst v8;
	v6 =	vadd.f32 v6, v15;
	v8 =	vadd.f32 v13, v18;
	v13 =	vld [tilespmem:s24+$0xCF70]  }
0x15d: {  	v18 =	vld [tilespmem:s26+$0xCB00];
	[tilespmem:s24+$0x4F10] =	vst v7;
	v5 =	vadd.f32 v5, v9;
	v7 =	vadd.f32 v12, v17  }
0x15e: {  	v17 =	vld [tilespmem:s26+$0xCB10];
	[tilespmem:s24+$0x4F20] =	vst v6;
	v4 =	vadd.f32 v4, v8;
	v6 =	vadd.f32 v11, v20  }
0x15f: {  	v19 =	vld [tilespmem:s26+$0xCB20];
	[tilespmem:s24+$0x4F30] =	vst v5;
	v3 =	vadd.f32 v3, v7;
	v5 =	vadd.f32 v10, v21  }
0x160: {  	v21 =	vld [tilespmem:s26+$0xCB30];
	[tilespmem:s24+$0x4F40] =	vst v4;
	v4 =	vadd.f32 v14, v6  }
0x161: {  	v22 =	vld [tilespmem:s26+$0xCB40];
	[tilespmem:s24+$0x4F50] =	vst v3;
	v3 =	vadd.f32 v13, v5  }
0x162: {  	v23 =	vld [tilespmem:s26+$0xCB50];
	[tilespmem:s24+$0x4F60] =	vst v4  }
0x163: {  	v24 =	vld [tilespmem:s26+$0xCB60];
	[tilespmem:s24+$0x4F70] =	vst v3;
	s24 =	smov.u32 s26  }
0x164: {  	v9 =	vld [tilespmem:s24+$0xCB70]  }
0x165: {  	v8 =	vld [tilespmem:s24+$0xCF00]  }
0x166: {  	v7 =	vld [tilespmem:s24+$0xCF10]  }
0x167: {  	v6 =	vld [tilespmem:s24+$0xCF20]  }
0x168: {  	v5 =	vld [tilespmem:s24+$0xCF30]  }
0x169: {  	v4 =	vld [tilespmem:s24+$0xCF40]  }
0x16a: {  	v3 =	vld [tilespmem:s24+$0xCF50]  }
0x16b: {  	v20 =	vld [tilespmem:s24+$0x8B00]  }
0x16c: {  	v25 =	vld [tilespmem:s24+$0x8B10]  }
0x16d: {  	v26 =	vld [tilespmem:s24+$0x8B20]  }
0x16e: {  	v27 =	vld [tilespmem:s24+$0x8B30]  }
0x16f: {  	v28 =	vld [tilespmem:s24+$0x8B40]  }
0x170: {  	v29 =	vld [tilespmem:s24+$0x8B50]  }
0x171: {  	v30 =	vld [tilespmem:s24+$0x8B60]  }
0x172: {  	v31 =	vld [tilespmem:s24+$0x8B70]  }
0x173: {  	v32 =	vld [tilespmem:s24+$0x8F00]  }
0x174: {  	v16 =	vld [tilespmem:s24+$0x8F10]  }
0x175: {  	v15 =	vld [tilespmem:s24+$0x8F20]  }
0x176: {  	v14 =	vld [tilespmem:s24+$0x8F30]  }
0x177: {  	v13 =	vld [tilespmem:s24+$0x8F40]  }
0x178: {  	v12 =	vld [tilespmem:s24+$0x8F50]  }
0x179: {  	v11 =	vld [tilespmem:s24+$0x8F60]  }
0x17a: {  	v10 =	vld [tilespmem:s24+$0x8F70]  }
0x17b: {  	v33 =	vld [tilespmem:s24+$0x4B00]  }
0x17c: {  	v34 =	vld [tilespmem:s24+$0x4B10]  }
0x17d: {  	v35 =	vld [tilespmem:s24+$0x4B20]  }
0x17e: {  	v36 =	vld [tilespmem:s24+$0x4B30]  }
0x17f: {  	v37 =	vld [tilespmem:s24+$0x4B40]  }
0x180: {  	v20 =	vadd.f32 v20, v33;
	v33 =	vld [tilespmem:s24+$0x4B50]  }
0x181: {  	v25 =	vadd.f32 v25, v34;
	v34 =	vld [tilespmem:s24+$0x4B60]  }
0x182: {  	v18 =	vadd.f32 v18, v20;
	v20 =	vadd.f32 v26, v35;
	v26 =	vld [tilespmem:s24+$0x4B70]  }
0x183: {  	v17 =	vadd.f32 v17, v25;
	v25 =	vadd.f32 v27, v36;
	v27 =	vld [tilespmem:s24+$0x4F00]  }
.Ltmp0:
0x184: {  	[tilespmem:s24+$0x4B00] =	vst v18;
	v18 =	vadd.f32 v19, v20;
	v19 =	vadd.f32 v28, v37;
	v20 =	vld [tilespmem:s24+$0x4F10];
	(pc) =	sbr.rel @p0 .LBB2_3-.Ltmp0, $4  }
0x185: {  	[tilespmem:s24+$0x4B10] =	vst v17;
	v17 =	vadd.f32 v21, v25;
	v25 =	vadd.f32 v29, v33;
	v21 =	vld [tilespmem:s24+$0x4F20]  }
0x186: {  	[tilespmem:s24+$0x4B20] =	vst v18;
	v28 =	vadd.f32 v22, v19;
	v29 =	vadd.f32 v30, v34;
	v19 =	vld [tilespmem:s24+$0x4F30]  }
0x187: {  	[tilespmem:s24+$0x4B30] =	vst v17;
	v22 =	vadd.f32 v23, v25;
	v23 =	vadd.f32 v31, v26;
	v18 =	vld [tilespmem:s24+$0x4F40]  }
0x188: {  	s25 =	sadd.s32 $0x100, s25;
	[tilespmem:s24+$0x4B40] =	vst v28;
	v24 =	vadd.f32 v24, v29;
	v25 =	vadd.f32 v32, v27;
	v17 =	vld [tilespmem:s24+$0x4F50]  }
0x189: {  	[tilespmem:s24+$0x4B50] =	vst v22;
	v9 =	vadd.f32 v9, v23;
	v16 =	vadd.f32 v16, v20;
	v54 =	vld [tilespmem:s24+$0x4F60]  }
0x18a: {  	v55 =	vld [tilespmem:s24+$0x4F70];
	[tilespmem:s24+$0x4B60] =	vst v24;
	v8 =	vadd.f32 v8, v25;
	v15 =	vadd.f32 v15, v21  }
0x18b: {  	v57 =	vld [tilespmem:s24+$0xCF60];
	[tilespmem:s24+$0x4B70] =	vst v9;
	v7 =	vadd.f32 v7, v16;
	v56 =	vadd.f32 v14, v19  }
0x18c: {  	v59 =	vld [tilespmem:s24+$0xCF70];
	[tilespmem:s24+$0x4F00] =	vst v8;
	v6 =	vadd.f32 v6, v15;
	v58 =	vadd.f32 v13, v18  }
0x18d: {  	[tilespmem:s24+$0x4F10] =	vst v7;
	v5 =	vadd.f32 v5, v56;
	v60 =	vadd.f32 v12, v17  }
0x18e: {  	[tilespmem:s24+$0x4F20] =	vst v6;
	v4 =	vadd.f32 v4, v58;
	v61 =	vadd.f32 v11, v54  }
0x18f: {  	v62 =	vadd.f32 v10, v55;
	[tilespmem:s24+$0x4F30] =	vst v5;
	v3 =	vadd.f32 v3, v60  }
0x190: {  	s23 =	sshll.u32 s21, $0xF;
	[tilespmem:s24+$0x4F40] =	vst v4;
	v63 =	vadd.f32 v57, v61  }
0x191: {  	s23 =	sadd.s32 s10, s23;
	[tilespmem:s24+$0x4F50] =	vst v3;
	v3 =	vadd.f32 v59, v62  }
0x192: {  	p0 =	seq.s32 s21, $0x31;
	s23 =	sshrl.u32 s23, $0x3;
	[tilespmem:s24+$0x4F60] =	vst v63  }
.Ltmp1:
0x193: {  	s23 =	sadd.s32 s6, s23;
	[tilespmem:s24+$0x4F70] =	vst v3;
	(pc) =	sbr.rel @p0 .LBB2_6-.Ltmp1, $4  }
0x194: {  	[hbm4b:s23+s5] =	stream.linear.scatter [tilespmem:s15], [sflag:$0x4], $0x4000, $0x38;
	[tilespmem:$0x1CB00] =	vst v63  }
0x195: {  	_ =	swait.ge [sflag:s19], $0x4000  }
0x196: {  	[sflag:s19] =	ssyncset.done $0x0  }
0x197: {  	[sflag:s19] =	ssyncadd.s32 $0xFFFFC000  }
0x198: {  	s23 =	sshll.u32 s21, $0x7  }
0x199: {  	v3 =	vld [tilespmem:s23+$0x80];
	_ =	sdelay $0x4  }
0x19a: {  	v4 =	vshll.u32 v3, $0x1  }
0x19b: {  	v3 =	vand.u32 $0x7, v3;
	v4 =	vand.u32 $0xFFFFFFF0, v4  }
0x19c: {  	v3 =	vor.u32 v3, v4  }
0x19d: {  	v4 =	vperm.xlane v3, v0;
	_ =	sdelay $0x1  }
0x19e: {  	v3 =	vperm.xlane v3, v2;
	v4 =	vadd.s32 v1, v4;
	_ =	sdelay $0x1  }
0x19f: {  	v3 =	vadd.s32 v1, v3;
	_ =	sdelay $0x2  }
0x1a0: {  	[tilespmem:s15], [sflag:$0x1] =	stream.indirect_vreg.gather [hbm4b:s1+s5], $0x80, v4, vm0, $0xb8;
	[tilespmem:$0x1CB00] =	vst v63  }
0x1a1: {  	s24 =	simm.s32 $0x5300  }
0x1a2: {  	[tilespmem:s24], [sflag:$0x1] =	stream.indirect_vreg.gather [hbm4b:s1+s5], $0x80, v3, vm0, $0xb8;
	[tilespmem:$0x1CB00] =	vst v63  }
0x1a3: {  	v3 =	vld [tilespmem:s23+$0x90];
	_ =	sdelay $0x4  }
0x1a4: {  	v53 =	vshll.u32 v3, $0x1  }
0x1a5: {  	v3 =	vand.u32 $0x7, v3;
	v4 =	vand.u32 $0xFFFFFFF0, v53  }
0x1a6: {  	v3 =	vor.u32 v3, v4  }
0x1a7: {  	v4 =	vperm.xlane v3, v0;
	_ =	sdelay $0x1  }
0x1a8: {  	v3 =	vperm.xlane v3, v2;
	v4 =	vadd.s32 v1, v4;
	_ =	sdelay $0x1  }
0x1a9: {  	v3 =	vadd.s32 v1, v3;
	_ =	sdelay $0x1  }
0x1aa: {  	s28 =	simm.s32 $0x5B00  }
0x1ab: {  	[tilespmem:s28], [sflag:$0x1] =	stream.indirect_vreg.gather [hbm4b:s1+s5], $0x80, v4, vm0, $0xb8;
	[tilespmem:$0x1CB00] =	vst v63  }
0x1ac: {  	s29 =	simm.s32 $0x6300  }
0x1ad: {  	[tilespmem:s29], [sflag:$0x1] =	stream.indirect_vreg.gather [hbm4b:s1+s5], $0x80, v3, vm0, $0xb8;
	[tilespmem:$0x1CB00] =	vst v63  }
0x1ae: {  	v3 =	vld [tilespmem:s23+$0xA0];
	_ =	sdelay $0x4  }
0x1af: {  	v54 =	vshll.u32 v3, $0x1  }
0x1b0: {  	v3 =	vand.u32 $0x7, v3;
	v4 =	vand.u32 $0xFFFFFFF0, v54  }
0x1b1: {  	v3 =	vor.u32 v3, v4  }
0x1b2: {  	v4 =	vperm.xlane v3, v0;
	_ =	sdelay $0x1  }
0x1b3: {  	v3 =	vperm.xlane v3, v2;
	v4 =	vadd.s32 v1, v4;
	_ =	sdelay $0x1  }
0x1b4: {  	v3 =	vadd.s32 v1, v3;
	_ =	sdelay $0x1  }
0x1b5: {  	s25 =	simm.s32 $0x6B00  }
0x1b6: {  	[tilespmem:s25], [sflag:$0x1] =	stream.indirect_vreg.gather [hbm4b:s1+s5], $0x80, v4, vm0, $0xb8;
	[tilespmem:$0x1CB00] =	vst v63  }
0x1b7: {  	s26 =	simm.s32 $0x7300  }
0x1b8: {  	[tilespmem:s26], [sflag:$0x1] =	stream.indirect_vreg.gather [hbm4b:s1+s5], $0x80, v3, vm0, $0xb8;
	[tilespmem:$0x1CB00] =	vst v63  }
0x1b9: {  	v3 =	vld [tilespmem:s23+$0xB0];
	_ =	sdelay $0x4  }
0x1ba: {  	v55 =	vshll.u32 v3, $0x1  }
0x1bb: {  	v3 =	vand.u32 $0x7, v3;
	v4 =	vand.u32 $0xFFFFFFF0, v55  }
0x1bc: {  	v3 =	vor.u32 v3, v4  }
0x1bd: {  	v4 =	vperm.xlane v3, v0;
	_ =	sdelay $0x1  }
0x1be: {  	v3 =	vperm.xlane v3, v2;
	v4 =	vadd.s32 v1, v4;
	_ =	sdelay $0x1  }
0x1bf: {  	v3 =	vadd.s32 v1, v3;
	_ =	sdelay $0x1  }
0x1c0: {  	s28 =	simm.s32 $0x7B00  }
0x1c1: {  	[tilespmem:s28], [sflag:$0x1] =	stream.indirect_vreg.gather [hbm4b:s1+s5], $0x80, v4, vm0, $0xb8;
	[tilespmem:$0x1CB00] =	vst v63  }
0x1c2: {  	s29 =	simm.s32 $0x8300  }
0x1c3: {  	[tilespmem:s29], [sflag:$0x1] =	stream.indirect_vreg.gather [hbm4b:s1+s5], $0x80, v3, vm0, $0xb8;
	[tilespmem:$0x1CB00] =	vst v63  }
0x1c4: {  	v3 =	vld [tilespmem:s23+$0x1980];
	_ =	sdelay $0x4  }
0x1c5: {  	v56 =	vshll.u32 v3, $0x1  }
0x1c6: {  	v3 =	vand.u32 $0x7, v3;
	v4 =	vand.u32 $0xFFFFFFF0, v56  }
0x1c7: {  	v3 =	vor.u32 v3, v4  }
0x1c8: {  	v4 =	vperm.xlane v3, v0;
	_ =	sdelay $0x1  }
0x1c9: {  	v3 =	vperm.xlane v3, v2;
	v4 =	vadd.s32 v1, v4;
	_ =	sdelay $0x1  }
0x1ca: {  	v3 =	vadd.s32 v1, v3;
	_ =	sdelay $0x1  }
0x1cb: {  	s25 =	simm.s32 $0x8B00  }
0x1cc: {  	[tilespmem:s25], [sflag:$0x1] =	stream.indirect_vreg.gather [hbm4b:s3+s5], $0x80, v4, vm0, $0xb8;
	[tilespmem:$0x1CB00] =	vst v63  }
0x1cd: {  	s26 =	simm.s32 $0x9300  }
0x1ce: {  	[tilespmem:s26], [sflag:$0x1] =	stream.indirect_vreg.gather [hbm4b:s3+s5], $0x80, v3, vm0, $0xb8;
	[tilespmem:$0x1CB00] =	vst v63  }
0x1cf: {  	v3 =	vld [tilespmem:s23+$0x1990];
	_ =	sdelay $0x4  }
0x1d0: {  	v57 =	vshll.u32 v3, $0x1  }
0x1d1: {  	v3 =	vand.u32 $0x7, v3;
	v4 =	vand.u32 $0xFFFFFFF0, v57  }
0x1d2: {  	v3 =	vor.u32 v3, v4  }
0x1d3: {  	v4 =	vperm.xlane v3, v0;
	_ =	sdelay $0x1  }
0x1d4: {  	v3 =	vperm.xlane v3, v2;
	v4 =	vadd.s32 v1, v4;
	_ =	sdelay $0x1  }
0x1d5: {  	v3 =	vadd.s32 v1, v3;
	_ =	sdelay $0x1  }
0x1d6: {  	s28 =	simm.s32 $0x9B00  }
0x1d7: {  	[tilespmem:s28], [sflag:$0x1] =	stream.indirect_vreg.gather [hbm4b:s3+s5], $0x80, v4, vm0, $0xb8;
	[tilespmem:$0x1CB00] =	vst v63  }
0x1d8: {  	s29 =	simm.s32 $0xA300  }
0x1d9: {  	[tilespmem:s29], [sflag:$0x1] =	stream.indirect_vreg.gather [hbm4b:s3+s5], $0x80, v3, vm0, $0xb8;
	[tilespmem:$0x1CB00] =	vst v63  }
0x1da: {  	v3 =	vld [tilespmem:s23+$0x19A0];
	_ =	sdelay $0x4  }
0x1db: {  	v58 =	vshll.u32 v3, $0x1  }
0x1dc: {  	v3 =	vand.u32 $0x7, v3;
	v4 =	vand.u32 $0xFFFFFFF0, v58  }
0x1dd: {  	v3 =	vor.u32 v3, v4  }
0x1de: {  	v4 =	vperm.xlane v3, v0;
	_ =	sdelay $0x1  }
0x1df: {  	v3 =	vperm.xlane v3, v2;
	v4 =	vadd.s32 v1, v4;
	_ =	sdelay $0x1  }
0x1e0: {  	v3 =	vadd.s32 v1, v3;
	_ =	sdelay $0x1  }
0x1e1: {  	s25 =	simm.s32 $0xAB00  }
0x1e2: {  	[tilespmem:s25], [sflag:$0x1] =	stream.indirect_vreg.gather [hbm4b:s3+s5], $0x80, v4, vm0, $0xb8;
	[tilespmem:$0x1CB00] =	vst v63  }
0x1e3: {  	s26 =	simm.s32 $0xB300  }
0x1e4: {  	[tilespmem:s26], [sflag:$0x1] =	stream.indirect_vreg.gather [hbm4b:s3+s5], $0x80, v3, vm0, $0xb8;
	[tilespmem:$0x1CB00] =	vst v63  }
0x1e5: {  	v3 =	vld [tilespmem:s23+$0x19B0];
	_ =	sdelay $0x4  }
0x1e6: {  	v59 =	vshll.u32 v3, $0x1  }
0x1e7: {  	v3 =	vand.u32 $0x7, v3;
	v4 =	vand.u32 $0xFFFFFFF0, v59  }
0x1e8: {  	v3 =	vor.u32 v3, v4  }
0x1e9: {  	v4 =	vperm.xlane v3, v0;
	_ =	sdelay $0x1  }
0x1ea: {  	v3 =	vperm.xlane v3, v2;
	v4 =	vadd.s32 v1, v4;
	_ =	sdelay $0x1  }
0x1eb: {  	v3 =	vadd.s32 v1, v3;
	_ =	sdelay $0x1  }
0x1ec: {  	s28 =	simm.s32 $0xBB00  }
0x1ed: {  	[tilespmem:s28], [sflag:$0x1] =	stream.indirect_vreg.gather [hbm4b:s3+s5], $0x80, v4, vm0, $0xb8;
	[tilespmem:$0x1CB00] =	vst v63  }
0x1ee: {  	s29 =	simm.s32 $0xC300  }
0x1ef: {  	[tilespmem:s29], [sflag:$0x1] =	stream.indirect_vreg.gather [hbm4b:s3+s5], $0x80, v3, vm0, $0xb8;
	[tilespmem:$0x1CB00] =	vst v63  }
0x1f0: {  	v3 =	vld [tilespmem:s23+$0x3280];
	_ =	sdelay $0x4  }
0x1f1: {  	v60 =	vshll.u32 v3, $0x1  }
0x1f2: {  	v3 =	vand.u32 $0x7, v3;
	v4 =	vand.u32 $0xFFFFFFF0, v60  }
0x1f3: {  	v3 =	vor.u32 v3, v4  }
0x1f4: {  	v4 =	vperm.xlane v3, v0;
	_ =	sdelay $0x1  }
0x1f5: {  	v3 =	vperm.xlane v3, v2;
	v4 =	vadd.s32 v1, v4;
	_ =	sdelay $0x1  }
0x1f6: {  	v3 =	vadd.s32 v1, v3;
	_ =	sdelay $0x1  }
0x1f7: {  	s25 =	simm.s32 $0xCB00  }
0x1f8: {  	[tilespmem:s25], [sflag:$0x1] =	stream.indirect_vreg.gather [hbm4b:s4+s5], $0x80, v4, vm0, $0xb8;
	[tilespmem:$0x1CB00] =	vst v63  }
0x1f9: {  	s26 =	simm.s32 $0xD300  }
0x1fa: {  	[tilespmem:s26], [sflag:$0x1] =	stream.indirect_vreg.gather [hbm4b:s4+s5], $0x80, v3, vm0, $0xb8;
	[tilespmem:$0x1CB00] =	vst v63  }
0x1fb: {  	v3 =	vld [tilespmem:s23+$0x3290];
	_ =	sdelay $0x4  }
0x1fc: {  	v61 =	vshll.u32 v3, $0x1  }
0x1fd: {  	v3 =	vand.u32 $0x7, v3;
	v4 =	vand.u32 $0xFFFFFFF0, v61  }
0x1fe: {  	v3 =	vor.u32 v3, v4  }
0x1ff: {  	v4 =	vperm.xlane v3, v0;
	_ =	sdelay $0x1  }
0x200: {  	v3 =	vperm.xlane v3, v2;
	v4 =	vadd.s32 v1, v4;
	_ =	sdelay $0x1  }
0x201: {  	v3 =	vadd.s32 v1, v3;
	_ =	sdelay $0x1  }
0x202: {  	s28 =	simm.s32 $0xDB00  }
0x203: {  	[tilespmem:s28], [sflag:$0x1] =	stream.indirect_vreg.gather [hbm4b:s4+s5], $0x80, v4, vm0, $0xb8;
	[tilespmem:$0x1CB00] =	vst v63  }
0x204: {  	s29 =	simm.s32 $0xE300  }
0x205: {  	[tilespmem:s29], [sflag:$0x1] =	stream.indirect_vreg.gather [hbm4b:s4+s5], $0x80, v3, vm0, $0xb8;
	[tilespmem:$0x1CB00] =	vst v63  }
0x206: {  	v3 =	vld [tilespmem:s23+$0x32A0];
	_ =	sdelay $0x4  }
0x207: {  	v62 =	vshll.u32 v3, $0x1  }
0x208: {  	v3 =	vand.u32 $0x7, v3;
	v4 =	vand.u32 $0xFFFFFFF0, v62  }
0x209: {  	v3 =	vor.u32 v3, v4  }
0x20a: {  	v4 =	vperm.xlane v3, v0;
	_ =	sdelay $0x1  }
0x20b: {  	v3 =	vperm.xlane v3, v2;
	v4 =	vadd.s32 v1, v4;
	_ =	sdelay $0x1  }
0x20c: {  	v3 =	vadd.s32 v1, v3;
	_ =	sdelay $0x1  }
0x20d: {  	s25 =	simm.s32 $0xEB00  }
0x20e: {  	[tilespmem:s25], [sflag:$0x1] =	stream.indirect_vreg.gather [hbm4b:s4+s5], $0x80, v4, vm0, $0xb8;
	[tilespmem:$0x1CB00] =	vst v63  }
0x20f: {  	s26 =	simm.s32 $0xF300  }
0x210: {  	[tilespmem:s26], [sflag:$0x1] =	stream.indirect_vreg.gather [hbm4b:s4+s5], $0x80, v3, vm0, $0xb8;
	[tilespmem:$0x1CB00] =	vst v63  }
0x211: {  	v3 =	vld [tilespmem:s23+$0x32B0];
	_ =	sdelay $0x4  }
0x212: {  	v63 =	vshll.u32 v3, $0x1  }
0x213: {  	v3 =	vand.u32 $0x7, v3;
	v4 =	vand.u32 $0xFFFFFFF0, v63  }
0x214: {  	v3 =	vor.u32 v3, v4  }
0x215: {  	v4 =	vperm.xlane v3, v0;
	_ =	sdelay $0x1  }
0x216: {  	v3 =	vperm.xlane v3, v2;
	v4 =	vadd.s32 v1, v4;
	_ =	sdelay $0x1  }
0x217: {  	v3 =	vadd.s32 v1, v3;
	_ =	sdelay $0x1  }
0x218: {  	s28 =	simm.s32 $0xFB00  }
0x219: {  	[tilespmem:s28], [sflag:$0x1] =	stream.indirect_vreg.gather [hbm4b:s4+s5], $0x80, v4, vm0, $0xb8;
	[tilespmem:$0x1CB00] =	vst v63  }
0x21a: {  	s29 =	simm.s32 $0x10300  }
0x21b: {  	[tilespmem:s29], [sflag:$0x1] =	stream.indirect_vreg.gather [hbm4b:s4+s5], $0x80, v3, vm0, $0xb8;
	[tilespmem:$0x1CB00] =	vst v63  }
.LBB2_6:
0x21c: {  	_ =	swait.ge [sflag:s20], $0x4000  }
0x21d: {  	[sflag:s20] =	ssyncset.done $0x0  }
0x21e: {  	[sflag:s20] =	ssyncadd.s32 $0xFFFFC000  }
0x21f: {  	_ =	swait.ge [sflag:s20], $0x4000  }
0x220: {  	[sflag:s20] =	ssyncset.done $0x0  }
0x221: {  	s23 =	simm.s32 $0x0;
	[sflag:s20] =	ssyncadd.s32 $0xFFFFC000  }
0x222: {  	s24 =	sand.u32 $0x3800, s23;
	s23 =	sand.u32 $0x380, s23;
	_ =	swait.ge [sflag:s20], $0x4000  }
0x223: {  	s24 =	sor.u32 s23, s24;
	[sflag:s20] =	ssyncset.done $0x0  }
0x224: {  	s23 =	sadd.s32 $0x10B00, s24;
	[sflag:s20] =	ssyncadd.s32 $0xFFFFC000  }
0x225: {  	v8 =	vld [tilespmem:s23+$0x4470]  }
0x226: {  	v13 =	vld [tilespmem:s23+$0x470]  }
0x227: {  	v14 =	vld [tilespmem:s23+$0x4460]  }
0x228: {  	v10 =	vld [tilespmem:s23+$0x420]  }
0x229: {  	v16 =	vld [tilespmem:s23+$0x460]  }
0x22a: {  	v4 =	vld [tilespmem:s23+$0x8070]  }
0x22b: {  	v3 =	vld [tilespmem:s23+$0x4450]  }
0x22c: {  	v20 =	vld [tilespmem:s23+$0x4440]  }
0x22d: {  	v15 =	vld [tilespmem:s23+$0x8060]  }
0x22e: {  	v18 =	vld [tilespmem:s23+$0x4400]  }
0x22f: {  	v21 =	vld [tilespmem:s23+$0x440]  }
0x230: {  	v17 =	vld [tilespmem:s24+$0x10B00]  }
0x231: {  	v12 =	vld [tilespmem:s23+$0x4430]  }
0x232: {  	v19 =	vld [tilespmem:s23+$0x4420]  }
0x233: {  	v22 =	vld [tilespmem:s23+$0x430]  }
0x234: {  	v5 =	vld [tilespmem:s23+$0x4070]  }
0x235: {  	v23 =	vld [tilespmem:s23+$0x8410]  }
0x236: {  	v24 =	vld [tilespmem:s23+$0x8420]  }
0x237: {  	v25 =	vld [tilespmem:s23+$0x4410]  }
0x238: {  	v26 =	vld [tilespmem:s23+$0x410]  }
0x239: {  	v27 =	vld [tilespmem:s23+$0x8460]  }
0x23a: {  	v28 =	vld [tilespmem:s23+$0x8470]  }
0x23b: {  	v9 =	vld [tilespmem:s23+$0x4050]  }
0x23c: {  	v7 =	vld [tilespmem:s23+$0x4010]  }
0x23d: {  	v29 =	vld [tilespmem:s23+$0x60]  }
0x23e: {  	v30 =	vld [tilespmem:s23+$0x4060]  }
0x23f: {  	v6 =	vld [tilespmem:s23+$0x8450]  }
0x240: {  	v11 =	vld [tilespmem:s23+$0x4020]  }
0x241: {  	v60 =	vld [tilespmem:s23+$0x4000]  }
0x242: {  	v31 =	vld [tilespmem:s23+$0x8430]  }
0x243: {  	v61 =	vld [tilespmem:s23+$0x40]  }
0x244: {  	v62 =	vld [tilespmem:s23+$0x8040];
	v25 =	vadd.f32 v25, v26  }
0x245: {  	v10 =	vadd.f32 v19, v10;
	v19 =	vld [tilespmem:s23+$0x8000];
	v22 =	vadd.f32 v12, v22  }
0x246: {  	v63 =	vld [tilespmem:s23+$0x8400];
	v17 =	vadd.f32 v60, v17;
	v23 =	vadd.f32 v23, v25  }
0x247: {  	v12 =	vld [tilespmem:s23+$0x8020];
	v14 =	vadd.f32 v14, v16;
	v22 =	vadd.f32 v31, v22  }
0x248: {  	v24 =	vadd.f32 v24, v10;
	v10 =	vld [tilespmem:s23+$0x4030];
	[tilespmem:s23+$0x410] =	vst v23;
	v23 =	vadd.f32 v30, v29  }
0x249: {  	v14 =	vadd.f32 v27, v14;
	[tilespmem:s23+$0x430] =	vst v22;
	v22 =	vld [tilespmem:s23+$0x4040]  }
0x24a: {  	v17 =	vadd.f32 v19, v17;
	v15 =	vadd.f32 v15, v23;
	v23 =	vld [tilespmem:s23+$0x400]  }
0x24b: {  	[tilespmem:s23+$0x460] =	vst v14;
	v14 =	vld [tilespmem:s23+$0x8030]  }
0x24c: {  	v8 =	vadd.f32 v8, v13;
	v19 =	vld [tilespmem:s23+$0x50];
	[tilespmem:s24+$0x10B00] =	vst v17  }
0x24d: {  	[tilespmem:s23+$0x60] =	vst v15;
	v15 =	vld [tilespmem:s23+$0x8050]  }
0x24e: {  	v16 =	vadd.f32 v28, v8;
	v13 =	vld [tilespmem:s23+$0x10]  }
0x24f: {  	v17 =	vld [tilespmem:s23+$0x20];
	v22 =	vadd.f32 v22, v61;
	v23 =	vadd.f32 v18, v23  }
0x250: {  	v8 =	vadd.f32 v20, v21;
	[tilespmem:s23+$0x420] =	vst v24;
	v18 =	vld [tilespmem:s23+$0x70]  }
0x251: {  	s25 =	simm.s32 $0x100;
	[tilespmem:s23+$0x470] =	vst v16;
	s24 =	simm.s32 $0x80;
	v16 =	vld [tilespmem:s23+$0x30];
	v20 =	vadd.f32 v62, v22;
	v21 =	vadd.f32 v63, v23  }
.LBB2_7:
0x252: {  	s28 =	smov.u32 s25  }
0x253: {  	s26 =	sand.u32 $0x3800, s25;
	s29 =	sand.u32 $0x380, s24;
	v9 =	vadd.f32 v9, v19;
	[tilespmem:s23+$0x400] =	vst v21;
	v19 =	vld [tilespmem:s23+$0x450];
	s28 =	sadd.s32 $0x100, s25  }
0x254: {  	p0 =	sne.s32 s25, $0x3F00;
	s26 =	sor.u32 s29, s26;
	v11 =	vadd.f32 v11, v17;
	v17 =	vld [tilespmem:s23+$0x8440]  }
0x255: {  	s25 =	sadd.s32 $0x10B00, s26;
	v9 =	vadd.f32 v15, v9;
	v5 =	vadd.f32 v5, v18;
	v21 =	vld [tilespmem:s23+$0x8010];
	[tilespmem:s23+$0x40] =	vst v20  }
0x256: {  	v11 =	vadd.f32 v12, v11;
	v15 =	vld [tilespmem:s25+$0x4470]  }
0x257: {  	v10 =	vadd.f32 v10, v16;
	v4 =	vadd.f32 v4, v5;
	v18 =	vld [tilespmem:s25+$0x470]  }
0x258: {  	v5 =	vadd.f32 v7, v13;
	v3 =	vadd.f32 v3, v19;
	v16 =	vld [tilespmem:s25+$0x4460];
	[tilespmem:s23+$0x50] =	vst v9  }
0x259: {  	v9 =	vadd.f32 v14, v10;
	v7 =	vld [tilespmem:s25+$0x420];
	[tilespmem:s23+$0x70] =	vst v4;
	v8 =	vadd.f32 v17, v8  }
0x25a: {  	v6 =	vadd.f32 v6, v3;
	v13 =	vld [tilespmem:s25+$0x460];
	[tilespmem:s23+$0x20] =	vst v11  }
0x25b: {  	v5 =	vadd.f32 v21, v5;
	v4 =	vld [tilespmem:s25+$0x8070];
	[tilespmem:s23+$0x440] =	vst v8  }
0x25c: {  	v3 =	vld [tilespmem:s25+$0x4450];
	[tilespmem:s23+$0x450] =	vst v6  }
0x25d: {  	v6 =	vld [tilespmem:s25+$0x4440];
	[tilespmem:s23+$0x10] =	vst v5  }
0x25e: {  	v14 =	vld [tilespmem:s25+$0x8060];
	[tilespmem:s23+$0x30] =	vst v9;
	s23 =	smov.u32 s25  }
0x25f: {  	v20 =	vld [tilespmem:s23+$0x4400]  }
0x260: {  	v8 =	vld [tilespmem:s23+$0x440]  }
0x261: {  	v17 =	vld [tilespmem:s26+$0x10B00]  }
0x262: {  	v10 =	vld [tilespmem:s23+$0x4430]  }
0x263: {  	v9 =	vld [tilespmem:s23+$0x4420]  }
0x264: {  	v12 =	vld [tilespmem:s23+$0x430]  }
0x265: {  	v5 =	vld [tilespmem:s23+$0x4070];
	v8 =	vadd.f32 v6, v8  }
0x266: {  	v6 =	vld [tilespmem:s23+$0x8410]  }
0x267: {  	v11 =	vld [tilespmem:s23+$0x8420]  }
0x268: {  	v19 =	vld [tilespmem:s23+$0x4410];
	v7 =	vadd.f32 v9, v7  }
0x269: {  	v21 =	vld [tilespmem:s23+$0x410]  }
0x26a: {  	v22 =	vld [tilespmem:s23+$0x8460]  }
0x26b: {  	v23 =	vld [tilespmem:s23+$0x8470]  }
0x26c: {  	v9 =	vld [tilespmem:s23+$0x4050];
	v11 =	vadd.f32 v11, v7  }
0x26d: {  	v7 =	vld [tilespmem:s23+$0x4010]  }
0x26e: {  	v24 =	vld [tilespmem:s23+$0x60];
	v19 =	vadd.f32 v19, v21;
	[tilespmem:s23+$0x420] =	vst v11  }
0x26f: {  	v21 =	vld [tilespmem:s23+$0x4060]  }
0x270: {  	v19 =	vadd.f32 v6, v19;
	v6 =	vld [tilespmem:s23+$0x8450]  }
0x271: {  	v11 =	vld [tilespmem:s23+$0x4020]  }
0x272: {  	[tilespmem:s23+$0x410] =	vst v19;
	v19 =	vadd.f32 v10, v12;
	v25 =	vld [tilespmem:s23+$0x8430]  }
0x273: {  	v26 =	vld [tilespmem:s23+$0x8000]  }
0x274: {  	v27 =	vld [tilespmem:s23+$0x4000];
	v21 =	vadd.f32 v21, v24  }
0x275: {  	v12 =	vld [tilespmem:s23+$0x8020]  }
0x276: {  	v10 =	vld [tilespmem:s23+$0x4030];
	v14 =	vadd.f32 v14, v21  }
0x277: {  	v21 =	vld [tilespmem:s23+$0x40];
	v19 =	vadd.f32 v25, v19  }
0x278: {  	v13 =	vadd.f32 v16, v13;
	v24 =	vld [tilespmem:s23+$0x8040];
	[tilespmem:s23+$0x60] =	vst v14  }
0x279: {  	v14 =	vadd.f32 v27, v17;
	v16 =	vld [tilespmem:s23+$0x4040];
	[tilespmem:s23+$0x430] =	vst v19  }
0x27a: {  	v13 =	vadd.f32 v22, v13;
	v17 =	vadd.f32 v15, v18;
	v25 =	vld [tilespmem:s23+$0x400]  }
0x27b: {  	v14 =	vadd.f32 v26, v14;
	v22 =	vld [tilespmem:s23+$0x8400]  }
0x27c: {  	v18 =	vadd.f32 v23, v17;
	v15 =	vld [tilespmem:s23+$0x8050];
	[tilespmem:s23+$0x460] =	vst v13  }
0x27d: {  	[tilespmem:s26+$0x10B00] =	vst v14;
	v19 =	vld [tilespmem:s23+$0x50]  }
.Ltmp2:
0x27e: {  	v13 =	vld [tilespmem:s23+$0x10];
	(pc) =	sbr.rel @p0 .LBB2_7-.Ltmp2, $4  }
0x27f: {  	v16 =	vadd.f32 v16, v21;
	v17 =	vld [tilespmem:s23+$0x20];
	v21 =	vadd.f32 v20, v25;
	[tilespmem:s23+$0x470] =	vst v18  }
0x280: {  	v18 =	vld [tilespmem:s23+$0x70]  }
0x281: {  	v20 =	vadd.f32 v24, v16;
	v14 =	vld [tilespmem:s23+$0x8030];
	v21 =	vadd.f32 v22, v21  }
0x282: {  	s24 =	sadd.s32 $0x80, s24;
	s25 =	smov.u32 s28;
	v16 =	vld [tilespmem:s23+$0x30]  }
0x283: {  	v22 =	vld [tilespmem:s23+$0x450]  }
0x284: {  	v9 =	vadd.f32 v9, v19;
	v57 =	vld [tilespmem:s23+$0x8440]  }
0x285: {  	v58 =	vld [tilespmem:s23+$0x8010];
	v11 =	vadd.f32 v11, v17  }
0x286: {  	[tilespmem:s23+$0x400] =	vst v21;
	v5 =	vadd.f32 v5, v18;
	v9 =	vadd.f32 v15, v9  }
0x287: {  	[tilespmem:s23+$0x40] =	vst v20;
	v59 =	vadd.f32 v12, v11  }
0x288: {  	v7 =	vadd.f32 v7, v13;
	v4 =	vadd.f32 v4, v5;
	[tilespmem:s23+$0x50] =	vst v9  }
0x289: {  	v61 =	vadd.f32 v10, v16;
	v60 =	vadd.f32 v57, v8;
	[tilespmem:s23+$0x20] =	vst v59  }
0x28a: {  	v3 =	vadd.f32 v3, v22;
	v62 =	vadd.f32 v58, v7;
	[tilespmem:s23+$0x70] =	vst v4  }
0x28b: {  	s22 =	sshll.u32 s22, $0xE;
	v63 =	vadd.f32 v14, v61;
	[tilespmem:s23+$0x440] =	vst v60  }
0x28c: {  	s21 =	sadd.s32 $0x1, s21;
	s22 =	sadd.s32 s10, s22;
	v3 =	vadd.f32 v6, v3;
	[tilespmem:s23+$0x10] =	vst v62  }
0x28d: {  	p0 =	sne.s32 s21, $0x32;
	s22 =	sshrl.u32 s22, $0x3;
	[tilespmem:s23+$0x30] =	vst v63  }
.Ltmp3:
0x28e: {  	s22 =	sadd.s32 s6, s22;
	[tilespmem:s23+$0x450] =	vst v3;
	(pc) =	sbr.rel @p0 .LBB2_2-.Ltmp3, $4  }
0x28f: {  	[hbm4b:s22+s5] =	stream.linear.scatter [tilespmem:s16], [sflag:$0x3], $0x4000, $0x38;
	[tilespmem:$0x1CB00] =	vst v63  }
0x290: {  	_ =	swait.ge [sflag:s12], $0x4000  }
0x291: {  	[sflag:s12] =	ssyncset.done $0x0  }
0x292: {  	[sflag:s12] =	ssyncadd.s32 $0xFFFFC000  }
0x293: {  	s22 =	rddreg [dreg:$0x9]  }
0x294: {  	s21 =	rddreg [dreg:$0x8];
	s22 =	sadd.s32 $0x1, s22  }
0x295: {  	p0 =	sne.s32 s22, s21  }
.Ltmp4:
0x296: {  	_ = 	snop;
	(pc) =	sbr.rel @p0 .LBB2_1-.Ltmp4, $1  }
0x297: {  	_ =	sdelay $0x3  }
0x298: {  	_ =	sfence.sel $0x180000  }
0x299: {  	[bflag:$0x0] =	sbarrier.arrive $0xFFFF  }
0x29a: {  	_ =	strace $0x90000047  }
0x29b: {  	s0 =	stileid.u32;
	[bflag:$0x2] =	sbarrier.arrive $0xFFFF  }
0x29c: {  	p0 =	sne.s32 s0, $0x0;
	s0 =	rddreg [dreg:$0x4]  }
0x29d: {  	s0 =	sadd.s32 @!p0 $0x100000, s0  }
0x29e: {  	[sflag:s0] =	ssyncadd.tile.s32 @!p0 $0x1;
	_ =	shalt  }
.Lfunc_end2:
_tile_overlayer_lowered:
.L_overlay_start_2:
0x29f: {  	(tag) =	ssettag $0x2  }
0x2a0: {  	s0 =	rddreg [dreg:$0x0];
	s2 =	stileid.u32  }
0x2a1: {  	s1 =	rddreg [dreg:$0x1];
	p0 =	sne.s32 s2, $0x0  }
0x2a2: {  	s3 =	rddreg [dreg:$0x2];
	[bflag:$0x3] =	sbarrier.arrive $0xFFFF;
	s2 =	simm.s32 @!p0 $0x1C03  }
0x2a3: {  	[timem:s3], [sflag:s2] =	dma.local @!p0 [hbm:s0], s1  }
0x2a4: {  	s0 =	simm.s32 @!p0 $0x3  }
0x2a5: {  	_ =	swait.ge @!p0 [sflag:s0], s1  }
0x2a6: {  	s1 =	ssub.s32 @!p0 $0x0, s1;
	[sflag:s0] =	ssyncset.done @!p0 $0x0  }
0x2a7: {  	[sflag:s0] =	ssyncadd.s32 @!p0 s1  }
0x2a8: {  	[bflag:$0x3] =	sbarrier.arrive $0xFFFF  }
0x2a9: {  	_ =	shalt  }

// kernel: sparse-core-data-format-call.cloned.1.call-start
scs
called_computation_lowered:
.L_overlay_start_0:
0x0: {  	s2 =	sld [smem:$0x3FD9]  }
0x1: {  	s3 =	sld [smem:$0x3FFE];
	_ =	sdelay $0x1  }
0x2: {  	s1 =	srdreg.scid  }
0x3: {  	s0 =	sand.u32 $0x1, s1  }
0x4: {  	s18 =	sshll.u32 s0, $0xA;
	s2 =	sadd.s32 s3, s2  }
0x5: {  	s2 =	sadd.s32 s2, s18  }
0x6: {  	[smem:$0x3FB9] =	sst s2  }
0x7: {  	_ = 	snop  }
0x8: {  	s2 =	sld [smem:$0x3FD0];
	(tm) =	ssettm $0x1  }
0x9: {  	s19 =	sld [smem:$0x3FFB];
	_ =	sdelay $0x3  }
0xa: {  	_ =	strace s19  }
0xb: {  	s3 =	sld [smem:$0x3FFC];
	_ =	sdelay $0x3  }
0xc: {  	_ =	strace s3  }
0xd: {  	s3 =	sld [smem:$0x3FFD];
	_ =	sdelay $0x3  }
0xe: {  	_ =	strace s3  }
0xf: {  	_ =	strace $0x8FFFFFFF  }
0x10: {  	s20 =	sld [smem:$0x3FDB];
	_ =	sdelay $0x1  }
0x11: {  	s4 =	simm.s32 $_scs_section_size  }
0x12: {  	s5 =	simm.s32 $_size__tile_overlayer_lowered;
	s6 =	simm.s32 $_tile_overlayer_lowered  }
0x13: {  	s23 =	simm.s32 $0x1BFF;
	s22 =	sshll.u32 s6, $0x1;
	s3 =	sadd.s32 s4, s20  }
0x14: {  	s7 =	simm.s32 $0x0;
	s21 =	sshll.u32 s5, $0x1;
	s5 =	sadd.s32 s22, s3  }
0x15: {  	[timem:s7], [sflag:s23] =	dma.local [hbm:s5], s21  }
0x16: {  	_ =	swait.ge [sflag:s23], s21  }
0x17: {  	s4 =	ssub.s32 $0x0, s21;
	[sflag:s23] =	ssyncset.done $0x0  }
0x18: {  	[sflag:s23] =	ssyncadd.s32 s4;
	_ =	sdelay $0x1  }
0x19: {  	s24 =	simm.s32 $0x1B8B  }
0x1a: {  	_ =	swait.ge [sflag:s24], $0x1  }
0x1b: {  	[sflag:s24] =	ssyncset.done $0x0  }
0x1c: {  	s26 =	simm.s32 $0x1B8E;
	s25 =	sld [smem:$0x3FFE];
	[sflag:s24] =	ssyncadd.s32 $0xFFFFFFFF  }
0x1d: {  	s27 =	simm.s32 $execute0_lowered;
	[smem:$0x3FD2] =	sst s26  }
0x1e: {  	s5 =	sshll.u32 s27, $0x1;
	_ =	strace $0x80000049;
	[dreg:$0x1] =	wrdreg $0xFFFFFFFF  }
0x1f: {  	s28 =	simm.s32 $_size_execute0_lowered;
	s3 =	sadd.s32 s3, s5;
	[dreg:$0x0] =	wrdreg $0x0  }
0x20: {  	s5 =	sshll.u32 s28, $0x1;
	[dreg:$0x2] =	wrdreg s3  }
0x21: {  	[dreg:$0x3] =	wrdreg s5  }
0x22: {  	[dreg:$0x4] =	wrdreg $0xC0  }
0x23: {  	_ =	task [dreg:s7], $0x5FFFF  }
0x24: {  	[dreg:$0x1] =	wrdreg $0xFFFFFFFF  }
0x25: {  	[dreg:$0x0] =	wrdreg $0x60  }
0x26: {  	[dreg:$0x2] =	wrdreg s25  }
0x27: {  	[dreg:$0x3] =	wrdreg s2  }
0x28: {  	[dreg:$0x4] =	wrdreg $0x9  }
0x29: {  	_ =	task.clear_ibuf [dreg:s7], $0x5FFFF;
	_ =	strace $0x90000049  }
0x2a: {  	s29 =	simm.s32 $0x9;
	_ =	strace $0x8000004B  }
0x2b: {  	_ =	swait.ge [sflag:s29], $0x1  }
0x2c: {  	[sflag:s29] =	ssyncadd.s32 $0xFFFFFFFF  }
0x2d: {  	_ =	strace $0x9000004B  }
0x2e: {  	_ =	sfence  }
0x2f: {  	s30 =	sld [smem:$0x0];
	_ =	sdelay $0x2  }
0x30: {  	s31 =	sshll.u32 s1, $0xD;
	s1 =	sshrl.u32 s1, $0x2  }
0x31: {  	s3 =	sand.u32 $0x4000, s31;
	s1 =	sadd.s32 s1, s30  }
0x32: {  	s0 =	sor.u32 s3, s0;
	s1 =	sshll.u32 s1, $0x11  }
0x33: {  	s0 =	sor.u32 s1, s0  }
0x34: {  	s0 =	sadd.s32 $0x8F2B, s0  }
0x35: {  	[sflag:s0] =	ssyncadd.remote.s32 $0x1  }
0x36: {  	_ =	sfence.sel $0xFFFF  }
0x37: {  	[dreg:$0x0] =	wrdreg $0xFFFFFFFF;
	(pc) =	sbr.abs _section_cstart, $3  }
0x38: {  	[dreg:$0x1] =	wrdreg $0xFFFFFFFF  }
0x39: {  	_ =	task.clear_ibuf [dreg:s7], $0x2FFFF;
	_ =	strace $0x9FFFFFFF  }
0x3a: {  	(tm) =	ssettm $0x7FFFFFFF  }
0x3b: {  	_ =	shalt  }
tec
execute0_lowered:
.L_overlay_start_1:
0x0: {  	(tag) =	ssettag $0x1  }
0x1: {  	s0 =	srdreg.scid  }
0x2: {  	s1 =	sshll.u32 s0, $0x4  }
0x3: {  	s6 =	rddreg [dreg:$0x0];
	s0 =	stileid.u32;
	s1 =	sand.u32 $0x10, s1  }
0x4: {  	s3 =	rddreg [dreg:$0x1];
	s1 =	sor.u32 s0, s1  }
0x5: {  	s5 =	simm.s32 $0x1;
	s31 =	simm.s32 $0x2;
	s2 =	sshll.u32 s1, $0x7  }
0x6: {  	s14 =	simm.s32 $0x0;
	s8 =	simm.s32 $0x800;
	s4 =	ssub.s32 $0x1000, s2  }
0x7: {  	s9 =	simm.s32 $0x0;
	s15 =	simm.s32 $0x0;
	s30 =	sand.u32 $0xF80, s4  }
0x8: {  	s16 =	simm.s32 $0x0;
	s10 =	simm.s32 $0x0;
	p0 =	sne.s32 s30, $0x0  }
.Ltmp0:
0x9: {  	s7 =	sshrl.u32 s4, $0xC;
	s5 =	simm.s32 @!p0 $0x0;
	(pc) =	sbr.rel .LBB1_1-.Ltmp0, $4  }
0xa: {  	s11 =	simm.s32 $0x0;
	s1 =	rddreg [dreg:$0x2];
	s5 =	sadd.s32 s5, s7  }
0xb: {  	_ =	strace $0x8000004A;
	s4 =	simm.s32 $0x1;
	s5 =	smul.u32 $0x64, s5  }
0xc: {  	s13 =	simm.s32 $0x0;
	s6 =	sadd.s32 $0x1A00, s6;
	[sflag:s4] =	ssyncpa.u1 $0x0  }
0xd: {  	s12 =	smov.u32 s2;
	[sflag:s31] =	ssyncpa.u1 $0x0;
	s7 =	sor.u32 $0x1, s5  }
.LBB1_4:
0xe: {  	_ =	sdelay $0x3  }
0xf: {  	[tilespmem:v0+s19+$0xFFFFFFD0 ss:$0x1] =	vst.idx.msk $0xffff, v6  }
0x10: {  	v56 =	vld.idx.msk [tilespmem:v1+s18+$0x0 ss:$0x1], $0xffff;
	[tilespmem:v0+s19+$0xFFFFFFE0 ss:$0x1] =	vst.idx.msk $0xffff, v4  }
0x11: {  	v57 =	vld.idx.msk [tilespmem:v1+s18+$0xFFFFFF90 ss:$0x1], $0xffff;
	[tilespmem:v0+s19+$0xFFFFFFF0 ss:$0x1] =	vst.idx.msk $0xffff, v2  }
0x12: {  	v58 =	vld.idx.msk [tilespmem:v1+s18+$0xFFFFFFA0 ss:$0x1], $0xffff;
	[tilespmem:v0+s19+$0x0 ss:$0x1] =	vst.idx.msk $0xffff, v3  }
0x13: {  	v59 =	vld.idx.msk [tilespmem:v1+s18+$0xFFFFFFB0 ss:$0x1], $0xffff;
	[tilespmem:v0+s19+$0x10 ss:$0x1] =	vst.idx.msk $0xffff, v5  }
0x14: {  	v60 =	vld.idx.msk [tilespmem:v1+s18+$0xFFFFFFC0 ss:$0x1], $0xffff;
	[tilespmem:v0+s19+$0x20 ss:$0x1] =	vst.idx.msk $0xffff, v7  }
0x15: {  	v61 =	vld.idx.msk [tilespmem:v1+s18+$0xFFFFFFD0 ss:$0x1], $0xffff;
	s27 =	sshll.u32 s16, $0x8;
	[tilespmem:v0+s18+$0x30 ss:$0x1] =	vst.idx.msk $0xffff, v56  }
0x16: {  	s20 =	sshll.u32 s14, $0x3;
	v62 =	vld.idx.msk [tilespmem:v1+s18+$0xFFFFFFE0 ss:$0x1], $0xffff;
	s28 =	sshll.u32 s16, $0x7;
	s30 =	sand.u32 $0x78, s14;
	[tilespmem:v0+s18+$0xFFFFFFC0 ss:$0x1] =	vst.idx.msk $0xffff, v57  }
0x17: {  	v63 =	vld.idx.msk [tilespmem:v1+s18+$0xFFFFFFF0 ss:$0x1], $0xffff;
	s15 =	sshll.u32 s15, $0x11;
	s19 =	sand.u32 $0xFF800, s27;
	s20 =	sand.u32 $0xFFC00, s20;
	[tilespmem:v0+s18+$0xFFFFFFD0 ss:$0x1] =	vst.idx.msk $0xffff, v58  }
0x18: {  	s29 =	sand.u32 $0x300, s28;
	s16 =	sand.u32 $0x80, s28;
	s19 =	sadd.s32 s19, s20;
	[tilespmem:v0+s18+$0xFFFFFFE0 ss:$0x1] =	vst.idx.msk $0xffff, v59  }
0x19: {  	s31 =	sand.u32 $0x7, s14;
	s16 =	sor.u32 s16, s30;
	s19 =	sor.u32 s29, s19;
	[tilespmem:v0+s18+$0xFFFFFFF0 ss:$0x1] =	vst.idx.msk $0xffff, v60  }
0x1a: {  	s15 =	sadd.s32 s3, s15;
	s16 =	sshrl.u32 s16, $0x3;
	s19 =	sshrl.u32 s19, $0x3;
	[tilespmem:v0+s18+$0x0 ss:$0x1] =	vst.idx.msk $0xffff, v61  }
0x1b: {  	s14 =	sshll.u32 s31, $0x12;
	s15 =	sadd.s32 s16, s15;
	[tilespmem:v0+s18+$0x10 ss:$0x1] =	vst.idx.msk $0xffff, v62;
	s19 =	sand.u32 $0x1FFE0, s19  }
0x1c: {  	s14 =	sor.u32 $0x400, s14;
	[tilespmem:v0+s18+$0x20 ss:$0x1] =	vst.idx.msk $0xffff, v63;
	s15 =	sadd.s32 s19, s15  }
0x1d: {  	[hbm4b:s15+s14] =	stream.strided.scatter [tilespmem:s17], [sflag:$0x2], $0x4000, s8, s14, $0x38;
	[tilespmem:$0x10000] =	vst v63  }
.LBB1_5:
0x1e: {  	s17 =	sadd.s32 $0x80, s10  }
0x1f: {  	s14 =	simm.s32 $0x1;
	p1 =	sgt.s32 s17, $0xFF  }
0x20: {  	s14 =	simm.s32 @!p1 $0x0  }
0x21: {  	s18 =	sadd.s32 s14, s11  }
0x22: {  	s20 =	smov.u32 s12;
	s14 =	sadd.s32 $0x1000, s12;
	p2 =	sgt.s32 s18, $0x31  }
0x23: {  	s20 =	smov.u32 @p2 s14  }
0x24: {  	p0 =	slt.u32 s13, $0x2;
	s17 =	simm.s32 @p1 $0x0;
	p1 =	sgt.s32 s20, $0xFFF  }
0x25: {  	s19 =	simm.s32 @!p0 $0x2;
	s20 =	smov.u32 @p1 s2;
	p1 =	sne.s32 s13, s7  }
.Ltmp1:
0x26: {  	_ =	swait.ge @!p0 [sflag:s19], $0x4000;
	(pc) =	sbr.rel @!p1 .LBB1_6-.Ltmp1, $4  }
0x27: {  	s15 =	smov.u32 s11;
	[sflag:s19] =	ssyncset.done @!p0 $0x0  }
0x28: {  	s16 =	smov.u32 s12;
	s9 =	sadd.s32 $0x4000, s9;
	[sflag:s19] =	ssyncadd.s32 @!p0 $0xFFFFC000  }
0x29: {  	s18 =	simm.s32 @p2 $0x0;
	s14 =	smov.u32 s10;
	s10 =	smov.u32 s17  }
0x2a: {  	s11 =	smov.u32 s18;
	s13 =	sadd.s32 $0x1, s13;
	s12 =	smov.u32 s20  }
.LBB1_1:
0x2b: {  	p0 =	sge.u32 s13, s5  }
0x2c: {  	s17 =	sshll.u32 @!p0 s11, $0x8;
	s18 =	sshll.u32 @!p0 s10, $0x3  }
0x2d: {  	s19 =	sshll.u32 @!p0 s11, $0x7;
	s17 =	sand.u32 @!p0 $0xFFFFF800, s17;
	s18 =	sand.u32 @!p0 $0xFFFFFC00, s18  }
0x2e: {  	s17 =	sadd.s32 @!p0 s17, s18;
	s18 =	sand.u32 @!p0 $0x300, s19  }
0x2f: {  	s17 =	sor.u32 @!p0 s18, s17  }
0x30: {  	s17 =	sshrl.u32 @!p0 s17, $0x8  }
0x31: {  	s31 =	sadd.s32 $0xFFFFFFFF, s13;
	s18 =	smulhi.u32 @!p0 $0x4924925, s17  }
0x32: {  	s20 =	sxor.u32 @!p0 $0xFFFFFFFF, s13;
	s21 =	sand.u32 @!p0 $0x78, s10;
	s22 =	smul.u32 @!p0 $0x700, s12  }
0x33: {  	s20 =	sshll.u32 @!p0 s20, $0xE;
	s19 =	sand.u32 @!p0 $0x80, s19;
	s18 =	smul.u32 @!p0 $0x38, s18  }
0x34: {  	s20 =	sand.u32 @!p0 $0x4000, s20;
	s19 =	sor.u32 @!p0 s21, s19;
	s21 =	sand.u32 @!p0 $0x7, s10  }
0x35: {  	s17 =	ssub.s32 @!p0 s17, s18;
	s18 =	sshrl.u32 @!p0 s19, $0x3;
	s19 =	sadd.s32 @!p0 s6, s22  }
0x36: {  	s17 =	sshll.u32 @!p0 s17, $0x5;
	s18 =	sadd.s32 @!p0 s18, s19;
	s19 =	sshll.u32 @!p0 s21, $0x12  }
0x37: {  	s17 =	sadd.s32 @!p0 s17, s18;
	s18 =	sor.u32 @!p0 $0x80, s19;
	s19 =	simm.s32 @!p0 $0x3800  }
0x38: {  	[tilespmem:s20], [sflag:$0x1] =	stream.strided.gather @!p0 [hbm4b:s17+s18], $0x4000, s19, s18, $0x38;
	[tilespmem:$0x10000] =	vst v63  }
0x39: {  	p0 =	sge.u32 s31, s5  }
.Ltmp2:
0x3a: {  	_ = 	snop;
	(pc) =	sbr.rel @p0 .LBB1_5-.Ltmp2, $1  }
0x3b: {  	_ =	sdelay $0x3  }
0x3c: {  	s17 =	sand.u32 $0x4000, s9  }
0x3d: {  	s18 =	sor.u32 $0x70, s17  }
0x3e: {  	v1 =	vmov s18;
	_ =	sdelay $0x1  }
0x3f: {  	_ =	swait.ge [sflag:s4], $0x4000  }
0x40: {  	[sflag:s4] =	ssyncset.done $0x0  }
0x41: {  	s19 =	simm.s32 $0x0;
	[sflag:s4] =	ssyncadd.s32 $0xFFFFC000  }
0x42: {  	s17 =	sor.u32 $0x8040, s17;
	v7 =	vld.idx.msk [tilespmem:v1+s19+$0x0 ss:$0x1], $0xffff  }
0x43: {  	v0 =	vmov s17;
	v8 =	vld.idx.msk [tilespmem:v1+s19+$0xFFFFFF90 ss:$0x1], $0xffff  }
0x44: {  	v6 =	vld.idx.msk [tilespmem:v1+s19+$0xFFFFFFA0 ss:$0x1], $0xffff  }
0x45: {  	v4 =	vld.idx.msk [tilespmem:v1+s19+$0xFFFFFFB0 ss:$0x1], $0xffff  }
0x46: {  	v2 =	vld.idx.msk [tilespmem:v1+s19+$0xFFFFFFC0 ss:$0x1], $0xffff  }
0x47: {  	s31 =	sshll.u32 s13, $0xE;
	v3 =	vld.idx.msk [tilespmem:v1+s19+$0xFFFFFFD0 ss:$0x1], $0xffff  }
0x48: {  	s17 =	sand.u32 $0x4000, s31;
	v5 =	vld.idx.msk [tilespmem:v1+s19+$0xFFFFFFE0 ss:$0x1], $0xffff;
	[tilespmem:v0+s19+$0x30 ss:$0x1] =	vst.idx.msk $0xffff, v7  }
0x49: {  	s20 =	simm.s32 $0x400;
	s18 =	simm.s32 $0x80;
	s17 =	sor.u32 $0x8000, s17;
	[tilespmem:v0+s19+$0xFFFFFFC0 ss:$0x1] =	vst.idx.msk $0xffff, v8;
	v7 =	vld.idx.msk [tilespmem:v1+s19+$0xFFFFFFF0 ss:$0x1], $0xffff  }
.LBB1_3:
0x4a: {  	p0 =	sne.s32 s20, $0xFE00;
	v8 =	vld.idx.msk [tilespmem:v1+s18+$0x0 ss:$0x1], $0xffff;
	[tilespmem:v0+s19+$0xFFFFFFD0 ss:$0x1] =	vst.idx.msk $0xffff, v6  }
0x4b: {  	v9 =	vld.idx.msk [tilespmem:v1+s18+$0xFFFFFF90 ss:$0x1], $0xffff;
	[tilespmem:v0+s19+$0xFFFFFFE0 ss:$0x1] =	vst.idx.msk $0xffff, v4  }
0x4c: {  	v6 =	vld.idx.msk [tilespmem:v1+s18+$0xFFFFFFA0 ss:$0x1], $0xffff;
	[tilespmem:v0+s19+$0xFFFFFFF0 ss:$0x1] =	vst.idx.msk $0xffff, v2  }
.Ltmp3:
0x4d: {  	v4 =	vld.idx.msk [tilespmem:v1+s18+$0xFFFFFFB0 ss:$0x1], $0xffff;
	[tilespmem:v0+s19+$0x0 ss:$0x1] =	vst.idx.msk $0xffff, v3;
	(pc) =	sbr.rel @p0 .LBB1_3-.Ltmp3, $4  }
0x4e: {  	v2 =	vld.idx.msk [tilespmem:v1+s18+$0xFFFFFFC0 ss:$0x1], $0xffff;
	[tilespmem:v0+s19+$0x10 ss:$0x1] =	vst.idx.msk $0xffff, v5  }
0x4f: {  	v3 =	vld.idx.msk [tilespmem:v1+s18+$0xFFFFFFD0 ss:$0x1], $0xffff;
	[tilespmem:v0+s19+$0x20 ss:$0x1] =	vst.idx.msk $0xffff, v7;
	s19 =	smov.u32 s18  }
0x50: {  	v5 =	vld.idx.msk [tilespmem:v1+s19+$0xFFFFFFE0 ss:$0x1], $0xffff;
	[tilespmem:v0+s19+$0x30 ss:$0x1] =	vst.idx.msk $0xffff, v8  }
0x51: {  	s18 =	sshra.s32 s20, $0x2;
	s20 =	sadd.s32 $0x200, s20;
	[tilespmem:v0+s19+$0xFFFFFFC0 ss:$0x1] =	vst.idx.msk $0xffff, v9;
	v7 =	vld.idx.msk [tilespmem:v1+s19+$0xFFFFFFF0 ss:$0x1], $0xffff  }
.Ltmp4:
0x52: {  	_ = 	snop;
	(pc) =	sbr.rel .LBB1_4-.Ltmp4, $1  }
0x53: {  	_ =	sdelay $0x3  }
.LBB1_6:
0x54: {  	_ =	sfence.sel $0x180000  }
0x55: {  	s2 =	simm.s32 $0x1;
	[bflag:$0x0] =	sbarrier.arrive $0xFFFF  }
0x56: {  	s31 =	simm.s32 $0x2;
	[sflag:s2] =	ssyncpa.u1 $0x1  }
0x57: {  	[sflag:s31] =	ssyncpa.u1 $0x1  }
0x58: {  	p0 =	sne.s32 s0, $0x0;
	_ =	strace $0x9000004A  }
0x59: {  	s0 =	sadd.s32 @!p0 $0x100000, s1;
	[bflag:$0x2] =	sbarrier.arrive $0xFFFF  }
0x5a: {  	[sflag:s0] =	ssyncadd.tile.s32 @!p0 $0x1;
	_ =	shalt  }
.Lfunc_end1:
_tile_overlayer_lowered:
.L_overlay_start_2:
0x5b: {  	(tag) =	ssettag $0x2  }
0x5c: {  	s0 =	rddreg [dreg:$0x0];
	s2 =	stileid.u32  }
0x5d: {  	s1 =	rddreg [dreg:$0x1];
	p0 =	sne.s32 s2, $0x0  }
0x5e: {  	s3 =	rddreg [dreg:$0x2];
	[bflag:$0x3] =	sbarrier.arrive $0xFFFF;
	s2 =	simm.s32 @!p0 $0x1C01  }
0x5f: {  	[timem:s3], [sflag:s2] =	dma.local @!p0 [hbm:s0], s1  }
0x60: {  	s0 =	simm.s32 @!p0 $0x1  }
0x61: {  	_ =	swait.ge @!p0 [sflag:s0], s1  }
0x62: {  	s1 =	ssub.s32 @!p0 $0x0, s1;
	[sflag:s0] =	ssyncset.done @!p0 $0x0  }
0x63: {  	[sflag:s0] =	ssyncadd.s32 @!p0 s1  }
0x64: {  	[bflag:$0x3] =	sbarrier.arrive $0xFFFF  }
0x65: {  	_ =	shalt  }

</sc_bundles>
